<compile_context>
chip_gen: v7x
topology: tpu7x:2x2x1
jax: 0.10.2.dev20260603
libtpu: 0.0.44.dev20260713+nightly
codegen_flags: <defaults>
</compile_context>

<pallas_src>
import functools

import jax
import jax.numpy as jnp
from jax import lax
from jax.experimental import pallas as pl
from jax.experimental.pallas import tpu as pltpu
from jax.experimental.pallas import tpu_sc as plsc

F32 = jnp.float32
D = 128
N_NODES = 10000
E_EDGES = 320000
LN_EPS = 1e-5

NB = 2000
E_PAD = 327680
EB = 2048
GRID_E = E_PAD // EB
OB = EB // 128

NWORK = 32
EPW = E_PAD // NWORK
GCH = 80
NCH = EPW // GCH

SM_W = 128
SM_ROWS = E_PAD // SM_W
SM_NW = 16
SM_RPT = SM_ROWS // SM_NW
NSEG = 10240


def _leaky(x):
    return jnp.where(x >= 0, x, 0.2 * x)


def _ln(x, g, b):
    mu = jnp.mean(x, axis=1, keepdims=True)
    xc = x - mu
    var = jnp.mean(xc * xc, axis=1, keepdims=True)
    return xc / jnp.sqrt(var + LN_EPS) * g + b



def _rnd16(x):
    b = lax.bitcast_convert_type(x, jnp.int32)
    r = b + jnp.int32(0x7FFF) + (lax.shift_right_logical(b, jnp.int32(16))
                                 & jnp.int32(1))
    return lax.shift_right_logical(r, jnp.int32(16))


def _pack2(x_lo, x_hi):
    return _rnd16(x_lo) | lax.shift_left(_rnd16(x_hi), jnp.int32(16))


def _unpack_lo(p):
    return lax.bitcast_convert_type(lax.shift_left(p, jnp.int32(16)), F32)


def _unpack_hi(p):
    return lax.bitcast_convert_type(p & jnp.int32(-65536), F32)


def _unpack_cat(p):
    return jnp.concatenate([_unpack_lo(p), _unpack_hi(p)], axis=1)


def _pre_body(x_ref, wT_ref, b_ref, wff0T_ref, wq1T_ref, bff0_ref, bq1_ref,
              q0_ref, ta_ref, wfoldT_ref, bfold_ref):
    xb = x_ref[...]

    def proj(j):
        return jnp.dot(xb, wT_ref[j], preferred_element_type=F32) + b_ref[j:j + 1]

    q0_ref[...] = proj(0)
    ta_ref[:, :D] = _pack2(proj(1), proj(2))
    ta_ref[:, D:] = _pack2(proj(3), proj(4))

    @pl.when(pl.program_id(0) == 0)
    def _():
        wfoldT_ref[...] = jnp.dot(wff0T_ref[...], wq1T_ref[...],
                                  preferred_element_type=F32)
        bfold_ref[...] = (jnp.dot(bff0_ref[...], wq1T_ref[...],
                                  preferred_element_type=F32) + bq1_ref[...])


def _col_to_rows(a):
    return jnp.sum(a.reshape(OB, 128, D), axis=2)


def _rows_to_col(w):
    return jnp.broadcast_to(w[:, :, None], (OB, 128, D)).reshape(EB, D)


def _alpha_body(qd_ref, g1_ref, alpha_ref):
    k0 = _unpack_lo(g1_ref[...])
    alpha_ref[...] = _col_to_rows(qd_ref[...] * k0)


def _pass1_body(qd_ref, g1_ref, g2_ref, w_ref, gag_ref, gab_ref,
                wfoldT_ref, bfold_ref, q1_ref, alpha_ref):
    v0 = _unpack_hi(g1_ref[...])
    attn = qd_ref[...] + _rows_to_col(w_ref[...]) * v0
    h = _ln(attn, gag_ref[...], gab_ref[...])
    q1 = (jnp.dot(h.astype(jnp.bfloat16), wfoldT_ref[...].astype(jnp.bfloat16),
                  preferred_element_type=F32) + bfold_ref[...])
    q1_ref[...] = q1
    k1 = _unpack_lo(g2_ref[...])
    alpha_ref[...] = _col_to_rows(q1 * k1)


def _pass2_body(q1_ref, vs_ref, w_ref, gag_ref, gab_ref, wffT_ref, bff_ref,
                gfg_ref, gfb_ref, w1T_ref, b1_ref, w4T_ref, b4_ref,
                w5T_ref, b5_ref, fng_ref, fnb_ref, wvec_ref, bvec_ref,
                out_ref):
    bf16 = jnp.bfloat16
    attn = q1_ref[...] + _rows_to_col(w_ref[...]) * _unpack_hi(vs_ref[...])
    h = _ln(attn, gag_ref[...], gab_ref[...])
    t = (jnp.dot(h.astype(bf16), wffT_ref[...].astype(bf16),
                 preferred_element_type=F32) + bff_ref[...])
    g = _ln(_leaky(t), gfg_ref[...], gfb_ref[...])
    a = _leaky(jnp.dot(g.astype(bf16), w1T_ref[...].astype(bf16),
                       preferred_element_type=F32) + b1_ref[...])
    a = _leaky(jnp.dot(a.astype(bf16), w4T_ref[...].astype(bf16),
                       preferred_element_type=F32) + b4_ref[...])
    a = (jnp.dot(a.astype(bf16), w5T_ref[...].astype(bf16),
                 preferred_element_type=F32) + b5_ref[...] + g)
    u = _ln(a, fng_ref[...], fnb_ref[...])
    out_ref[...] = _col_to_rows(u * wvec_ref[...]) + bvec_ref[...]



def _gather_body(ta_hbm, q0_hbm, src_hbm, dst_hbm,
                 g12_hbm, qd_hbm,
                 idx_s, idx_d, rows_a, rows_q, sem):
    wid = lax.axis_index("s") * 2 + lax.axis_index("c")
    base = wid * EPW

    def step(c, carry):
        off = base + c * GCH
        pltpu.sync_copy(src_hbm.at[pl.ds(off, GCH)], idx_s)
        pltpu.sync_copy(dst_hbm.at[pl.ds(off, GCH)], idx_d)
        cp1 = pltpu.async_copy(ta_hbm.at[idx_s], rows_a, sem)
        cp2 = pltpu.async_copy(q0_hbm.at[idx_d], rows_q, sem)
        cp1.wait()
        cp2.wait()
        pltpu.sync_copy(rows_a, g12_hbm.at[pl.ds(off, GCH)])
        pltpu.sync_copy(rows_q, qd_hbm.at[pl.ds(off, GCH)])
        return carry

    lax.fori_loop(0, NCH, step, 0)


def _softmax_body(alpha_hbm, dst_hbm, w_hbm,
                  al_v, dst_v, s_loc, zb, mxv, mx_all, s_sh, sem):
    cid = lax.axis_index("c")

    @pl.when(cid == 0)
    def _core0():
        _softmax_work(alpha_hbm, dst_hbm, w_hbm,
                      al_v, dst_v, s_loc, zb, mxv, mx_all, s_sh, sem)


def _softmax_work(alpha_hbm, dst_hbm, w_hbm,
                  al_v, dst_v, s_loc, zb, mxv, mx_all, s_sh, sem):
    sid = lax.axis_index("s")
    rbase = sid * SM_RPT
    pltpu.sync_copy(alpha_hbm.at[pl.ds(rbase, SM_RPT)], al_v)
    pltpu.sync_copy(dst_hbm.at[pl.ds(rbase, SM_RPT)], dst_v)

    def zstep(i, c):
        zb[pl.ds(i * 16, 16)] = jnp.zeros((16,), F32)
        return c
    lax.fori_loop(0, 40, zstep, 0)
    pltpu.sync_copy(zb, s_sh.at[pl.ds(sid * 640, 640)])

    def mstep(r, m):
        for k in range(SM_W // 16):
            m = jnp.maximum(m, al_v[r, pl.ds(k * 16, 16)])
        return m
    mvec = lax.fori_loop(0, SM_RPT, mstep, jnp.full((16,), -1e30, F32))
    lanes = lax.iota(jnp.int32, 16)
    dnums = lax.GatherDimensionNumbers(
        offset_dims=(), collapsed_slice_dims=(0,), start_index_map=(0,))
    for sh in (8, 4, 2, 1):
        perm = lax.gather(mvec, (lanes ^ sh)[:, None], dnums, (1,),
                          mode=lax.GatherScatterMode.PROMISE_IN_BOUNDS)
        mvec = jnp.maximum(mvec, perm)
    mxv[...] = mvec
    pltpu.sync_copy(mxv, s_sh.at[pl.ds(NSEG + sid * 16, 16)])
    plsc.subcore_barrier()

    pltpu.sync_copy(s_sh.at[pl.ds(NSEG, 16 * SM_NW)], mx_all)

    def rstep(i, m):
        return jnp.maximum(m, mx_all[pl.ds(i * 16, 16)])
    cvec = lax.fori_loop(0, SM_NW, rstep, jnp.full((16,), -1e30, F32))

    def pstep(r, c):
        for k in range(SM_W // 16):
            a = al_v[r, pl.ds(k * 16, 16)]
            al_v[r, pl.ds(k * 16, 16)] = jnp.exp(a - cvec)
        return c
    lax.fori_loop(0, SM_RPT, pstep, 0)

    def sstep(r, c):
        pltpu.sync_copy(al_v.at[r], s_sh.at[dst_v.at[r]], add=True)
        return c
    lax.fori_loop(0, SM_RPT, sstep, 0)
    plsc.subcore_barrier()

    pltpu.sync_copy(s_sh.at[pl.ds(0, NSEG)], s_loc)

    def wstep(r, c):
        for k in range(SM_W // 16):
            dd = dst_v[r, pl.ds(k * 16, 16)]
            sv = plsc.load_gather(s_loc, [dd])
            p = al_v[r, pl.ds(k * 16, 16)]
            al_v[r, pl.ds(k * 16, 16)] = p / (sv + 1e-16)
        return c
    lax.fori_loop(0, SM_RPT, wstep, 0)
    pltpu.sync_copy(al_v, w_hbm.at[pl.ds(rbase, SM_RPT)])



def _sc_gather(ta, q0, src, dst):
    mesh = plsc.VectorSubcoreMesh(core_axis_name="c", subcore_axis_name="s",
                                  num_cores=2, num_subcores=16)
    f = pl.kernel(
        _gather_body,
        out_type=[jax.ShapeDtypeStruct((E_PAD, 2 * D), jnp.int32),
                  jax.ShapeDtypeStruct((E_PAD, D), F32)],
        mesh=mesh,
        scratch_types=[pltpu.VMEM((GCH,), jnp.int32),
                       pltpu.VMEM((GCH,), jnp.int32),
                       pltpu.VMEM((GCH, 2 * D), jnp.int32),
                       pltpu.VMEM((GCH, D), F32),
                       pltpu.SemaphoreType.DMA],
        compiler_params=pltpu.CompilerParams(needs_layout_passes=False),
    )
    return f(ta, q0, src, dst)


def _sc_softmax(alpha2d, dst2d):
    mesh = plsc.VectorSubcoreMesh(core_axis_name="c", subcore_axis_name="s",
                                  num_cores=2, num_subcores=16)
    f = pl.kernel(
        _softmax_body,
        out_type=jax.ShapeDtypeStruct((SM_ROWS, SM_W), F32),
        mesh=mesh,
        scratch_types=[pltpu.VMEM((SM_RPT, SM_W), F32),
                       pltpu.VMEM((SM_RPT, SM_W), jnp.int32),
                       pltpu.VMEM((NSEG,), F32),
                       pltpu.VMEM((640,), F32),
                       pltpu.VMEM((16,), F32),
                       pltpu.VMEM((16 * SM_NW,), F32),
                       pltpu.VMEM_SHARED((NSEG + 16 * SM_NW,), F32),
                       pltpu.SemaphoreType.DMA],
        compiler_params=pltpu.CompilerParams(needs_layout_passes=False),
    )
    return f(alpha2d, dst2d)



def _tc_pre(x, wT, b, wff0T, wq1T, bff0, bq1):
    full = lambda *dims: pl.BlockSpec(dims, lambda i: (0,) * len(dims))
    return pl.pallas_call(
        _pre_body,
        grid=(N_NODES // NB,),
        in_specs=[
            pl.BlockSpec((NB, D), lambda i: (i, 0)),
            full(5, D, D), full(5, D), full(D, D), full(D, D),
            full(1, D), full(1, D),
        ],
        out_specs=[
            pl.BlockSpec((NB, D), lambda i: (i, 0)),
            pl.BlockSpec((NB, 2 * D), lambda i: (i, 0)),
            full(D, D), full(1, D),
        ],
        out_shape=[
            jax.ShapeDtypeStruct((N_NODES, D), F32),
            jax.ShapeDtypeStruct((N_NODES, 2 * D), jnp.int32),
            jax.ShapeDtypeStruct((D, D), F32),
            jax.ShapeDtypeStruct((1, D), F32),
        ],
    )(x, wT, b, wff0T, wq1T, bff0, bq1)


def _tc_alpha(qd, g12):
    return pl.pallas_call(
        _alpha_body,
        grid=(GRID_E,),
        in_specs=[
            pl.BlockSpec((EB, D), lambda i: (i, 0)),
            pl.BlockSpec((EB, D), lambda i: (i, 0)),
        ],
        out_specs=pl.BlockSpec((OB, 128), lambda i: (i, 0)),
        out_shape=jax.ShapeDtypeStruct((SM_ROWS, SM_W), F32),
        compiler_params=pltpu.CompilerParams(
            dimension_semantics=("parallel",)),
    )(qd, g12)


def _tc_pass1(qd, g12, w0, gag, gab, wfoldT, bfold):
    full = lambda *dims: pl.BlockSpec(dims, lambda i: (0,) * len(dims))
    return pl.pallas_call(
        _pass1_body,
        grid=(GRID_E,),
        in_specs=[
            pl.BlockSpec((EB, D), lambda i: (i, 0)),
            pl.BlockSpec((EB, D), lambda i: (i, 0)),
            pl.BlockSpec((EB, D), lambda i: (i, 1)),
            pl.BlockSpec((OB, 128), lambda i: (i, 0)),
            full(1, D), full(1, D), full(D, D), full(1, D),
        ],
        out_specs=[
            pl.BlockSpec((EB, D), lambda i: (i, 0)),
            pl.BlockSpec((OB, 128), lambda i: (i, 0)),
        ],
        out_shape=[
            jax.ShapeDtypeStruct((E_PAD, D), F32),
            jax.ShapeDtypeStruct((SM_ROWS, SM_W), F32),
        ],
        compiler_params=pltpu.CompilerParams(
            dimension_semantics=("parallel",)),
    )(qd, g12, g12, w0, gag, gab, wfoldT, bfold)


def _tc_pass2(q1, g12, w1, gag, gab, wffT, bff, gfg, gfb,
              w1T, b1, w4T, b4, w5T, b5, fng, fnb, wvec, bvec):
    full = lambda *dims: pl.BlockSpec(dims, lambda i: (0,) * len(dims))
    return pl.pallas_call(
        _pass2_body,
        grid=(GRID_E,),
        in_specs=[
            pl.BlockSpec((EB, D), lambda i: (i, 0)),
            pl.BlockSpec((EB, D), lambda i: (i, 1)),
            pl.BlockSpec((OB, 128), lambda i: (i, 0)),
            full(1, D), full(1, D), full(D, D), full(1, D),
            full(1, D), full(1, D),
            full(D, 3 * D), full(1, 3 * D),
            full(3 * D, 3 * D), full(1, 3 * D),
            full(3 * D, D), full(1, D),
            full(1, D), full(1, D), full(1, D), full(1, 1),
        ],
        out_specs=pl.BlockSpec((OB, 128), lambda i: (i, 0)),
        out_shape=jax.ShapeDtypeStruct((SM_ROWS, SM_W), F32),
        compiler_params=pltpu.CompilerParams(
            dimension_semantics=("parallel",)),
    )(q1, g12, w1, gag, gab, wffT, bff, gfg, gfb,
      w1T, b1, w4T, b4, w5T, b5, fng, fnb, wvec, bvec)



def kernel(x, edge_index, Wq, bq, Wk, bk, Wv, bv, Wff, bff, ga_g, ga_b,
           gf_g, gf_b, W1, b1, W4, b4, W5, b5, Wvec, bvec, fn_g, fn_b):
    npad = E_PAD - E_EDGES
    spread = (jnp.arange(npad, dtype=jnp.int32) * 7) % N_NODES
    src = jnp.concatenate([edge_index[0], spread])
    dst = jnp.concatenate([edge_index[1], spread])
    dst_seg = jnp.concatenate(
        [edge_index[1], jnp.full((npad,), NSEG - 1, jnp.int32)])

    wT = jnp.stack([Wq[0].T, Wk[0].T, Wv[0].T, Wk[1].T, Wv[1].T])
    bstack = jnp.stack([bq[0], bk[0], bv[0], bk[1], bv[1]])
    q0, ta, wfoldT, bfold = _tc_pre(
        x, wT, bstack, Wff[0].T, Wq[1].T, bff[0][None], bq[1][None])

    g12, qd = _sc_gather(ta, q0, src, dst)

    dst2d = dst_seg.reshape(SM_ROWS, SM_W)

    alpha0 = _tc_alpha(qd, g12)
    w0 = _sc_softmax(alpha0, dst2d)

    q1, alpha1 = _tc_pass1(qd, g12, w0,
                           ga_g[0][None], ga_b[0][None], wfoldT, bfold)
    w1 = _sc_softmax(alpha1, dst2d)

    out = _tc_pass2(q1, g12, w1,
                    ga_g[1][None], ga_b[1][None], Wff[1].T, bff[1][None],
                    gf_g[None], gf_b[None],
                    W1.T, b1[None], W4.T, b4[None], W5.T, b5[None],
                    fn_g[None], fn_b[None], Wvec, bvec[None])
    return out.reshape(E_PAD)[:E_EDGES]

# --- scband reference (transcript-rebuilt; emitter-appended) ---
"""Pipeline reference for scband-adjacency-generator-61074434949406 (READ-ONLY COPY).

The authoritative reference and input builder live on the scoring server;
editing this copy changes nothing except your own understanding.
"""

import jax, jax.numpy as jnp
import numpy as np

D = 128
L = 2
N = 10000
E = 320000


def layer_norm(x, g, b, eps=1e-5):
    m = x.mean(-1, keepdims=True)
    v = ((x - m) ** 2).mean(-1, keepdims=True)
    return (x - m) / jnp.sqrt(v + eps) * g + b


def leaky_relu(x):
    return jnp.where(x >= 0, x, 0.2 * x)


def seg_softmax(alpha, seg, num):
    m = jax.ops.segment_max(alpha, seg, num_segments=num)
    m = jnp.where(jnp.isfinite(m), m, 0.0)
    e = jnp.exp(alpha - m[seg])
    s = jax.ops.segment_sum(e, seg, num_segments=num)
    return e / (s[seg] + 1e-16)


def setup_inputs(seed: int = 0) -> dict:
    key = jax.random.key(seed)
    ks = jax.random.split(key, 24)
    x = jax.random.normal(ks[0], (N, D), dtype=jnp.float32)
    edge_index = jax.random.randint(ks[1], (2, E), 0, N, dtype=jnp.int32)
    s = 0.05
    inp = {
        'x': x,
        'edge_index': edge_index,
        'Wq': jax.random.normal(ks[2], (L, D, D), dtype=jnp.float32) * s,
        'bq': jnp.zeros((L, D), dtype=jnp.float32),
        'Wk': jax.random.normal(ks[3], (L, D, D), dtype=jnp.float32) * s,
        'bk': jnp.zeros((L, D), dtype=jnp.float32),
        'Wv': jax.random.normal(ks[4], (L, D, D), dtype=jnp.float32) * s,
        'bv': jnp.zeros((L, D), dtype=jnp.float32),
        'Wff': jax.random.normal(ks[5], (L, D, D), dtype=jnp.float32) * s,
        'bff': jnp.zeros((L, D), dtype=jnp.float32),
        'ga_g': jnp.ones((L, D), dtype=jnp.float32),
        'ga_b': jnp.zeros((L, D), dtype=jnp.float32),
        'gf_g': jnp.ones((D,), dtype=jnp.float32),
        'gf_b': jnp.zeros((D,), dtype=jnp.float32),
        'W1': jax.random.normal(ks[6], (3 * D, D), dtype=jnp.float32) * s,
        'b1': jnp.zeros((3 * D,), dtype=jnp.float32),
        'W4': jax.random.normal(ks[7], (3 * D, 3 * D), dtype=jnp.float32) * s,
        'b4': jnp.zeros((3 * D,), dtype=jnp.float32),
        'W5': jax.random.normal(ks[8], (D, 3 * D), dtype=jnp.float32) * s,
        'b5': jnp.zeros((D,), dtype=jnp.float32),
        'Wvec': jax.random.normal(ks[9], (1, D), dtype=jnp.float32) * s,
        'bvec': jnp.zeros((1,), dtype=jnp.float32),
        'fn_g': jnp.ones((D,), dtype=jnp.float32),
        'fn_b': jnp.zeros((D,), dtype=jnp.float32),
    }
    return inp


def reference(x, edge_index, Wq, bq, Wk, bk, Wv, bv, Wff, bff, ga_g, ga_b, gf_g, gf_b, W1, b1, W4, b4, W5, b5, Wvec, bvec, fn_g, fn_b):
    num_nodes = x.shape[0]
    src = edge_index[0]
    dst = edge_index[1]
    x_i = jnp.take(x, src, axis=0)
    x_j = jnp.take(x, dst, axis=0)
    query = x_j
    for i in range(L):
        q = query @ Wq[i].T + bq[i]
        k = x_i @ Wk[i].T + bk[i]
        v = x_i @ Wv[i].T + bv[i]
        alpha = (q * k).sum(-1)
        alpha = seg_softmax(alpha, dst, num_nodes)
        attn = q + alpha[:, None] * v
        q = layer_norm(attn, ga_g[i], ga_b[i])
        query = q @ Wff[i].T + bff[i]
    query = leaky_relu(query)
    query = layer_norm(query, gf_g, gf_b)
    adj = query @ W1.T + b1
    adj = leaky_relu(adj)
    adj = adj @ W4.T + b4
    adj = leaky_relu(adj)
    adj = adj @ W5.T + b5
    adj = adj + query
    adj = layer_norm(adj, fn_g, fn_b)
    adj = adj @ Wvec.T + bvec
    return adj[:, 0]

if __name__ == "__main__":
    import jax
    _d = setup_inputs()
    print(jax.jit(kernel)(*tuple(_d.values())))

</pallas_src>

<mosaic_0001>
#map = affine_map<(d0, d1) -> (0, 0)>
module attributes {stable_mosaic.version = 14 : i64} {
  func.func @_softmax_body(%arg0: i32, %arg1: i32, %arg2: memref<2560x128xf32, #tpu.memory_space<hbm>>, %arg3: memref<2560x128xi32, #tpu.memory_space<hbm>>, %arg4: memref<2560x128xf32, #tpu.memory_space<hbm>>, %arg5: memref<160x128xf32, #tpu.memory_space<vmem>>, %arg6: memref<160x128xi32, #tpu.memory_space<vmem>>, %arg7: memref<10240xf32, #tpu.memory_space<vmem>>, %arg8: memref<640xf32, #tpu.memory_space<vmem>>, %arg9: memref<16xf32, #tpu.memory_space<vmem>>, %arg10: memref<256xf32, #tpu.memory_space<vmem>>, %arg11: memref<10496xf32, #tpu.memory_space<vmem_shared>>, %arg12: memref<!tpu.dma_semaphore, #tpu.memory_space<semaphore_mem>>) attributes {dimension_semantics = [#tpu.dimension_semantics<core_parallel>, #tpu.dimension_semantics<subcore_parallel>], iteration_bounds = array<i64: 2, 16>, scalar_prefetch = 0 : i64, scratch_operands = 8 : i64, tpu.core_type = #tpu.core_type<sc_vector_subcore>, window_params = [{transform_indices = #map}, {transform_indices = #map}, {transform_indices = #map}]} {
    %eq3A = arith.constant 0 : i32
    %eq3A_0 = arith.cmpi eq, %arg0, %eq3A : i32
    %convert_element_type3A = arith.extui %eq3A_0 : i1 to i32
    %cond3A = arith.constant 0 : i32
    %cond3A_1 = arith.cmpi ne, %convert_element_type3A, %cond3A : i32
    scf.if %cond3A_1 {
      %mul3A = arith.constant 160 : i32
      %mul3A_2 = arith.muli %arg1, %mul3A : i32
      "tpu.region"() ({
        %run_scoped3A = tpu.sem_alloc : memref<!tpu.dma_semaphore, #tpu.memory_space<semaphore_mem>>
        %dma_start3A = arith.constant 0 : i32
        %dma_start3A_73 = tpu.memref_slice %arg2[%mul3A_2, %dma_start3A] : memref<2560x128xf32, #tpu.memory_space<hbm>> -> memref<160x128xf32, #tpu.memory_space<hbm>>
        %dma_start3A_74 = arith.constant 0 : i32
        %dma_start3A_75 = tpu.memref_slice %arg2[%mul3A_2, %dma_start3A_74] : memref<2560x128xf32, #tpu.memory_space<hbm>> -> memref<160x128xf32, #tpu.memory_space<hbm>>
        tpu.enqueue_dma source(%dma_start3A_75 : memref<160x128xf32, #tpu.memory_space<hbm>>) target(%arg5 : memref<160x128xf32, #tpu.memory_space<vmem>>) target_semaphore(%run_scoped3A : memref<!tpu.dma_semaphore, #tpu.memory_space<semaphore_mem>>)
        %dma_wait3A = arith.constant 0 : i32
        %dma_wait3A_76 = tpu.memref_slice %arg2[%mul3A_2, %dma_wait3A] : memref<2560x128xf32, #tpu.memory_space<hbm>> -> memref<160x128xf32, #tpu.memory_space<hbm>>
        %dma_wait3A_77 = arith.constant 0 : i32
        %dma_wait3A_78 = tpu.memref_slice %arg2[%mul3A_2, %dma_wait3A_77] : memref<2560x128xf32, #tpu.memory_space<hbm>> -> memref<160x128xf32, #tpu.memory_space<hbm>>
        tpu.wait_dma2 semaphore(%run_scoped3A : memref<!tpu.dma_semaphore, #tpu.memory_space<semaphore_mem>>) src(%dma_wait3A_78 : memref<160x128xf32, #tpu.memory_space<hbm>>) dst(%arg5 : memref<160x128xf32, #tpu.memory_space<vmem>>)
        tpu.yield
      }) : () -> ()
      "tpu.region"() ({
        %run_scoped3A = tpu.sem_alloc : memref<!tpu.dma_semaphore, #tpu.memory_space<semaphore_mem>>
        %dma_start3A = arith.constant 0 : i32
        %dma_start3A_73 = tpu.memref_slice %arg3[%mul3A_2, %dma_start3A] : memref<2560x128xi32, #tpu.memory_space<hbm>> -> memref<160x128xi32, #tpu.memory_space<hbm>>
        %dma_start3A_74 = arith.constant 0 : i32
        %dma_start3A_75 = tpu.memref_slice %arg3[%mul3A_2, %dma_start3A_74] : memref<2560x128xi32, #tpu.memory_space<hbm>> -> memref<160x128xi32, #tpu.memory_space<hbm>>
        tpu.enqueue_dma source(%dma_start3A_75 : memref<160x128xi32, #tpu.memory_space<hbm>>) target(%arg6 : memref<160x128xi32, #tpu.memory_space<vmem>>) target_semaphore(%run_scoped3A : memref<!tpu.dma_semaphore, #tpu.memory_space<semaphore_mem>>)
        %dma_wait3A = arith.constant 0 : i32
        %dma_wait3A_76 = tpu.memref_slice %arg3[%mul3A_2, %dma_wait3A] : memref<2560x128xi32, #tpu.memory_space<hbm>> -> memref<160x128xi32, #tpu.memory_space<hbm>>
        %dma_wait3A_77 = arith.constant 0 : i32
        %dma_wait3A_78 = tpu.memref_slice %arg3[%mul3A_2, %dma_wait3A_77] : memref<2560x128xi32, #tpu.memory_space<hbm>> -> memref<160x128xi32, #tpu.memory_space<hbm>>
        tpu.wait_dma2 semaphore(%run_scoped3A : memref<!tpu.dma_semaphore, #tpu.memory_space<semaphore_mem>>) src(%dma_wait3A_78 : memref<160x128xi32, #tpu.memory_space<hbm>>) dst(%arg6 : memref<160x128xi32, #tpu.memory_space<vmem>>)
        tpu.yield
      }) : () -> ()
      %scan3A = arith.constant 0 : i32
      %scan3A_3 = arith.constant 0 : i32
      %scan3A_4 = arith.constant 40 : i32
      %scan3A_5 = arith.addi %scan3A_3, %scan3A_4 : i32
      %scan3A_6 = arith.constant 1 : i32
      scf.for %scan3A_73 = %scan3A_3 to %scan3A_5 step %scan3A_6  : i32 {
        %broadcast_in_dim3A_74 = arith.constant 0.000000e+00 : f32
        %broadcast_in_dim3A_75 = vector.broadcast %broadcast_in_dim3A_74 : f32 to vector<16xf32>
        %mul3A_76 = arith.constant 16 : i32
        %mul3A_77 = arith.muli %scan3A_73, %mul3A_76 : i32
        %swap3A_78 = arith.index_cast %mul3A_77 : i32 to index
        %swap3A_79 = tpu.vector_load %arg8[%swap3A_78] {strides = array<i32>} : memref<640xf32, #tpu.memory_space<vmem>>, vector<16xf32>,
        tpu.vector_store %arg8[%swap3A_78], %broadcast_in_dim3A_75 {strides = array<i32>} : memref<640xf32, #tpu.memory_space<vmem>>, vector<16xf32>,
      }
      %scan3A_7 = arith.constant 40 : i32
      %mul3A_8 = arith.constant 640 : i32
      %mul3A_9 = arith.muli %arg1, %mul3A_8 : i32
      "tpu.region"() ({
        %run_scoped3A = tpu.sem_alloc : memref<!tpu.dma_semaphore, #tpu.memory_space<semaphore_mem>>
        %dma_start3A = tpu.memref_slice %arg11[%mul3A_9] : memref<10496xf32, #tpu.memory_space<vmem_shared>> -> memref<640xf32, #tpu.memory_space<vmem_shared>>
        %dma_start3A_73 = tpu.memref_slice %arg11[%mul3A_9] : memref<10496xf32, #tpu.memory_space<vmem_shared>> -> memref<640xf32, #tpu.memory_space<vmem_shared>>
        tpu.enqueue_dma source(%arg8 : memref<640xf32, #tpu.memory_space<vmem>>) target(%dma_start3A_73 : memref<640xf32, #tpu.memory_space<vmem_shared>>) target_semaphore(%run_scoped3A : memref<!tpu.dma_semaphore, #tpu.memory_space<semaphore_mem>>)
        %dma_wait3A = tpu.memref_slice %arg11[%mul3A_9] : memref<10496xf32, #tpu.memory_space<vmem_shared>> -> memref<640xf32, #tpu.memory_space<vmem_shared>>
        %dma_wait3A_74 = tpu.memref_slice %arg11[%mul3A_9] : memref<10496xf32, #tpu.memory_space<vmem_shared>> -> memref<640xf32, #tpu.memory_space<vmem_shared>>
        tpu.wait_dma2 semaphore(%run_scoped3A : memref<!tpu.dma_semaphore, #tpu.memory_space<semaphore_mem>>) src(%arg8 : memref<640xf32, #tpu.memory_space<vmem>>) dst(%dma_wait3A_74 : memref<640xf32, #tpu.memory_space<vmem_shared>>)
        tpu.yield
      }) : () -> ()
      %broadcast_in_dim3A = arith.constant -1.000000e+30 : f32
      %broadcast_in_dim3A_10 = vector.broadcast %broadcast_in_dim3A : f32 to vector<16xf32>
      %scan3A_11 = arith.constant 0 : i32
      %scan3A_12 = arith.constant 160 : i32
      %scan3A_13 = arith.addi %scan3A_11, %scan3A_12 : i32
      %scan3A_14 = arith.constant 1 : i32
      %scan3A_15 = scf.for %scan3A_73 = %scan3A_11 to %scan3A_13 step %scan3A_14 iter_args(%scan3A_74 = %broadcast_in_dim3A_10) -> (vector<16xf32>)  : i32 {
        %get3A = arith.index_cast %scan3A_73 : i32 to index
        %get3A_75 = arith.constant 0 : index
        %get3A_76 = tpu.vector_load %arg5[%get3A, %get3A_75] {strides = array<i32>} : memref<160x128xf32, #tpu.memory_space<vmem>>, vector<16xf32>,
        %max3A_77 = arith.maximumf %scan3A_74, %get3A_76 : vector<16xf32>
        %get3A_78 = arith.index_cast %scan3A_73 : i32 to index
        %get3A_79 = arith.constant 16 : index
        %get3A_80 = tpu.vector_load %arg5[%get3A_78, %get3A_79] {strides = array<i32>} : memref<160x128xf32, #tpu.memory_space<vmem>>, vector<16xf32>,
        %max3A_81 = arith.maximumf %max3A_77, %get3A_80 : vector<16xf32>
        %get3A_82 = arith.index_cast %scan3A_73 : i32 to index
        %get3A_83 = arith.constant 32 : index
        %get3A_84 = tpu.vector_load %arg5[%get3A_82, %get3A_83] {strides = array<i32>} : memref<160x128xf32, #tpu.memory_space<vmem>>, vector<16xf32>,
        %max3A_85 = arith.maximumf %max3A_81, %get3A_84 : vector<16xf32>
        %get3A_86 = arith.index_cast %scan3A_73 : i32 to index
        %get3A_87 = arith.constant 48 : index
        %get3A_88 = tpu.vector_load %arg5[%get3A_86, %get3A_87] {strides = array<i32>} : memref<160x128xf32, #tpu.memory_space<vmem>>, vector<16xf32>,
        %max3A_89 = arith.maximumf %max3A_85, %get3A_88 : vector<16xf32>
        %get3A_90 = arith.index_cast %scan3A_73 : i32 to index
        %get3A_91 = arith.constant 64 : index
        %get3A_92 = tpu.vector_load %arg5[%get3A_90, %get3A_91] {strides = array<i32>} : memref<160x128xf32, #tpu.memory_space<vmem>>, vector<16xf32>,
        %max3A_93 = arith.maximumf %max3A_89, %get3A_92 : vector<16xf32>
        %get3A_94 = arith.index_cast %scan3A_73 : i32 to index
        %get3A_95 = arith.constant 80 : index
        %get3A_96 = tpu.vector_load %arg5[%get3A_94, %get3A_95] {strides = array<i32>} : memref<160x128xf32, #tpu.memory_space<vmem>>, vector<16xf32>,
        %max3A_97 = arith.maximumf %max3A_93, %get3A_96 : vector<16xf32>
        %get3A_98 = arith.index_cast %scan3A_73 : i32 to index
        %get3A_99 = arith.constant 96 : index
        %get3A_100 = tpu.vector_load %arg5[%get3A_98, %get3A_99] {strides = array<i32>} : memref<160x128xf32, #tpu.memory_space<vmem>>, vector<16xf32>,
        %max3A_101 = arith.maximumf %max3A_97, %get3A_100 : vector<16xf32>
        %get3A_102 = arith.index_cast %scan3A_73 : i32 to index
        %get3A_103 = arith.constant 112 : index
        %get3A_104 = tpu.vector_load %arg5[%get3A_102, %get3A_103] {strides = array<i32>} : memref<160x128xf32, #tpu.memory_space<vmem>>, vector<16xf32>,
        %max3A_105 = arith.maximumf %max3A_101, %get3A_104 : vector<16xf32>
        scf.yield %max3A_105 : vector<16xf32>
      }
      %scan3A_16 = arith.constant 160 : i32
      %iota3A = tpu.iota {dimensions = array<i32: 0>} : vector<16xi32>
      %xor3A = arith.constant 8 : i32
      %xor3A_17 = vector.broadcast %xor3A : i32 to vector<16xi32>
      %xor3A_18 = arith.xori %iota3A, %xor3A_17 : vector<16xi32>
      %broadcast_in_dim3A_19 = vector.shape_cast %xor3A_18 : vector<16xi32> to vector<16x1xi32>
      %gather3A = vector.shape_cast %broadcast_in_dim3A_19 : vector<16x1xi32> to vector<16xi32>
      %gather3A_20 = tpu.dynamic_gather %scan3A_15[%gather3A] in [0] : vector<16xf32>, vector<16xi32> -> vector<16xf32>
      %max3A = arith.maximumf %scan3A_15, %gather3A_20 : vector<16xf32>
      %xor3A_21 = arith.constant 4 : i32
      %xor3A_22 = vector.broadcast %xor3A_21 : i32 to vector<16xi32>
      %xor3A_23 = arith.xori %iota3A, %xor3A_22 : vector<16xi32>
      %broadcast_in_dim3A_24 = vector.shape_cast %xor3A_23 : vector<16xi32> to vector<16x1xi32>
      %gather3A_25 = vector.shape_cast %broadcast_in_dim3A_24 : vector<16x1xi32> to vector<16xi32>
      %gather3A_26 = tpu.dynamic_gather %max3A[%gather3A_25] in [0] : vector<16xf32>, vector<16xi32> -> vector<16xf32>
      %max3A_27 = arith.maximumf %max3A, %gather3A_26 : vector<16xf32>
      %xor3A_28 = arith.constant 2 : i32
      %xor3A_29 = vector.broadcast %xor3A_28 : i32 to vector<16xi32>
      %xor3A_30 = arith.xori %iota3A, %xor3A_29 : vector<16xi32>
      %broadcast_in_dim3A_31 = vector.shape_cast %xor3A_30 : vector<16xi32> to vector<16x1xi32>
      %gather3A_32 = vector.shape_cast %broadcast_in_dim3A_31 : vector<16x1xi32> to vector<16xi32>
      %gather3A_33 = tpu.dynamic_gather %max3A_27[%gather3A_32] in [0] : vector<16xf32>, vector<16xi32> -> vector<16xf32>
      %max3A_34 = arith.maximumf %max3A_27, %gather3A_33 : vector<16xf32>
      %xor3A_35 = arith.constant 1 : i32
      %xor3A_36 = vector.broadcast %xor3A_35 : i32 to vector<16xi32>
      %xor3A_37 = arith.xori %iota3A, %xor3A_36 : vector<16xi32>
      %broadcast_in_dim3A_38 = vector.shape_cast %xor3A_37 : vector<16xi32> to vector<16x1xi32>
      %gather3A_39 = vector.shape_cast %broadcast_in_dim3A_38 : vector<16x1xi32> to vector<16xi32>
      %gather3A_40 = tpu.dynamic_gather %max3A_34[%gather3A_39] in [0] : vector<16xf32>, vector<16xi32> -> vector<16xf32>
      %max3A_41 = arith.maximumf %max3A_34, %gather3A_40 : vector<16xf32>
      %swap3A = arith.constant 0 : index
      %swap3A_42 = tpu.vector_load %arg9[%swap3A] {strides = array<i32>} : memref<16xf32, #tpu.memory_space<vmem>>, vector<16xf32>,
      tpu.vector_store %arg9[%swap3A], %max3A_41 {strides = array<i32>} : memref<16xf32, #tpu.memory_space<vmem>>, vector<16xf32>,
      %mul3A_43 = arith.constant 16 : i32
      %mul3A_44 = arith.muli %arg1, %mul3A_43 : i32
      %add3A = arith.constant 10240 : i32
      %add3A_45 = arith.addi %add3A, %mul3A_44 : i32
      "tpu.region"() ({
        %run_scoped3A = tpu.sem_alloc : memref<!tpu.dma_semaphore, #tpu.memory_space<semaphore_mem>>
        %dma_start3A = tpu.memref_slice %arg11[%add3A_45] : memref<10496xf32, #tpu.memory_space<vmem_shared>> -> memref<16xf32, #tpu.memory_space<vmem_shared>>
        %dma_start3A_73 = tpu.memref_slice %arg11[%add3A_45] : memref<10496xf32, #tpu.memory_space<vmem_shared>> -> memref<16xf32, #tpu.memory_space<vmem_shared>>
        tpu.enqueue_dma source(%arg9 : memref<16xf32, #tpu.memory_space<vmem>>) target(%dma_start3A_73 : memref<16xf32, #tpu.memory_space<vmem_shared>>) target_semaphore(%run_scoped3A : memref<!tpu.dma_semaphore, #tpu.memory_space<semaphore_mem>>)
        %dma_wait3A = tpu.memref_slice %arg11[%add3A_45] : memref<10496xf32, #tpu.memory_space<vmem_shared>> -> memref<16xf32, #tpu.memory_space<vmem_shared>>
        %dma_wait3A_74 = tpu.memref_slice %arg11[%add3A_45] : memref<10496xf32, #tpu.memory_space<vmem_shared>> -> memref<16xf32, #tpu.memory_space<vmem_shared>>
        tpu.wait_dma2 semaphore(%run_scoped3A : memref<!tpu.dma_semaphore, #tpu.memory_space<semaphore_mem>>) src(%arg9 : memref<16xf32, #tpu.memory_space<vmem>>) dst(%dma_wait3A_74 : memref<16xf32, #tpu.memory_space<vmem_shared>>)
        tpu.yield
      }) : () -> ()
      %barrier3A = arith.constant 0 : index
      tpu.barrier barrier_id(%barrier3A)
      "tpu.region"() ({
        %run_scoped3A = tpu.sem_alloc : memref<!tpu.dma_semaphore, #tpu.memory_space<semaphore_mem>>
        %dma_start3A = arith.constant 10240 : i32
        %dma_start3A_73 = tpu.memref_slice %arg11[%dma_start3A] : memref<10496xf32, #tpu.memory_space<vmem_shared>> -> memref<256xf32, #tpu.memory_space<vmem_shared>>
        %dma_start3A_74 = arith.constant 10240 : i32
        %dma_start3A_75 = tpu.memref_slice %arg11[%dma_start3A_74] : memref<10496xf32, #tpu.memory_space<vmem_shared>> -> memref<256xf32, #tpu.memory_space<vmem_shared>>
        tpu.enqueue_dma source(%dma_start3A_75 : memref<256xf32, #tpu.memory_space<vmem_shared>>) target(%arg10 : memref<256xf32, #tpu.memory_space<vmem>>) target_semaphore(%run_scoped3A : memref<!tpu.dma_semaphore, #tpu.memory_space<semaphore_mem>>)
        %dma_wait3A = arith.constant 10240 : i32
        %dma_wait3A_76 = tpu.memref_slice %arg11[%dma_wait3A] : memref<10496xf32, #tpu.memory_space<vmem_shared>> -> memref<256xf32, #tpu.memory_space<vmem_shared>>
        %dma_wait3A_77 = arith.constant 10240 : i32
        %dma_wait3A_78 = tpu.memref_slice %arg11[%dma_wait3A_77] : memref<10496xf32, #tpu.memory_space<vmem_shared>> -> memref<256xf32, #tpu.memory_space<vmem_shared>>
        tpu.wait_dma2 semaphore(%run_scoped3A : memref<!tpu.dma_semaphore, #tpu.memory_space<semaphore_mem>>) src(%dma_wait3A_78 : memref<256xf32, #tpu.memory_space<vmem_shared>>) dst(%arg10 : memref<256xf32, #tpu.memory_space<vmem>>)
        tpu.yield
      }) : () -> ()
      %broadcast_in_dim3A_46 = arith.constant -1.000000e+30 : f32
      %broadcast_in_dim3A_47 = vector.broadcast %broadcast_in_dim3A_46 : f32 to vector<16xf32>
      %scan3A_48 = arith.constant 0 : i32
      %scan3A_49 = arith.constant 16 : i32
      %scan3A_50 = arith.addi %scan3A_48, %scan3A_49 : i32
      %scan3A_51 = arith.constant 1 : i32
      %scan3A_52 = scf.for %scan3A_73 = %scan3A_48 to %scan3A_50 step %scan3A_51 iter_args(%scan3A_74 = %broadcast_in_dim3A_47) -> (vector<16xf32>)  : i32 {
        %mul3A_75 = arith.constant 16 : i32
        %mul3A_76 = arith.muli %scan3A_73, %mul3A_75 : i32
        %get3A = arith.index_cast %mul3A_76 : i32 to index
        %get3A_77 = tpu.vector_load %arg10[%get3A] {strides = array<i32>} : memref<256xf32, #tpu.memory_space<vmem>>, vector<16xf32>,
        %max3A_78 = arith.maximumf %scan3A_74, %get3A_77 : vector<16xf32>
        scf.yield %max3A_78 : vector<16xf32>
      }
      %scan3A_53 = arith.constant 16 : i32
      %scan3A_54 = arith.constant 0 : i32
      %scan3A_55 = arith.constant 0 : i32
      %scan3A_56 = arith.constant 160 : i32
      %scan3A_57 = arith.addi %scan3A_55, %scan3A_56 : i32
      %scan3A_58 = arith.constant 1 : i32
      scf.for %scan3A_73 = %scan3A_55 to %scan3A_57 step %scan3A_58  : i32 {
        %get3A = arith.index_cast %scan3A_73 : i32 to index
        %get3A_74 = arith.constant 0 : index
        %get3A_75 = tpu.vector_load %arg5[%get3A, %get3A_74] {strides = array<i32>} : memref<160x128xf32, #tpu.memory_space<vmem>>, vector<16xf32>,
        %sub3A = arith.subf %get3A_75, %scan3A_52 : vector<16xf32>
        %exp3A = math.exp %sub3A : vector<16xf32>
        %swap3A_76 = arith.index_cast %scan3A_73 : i32 to index
        %swap3A_77 = arith.constant 0 : index
        %swap3A_78 = tpu.vector_load %arg5[%swap3A_76, %swap3A_77] {strides = array<i32>} : memref<160x128xf32, #tpu.memory_space<vmem>>, vector<16xf32>,
        tpu.vector_store %arg5[%swap3A_76, %swap3A_77], %exp3A {strides = array<i32>} : memref<160x128xf32, #tpu.memory_space<vmem>>, vector<16xf32>,
        %get3A_79 = arith.index_cast %scan3A_73 : i32 to index
        %get3A_80 = arith.constant 16 : index
        %get3A_81 = tpu.vector_load %arg5[%get3A_79, %get3A_80] {strides = array<i32>} : memref<160x128xf32, #tpu.memory_space<vmem>>, vector<16xf32>,
        %sub3A_82 = arith.subf %get3A_81, %scan3A_52 : vector<16xf32>
        %exp3A_83 = math.exp %sub3A_82 : vector<16xf32>
        %swap3A_84 = arith.index_cast %scan3A_73 : i32 to index
        %swap3A_85 = arith.constant 16 : index
        %swap3A_86 = tpu.vector_load %arg5[%swap3A_84, %swap3A_85] {strides = array<i32>} : memref<160x128xf32, #tpu.memory_space<vmem>>, vector<16xf32>,
        tpu.vector_store %arg5[%swap3A_84, %swap3A_85], %exp3A_83 {strides = array<i32>} : memref<160x128xf32, #tpu.memory_space<vmem>>, vector<16xf32>,
        %get3A_87 = arith.index_cast %scan3A_73 : i32 to index
        %get3A_88 = arith.constant 32 : index
        %get3A_89 = tpu.vector_load %arg5[%get3A_87, %get3A_88] {strides = array<i32>} : memref<160x128xf32, #tpu.memory_space<vmem>>, vector<16xf32>,
        %sub3A_90 = arith.subf %get3A_89, %scan3A_52 : vector<16xf32>
        %exp3A_91 = math.exp %sub3A_90 : vector<16xf32>
        %swap3A_92 = arith.index_cast %scan3A_73 : i32 to index
        %swap3A_93 = arith.constant 32 : index
        %swap3A_94 = tpu.vector_load %arg5[%swap3A_92, %swap3A_93] {strides = array<i32>} : memref<160x128xf32, #tpu.memory_space<vmem>>, vector<16xf32>,
        tpu.vector_store %arg5[%swap3A_92, %swap3A_93], %exp3A_91 {strides = array<i32>} : memref<160x128xf32, #tpu.memory_space<vmem>>, vector<16xf32>,
        %get3A_95 = arith.index_cast %scan3A_73 : i32 to index
        %get3A_96 = arith.constant 48 : index
        %get3A_97 = tpu.vector_load %arg5[%get3A_95, %get3A_96] {strides = array<i32>} : memref<160x128xf32, #tpu.memory_space<vmem>>, vector<16xf32>,
        %sub3A_98 = arith.subf %get3A_97, %scan3A_52 : vector<16xf32>
        %exp3A_99 = math.exp %sub3A_98 : vector<16xf32>
        %swap3A_100 = arith.index_cast %scan3A_73 : i32 to index
        %swap3A_101 = arith.constant 48 : index
        %swap3A_102 = tpu.vector_load %arg5[%swap3A_100, %swap3A_101] {strides = array<i32>} : memref<160x128xf32, #tpu.memory_space<vmem>>, vector<16xf32>,
        tpu.vector_store %arg5[%swap3A_100, %swap3A_101], %exp3A_99 {strides = array<i32>} : memref<160x128xf32, #tpu.memory_space<vmem>>, vector<16xf32>,
        %get3A_103 = arith.index_cast %scan3A_73 : i32 to index
        %get3A_104 = arith.constant 64 : index
        %get3A_105 = tpu.vector_load %arg5[%get3A_103, %get3A_104] {strides = array<i32>} : memref<160x128xf32, #tpu.memory_space<vmem>>, vector<16xf32>,
        %sub3A_106 = arith.subf %get3A_105, %scan3A_52 : vector<16xf32>
        %exp3A_107 = math.exp %sub3A_106 : vector<16xf32>
        %swap3A_108 = arith.index_cast %scan3A_73 : i32 to index
        %swap3A_109 = arith.constant 64 : index
        %swap3A_110 = tpu.vector_load %arg5[%swap3A_108, %swap3A_109] {strides = array<i32>} : memref<160x128xf32, #tpu.memory_space<vmem>>, vector<16xf32>,
        tpu.vector_store %arg5[%swap3A_108, %swap3A_109], %exp3A_107 {strides = array<i32>} : memref<160x128xf32, #tpu.memory_space<vmem>>, vector<16xf32>,
        %get3A_111 = arith.index_cast %scan3A_73 : i32 to index
        %get3A_112 = arith.constant 80 : index
        %get3A_113 = tpu.vector_load %arg5[%get3A_111, %get3A_112] {strides = array<i32>} : memref<160x128xf32, #tpu.memory_space<vmem>>, vector<16xf32>,
        %sub3A_114 = arith.subf %get3A_113, %scan3A_52 : vector<16xf32>
        %exp3A_115 = math.exp %sub3A_114 : vector<16xf32>
        %swap3A_116 = arith.index_cast %scan3A_73 : i32 to index
        %swap3A_117 = arith.constant 80 : index
        %swap3A_118 = tpu.vector_load %arg5[%swap3A_116, %swap3A_117] {strides = array<i32>} : memref<160x128xf32, #tpu.memory_space<vmem>>, vector<16xf32>,
        tpu.vector_store %arg5[%swap3A_116, %swap3A_117], %exp3A_115 {strides = array<i32>} : memref<160x128xf32, #tpu.memory_space<vmem>>, vector<16xf32>,
        %get3A_119 = arith.index_cast %scan3A_73 : i32 to index
        %get3A_120 = arith.constant 96 : index
        %get3A_121 = tpu.vector_load %arg5[%get3A_119, %get3A_120] {strides = array<i32>} : memref<160x128xf32, #tpu.memory_space<vmem>>, vector<16xf32>,
        %sub3A_122 = arith.subf %get3A_121, %scan3A_52 : vector<16xf32>
        %exp3A_123 = math.exp %sub3A_122 : vector<16xf32>
        %swap3A_124 = arith.index_cast %scan3A_73 : i32 to index
        %swap3A_125 = arith.constant 96 : index
        %swap3A_126 = tpu.vector_load %arg5[%swap3A_124, %swap3A_125] {strides = array<i32>} : memref<160x128xf32, #tpu.memory_space<vmem>>, vector<16xf32>,
        tpu.vector_store %arg5[%swap3A_124, %swap3A_125], %exp3A_123 {strides = array<i32>} : memref<160x128xf32, #tpu.memory_space<vmem>>, vector<16xf32>,
        %get3A_127 = arith.index_cast %scan3A_73 : i32 to index
        %get3A_128 = arith.constant 112 : index
        %get3A_129 = tpu.vector_load %arg5[%get3A_127, %get3A_128] {strides = array<i32>} : memref<160x128xf32, #tpu.memory_space<vmem>>, vector<16xf32>,
        %sub3A_130 = arith.subf %get3A_129, %scan3A_52 : vector<16xf32>
        %exp3A_131 = math.exp %sub3A_130 : vector<16xf32>
        %swap3A_132 = arith.index_cast %scan3A_73 : i32 to index
        %swap3A_133 = arith.constant 112 : index
        %swap3A_134 = tpu.vector_load %arg5[%swap3A_132, %swap3A_133] {strides = array<i32>} : memref<160x128xf32, #tpu.memory_space<vmem>>, vector<16xf32>,
        tpu.vector_store %arg5[%swap3A_132, %swap3A_133], %exp3A_131 {strides = array<i32>} : memref<160x128xf32, #tpu.memory_space<vmem>>, vector<16xf32>,
      }
      %scan3A_59 = arith.constant 160 : i32
      %scan3A_60 = arith.constant 0 : i32
      %scan3A_61 = arith.constant 0 : i32
      %scan3A_62 = arith.constant 160 : i32
      %scan3A_63 = arith.addi %scan3A_61, %scan3A_62 : i32
      %scan3A_64 = arith.constant 1 : i32
      scf.for %scan3A_73 = %scan3A_61 to %scan3A_63 step %scan3A_64  : i32 {
        "tpu.region"() ({
          %run_scoped3A = tpu.sem_alloc : memref<!tpu.dma_semaphore, #tpu.memory_space<semaphore_mem>>
          %dma_start3A = arith.constant 0 : i32
          %dma_start3A_74 = tpu.memref_slice %arg5[%scan3A_73, %dma_start3A] : memref<160x128xf32, #tpu.memory_space<vmem>> -> memref<1x128xf32, #tpu.memory_space<vmem>>
          %dma_start3A_75 = tpu.memref_squeeze %dma_start3A_74 : memref<1x128xf32, #tpu.memory_space<vmem>> -> memref<128xf32, #tpu.memory_space<vmem>>
          %dma_start3A_76 = arith.constant 0 : i32
          %dma_start3A_77 = tpu.memref_slice %arg6[%scan3A_73, %dma_start3A_76] : memref<160x128xi32, #tpu.memory_space<vmem>> -> memref<1x128xi32, #tpu.memory_space<vmem>>
          %dma_start3A_78 = tpu.memref_squeeze %dma_start3A_77 : memref<1x128xi32, #tpu.memory_space<vmem>> -> memref<128xi32, #tpu.memory_space<vmem>>
          %dma_start3A_79 = arith.constant 0 : i32
          %dma_start3A_80 = tpu.memref_slice %arg11[%dma_start3A_79] : memref<10496xf32, #tpu.memory_space<vmem_shared>> -> memref<10496xf32, #tpu.memory_space<vmem_shared>>
          tpu.enqueue_indirect_dma source(%dma_start3A_75 : memref<128xf32, #tpu.memory_space<vmem>>) target(%dma_start3A_80 : memref<10496xf32, #tpu.memory_space<vmem_shared>>) offsets(%dma_start3A_78 : memref<128xi32, #tpu.memory_space<vmem>>) semaphore(%run_scoped3A : memref<!tpu.dma_semaphore, #tpu.memory_space<semaphore_mem>>) {add = true}
          %dma_wait3A = arith.constant 0 : i32
          %dma_wait3A_81 = tpu.memref_slice %arg5[%scan3A_73, %dma_wait3A] : memref<160x128xf32, #tpu.memory_space<vmem>> -> memref<1x128xf32, #tpu.memory_space<vmem>>
          %dma_wait3A_82 = tpu.memref_squeeze %dma_wait3A_81 : memref<1x128xf32, #tpu.memory_space<vmem>> -> memref<128xf32, #tpu.memory_space<vmem>>
          %dma_wait3A_83 = arith.constant 0 : i32
          %dma_wait3A_84 = tpu.memref_slice %arg6[%scan3A_73, %dma_wait3A_83] : memref<160x128xi32, #tpu.memory_space<vmem>> -> memref<1x128xi32, #tpu.memory_space<vmem>>
          %dma_wait3A_85 = tpu.memref_squeeze %dma_wait3A_84 : memref<1x128xi32, #tpu.memory_space<vmem>> -> memref<128xi32, #tpu.memory_space<vmem>>
          %dma_wait3A_86 = arith.constant 0 : i32
          %dma_wait3A_87 = tpu.memref_slice %arg11[%dma_wait3A_86] : memref<10496xf32, #tpu.memory_space<vmem_shared>> -> memref<10496xf32, #tpu.memory_space<vmem_shared>>
          tpu.wait_indirect_dma semaphore(%run_scoped3A : memref<!tpu.dma_semaphore, #tpu.memory_space<semaphore_mem>>) src(%dma_wait3A_82 : memref<128xf32, #tpu.memory_space<vmem>>) dst(%dma_wait3A_87 : memref<10496xf32, #tpu.memory_space<vmem_shared>>)
          tpu.yield
        }) : () -> ()
      }
      %scan3A_65 = arith.constant 160 : i32
      %barrier3A_66 = arith.constant 0 : index
      tpu.barrier barrier_id(%barrier3A_66)
      "tpu.region"() ({
        %run_scoped3A = tpu.sem_alloc : memref<!tpu.dma_semaphore, #tpu.memory_space<semaphore_mem>>
        %dma_start3A = arith.constant 0 : i32
        %dma_start3A_73 = tpu.memref_slice %arg11[%dma_start3A] : memref<10496xf32, #tpu.memory_space<vmem_shared>> -> memref<10240xf32, #tpu.memory_space<vmem_shared>>
        %dma_start3A_74 = arith.constant 0 : i32
        %dma_start3A_75 = tpu.memref_slice %arg11[%dma_start3A_74] : memref<10496xf32, #tpu.memory_space<vmem_shared>> -> memref<10240xf32, #tpu.memory_space<vmem_shared>>
        tpu.enqueue_dma source(%dma_start3A_75 : memref<10240xf32, #tpu.memory_space<vmem_shared>>) target(%arg7 : memref<10240xf32, #tpu.memory_space<vmem>>) target_semaphore(%run_scoped3A : memref<!tpu.dma_semaphore, #tpu.memory_space<semaphore_mem>>)
        %dma_wait3A = arith.constant 0 : i32
        %dma_wait3A_76 = tpu.memref_slice %arg11[%dma_wait3A] : memref<10496xf32, #tpu.memory_space<vmem_shared>> -> memref<10240xf32, #tpu.memory_space<vmem_shared>>
        %dma_wait3A_77 = arith.constant 0 : i32
        %dma_wait3A_78 = tpu.memref_slice %arg11[%dma_wait3A_77] : memref<10496xf32, #tpu.memory_space<vmem_shared>> -> memref<10240xf32, #tpu.memory_space<vmem_shared>>
        tpu.wait_dma2 semaphore(%run_scoped3A : memref<!tpu.dma_semaphore, #tpu.memory_space<semaphore_mem>>) src(%dma_wait3A_78 : memref<10240xf32, #tpu.memory_space<vmem_shared>>) dst(%arg7 : memref<10240xf32, #tpu.memory_space<vmem>>)
        tpu.yield
      }) : () -> ()
      %scan3A_67 = arith.constant 0 : i32
      %scan3A_68 = arith.constant 0 : i32
      %scan3A_69 = arith.constant 160 : i32
      %scan3A_70 = arith.addi %scan3A_68, %scan3A_69 : i32
      %scan3A_71 = arith.constant 1 : i32
      scf.for %scan3A_73 = %scan3A_68 to %scan3A_70 step %scan3A_71  : i32 {
        %get3A = arith.index_cast %scan3A_73 : i32 to index
        %get3A_74 = arith.constant 0 : index
        %get3A_75 = tpu.vector_load %arg6[%get3A, %get3A_74] {strides = array<i32>} : memref<160x128xi32, #tpu.memory_space<vmem>>, vector<16xi32>,
        %gather3A_76 = tpu.vector_load_idx %arg7[%get3A_75] : memref<10240xf32, #tpu.memory_space<vmem>>[vector<16xi32>], vector<16xf32>,
        %get3A_77 = arith.index_cast %scan3A_73 : i32 to index
        %get3A_78 = arith.constant 0 : index
        %get3A_79 = tpu.vector_load %arg5[%get3A_77, %get3A_78] {strides = array<i32>} : memref<160x128xf32, #tpu.memory_space<vmem>>, vector<16xf32>,
        %add3A_80 = arith.constant 1.000000e-16 : f32
        %add3A_81 = vector.broadcast %add3A_80 : f32 to vector<16xf32>
        %add3A_82 = arith.addf %gather3A_76, %add3A_81 : vector<16xf32>
        %div3A = arith.divf %get3A_79, %add3A_82 : vector<16xf32>
        %swap3A_83 = arith.index_cast %scan3A_73 : i32 to index
        %swap3A_84 = arith.constant 0 : index
        %swap3A_85 = tpu.vector_load %arg5[%swap3A_83, %swap3A_84] {strides = array<i32>} : memref<160x128xf32, #tpu.memory_space<vmem>>, vector<16xf32>,
        tpu.vector_store %arg5[%swap3A_83, %swap3A_84], %div3A {strides = array<i32>} : memref<160x128xf32, #tpu.memory_space<vmem>>, vector<16xf32>,
        %get3A_86 = arith.index_cast %scan3A_73 : i32 to index
        %get3A_87 = arith.constant 16 : index
        %get3A_88 = tpu.vector_load %arg6[%get3A_86, %get3A_87] {strides = array<i32>} : memref<160x128xi32, #tpu.memory_space<vmem>>, vector<16xi32>,
        %gather3A_89 = tpu.vector_load_idx %arg7[%get3A_88] : memref<10240xf32, #tpu.memory_space<vmem>>[vector<16xi32>], vector<16xf32>,
        %get3A_90 = arith.index_cast %scan3A_73 : i32 to index
        %get3A_91 = arith.constant 16 : index
        %get3A_92 = tpu.vector_load %arg5[%get3A_90, %get3A_91] {strides = array<i32>} : memref<160x128xf32, #tpu.memory_space<vmem>>, vector<16xf32>,
        %add3A_93 = arith.constant 1.000000e-16 : f32
        %add3A_94 = vector.broadcast %add3A_93 : f32 to vector<16xf32>
        %add3A_95 = arith.addf %gather3A_89, %add3A_94 : vector<16xf32>
        %div3A_96 = arith.divf %get3A_92, %add3A_95 : vector<16xf32>
        %swap3A_97 = arith.index_cast %scan3A_73 : i32 to index
        %swap3A_98 = arith.constant 16 : index
        %swap3A_99 = tpu.vector_load %arg5[%swap3A_97, %swap3A_98] {strides = array<i32>} : memref<160x128xf32, #tpu.memory_space<vmem>>, vector<16xf32>,
        tpu.vector_store %arg5[%swap3A_97, %swap3A_98], %div3A_96 {strides = array<i32>} : memref<160x128xf32, #tpu.memory_space<vmem>>, vector<16xf32>,
        %get3A_100 = arith.index_cast %scan3A_73 : i32 to index
        %get3A_101 = arith.constant 32 : index
        %get3A_102 = tpu.vector_load %arg6[%get3A_100, %get3A_101] {strides = array<i32>} : memref<160x128xi32, #tpu.memory_space<vmem>>, vector<16xi32>,
        %gather3A_103 = tpu.vector_load_idx %arg7[%get3A_102] : memref<10240xf32, #tpu.memory_space<vmem>>[vector<16xi32>], vector<16xf32>,
        %get3A_104 = arith.index_cast %scan3A_73 : i32 to index
        %get3A_105 = arith.constant 32 : index
        %get3A_106 = tpu.vector_load %arg5[%get3A_104, %get3A_105] {strides = array<i32>} : memref<160x128xf32, #tpu.memory_space<vmem>>, vector<16xf32>,
        %add3A_107 = arith.constant 1.000000e-16 : f32
        %add3A_108 = vector.broadcast %add3A_107 : f32 to vector<16xf32>
        %add3A_109 = arith.addf %gather3A_103, %add3A_108 : vector<16xf32>
        %div3A_110 = arith.divf %get3A_106, %add3A_109 : vector<16xf32>
        %swap3A_111 = arith.index_cast %scan3A_73 : i32 to index
        %swap3A_112 = arith.constant 32 : index
        %swap3A_113 = tpu.vector_load %arg5[%swap3A_111, %swap3A_112] {strides = array<i32>} : memref<160x128xf32, #tpu.memory_space<vmem>>, vector<16xf32>,
        tpu.vector_store %arg5[%swap3A_111, %swap3A_112], %div3A_110 {strides = array<i32>} : memref<160x128xf32, #tpu.memory_space<vmem>>, vector<16xf32>,
        %get3A_114 = arith.index_cast %scan3A_73 : i32 to index
        %get3A_115 = arith.constant 48 : index
        %get3A_116 = tpu.vector_load %arg6[%get3A_114, %get3A_115] {strides = array<i32>} : memref<160x128xi32, #tpu.memory_space<vmem>>, vector<16xi32>,
        %gather3A_117 = tpu.vector_load_idx %arg7[%get3A_116] : memref<10240xf32, #tpu.memory_space<vmem>>[vector<16xi32>], vector<16xf32>,
        %get3A_118 = arith.index_cast %scan3A_73 : i32 to index
        %get3A_119 = arith.constant 48 : index
        %get3A_120 = tpu.vector_load %arg5[%get3A_118, %get3A_119] {strides = array<i32>} : memref<160x128xf32, #tpu.memory_space<vmem>>, vector<16xf32>,
        %add3A_121 = arith.constant 1.000000e-16 : f32
        %add3A_122 = vector.broadcast %add3A_121 : f32 to vector<16xf32>
        %add3A_123 = arith.addf %gather3A_117, %add3A_122 : vector<16xf32>
        %div3A_124 = arith.divf %get3A_120, %add3A_123 : vector<16xf32>
        %swap3A_125 = arith.index_cast %scan3A_73 : i32 to index
        %swap3A_126 = arith.constant 48 : index
        %swap3A_127 = tpu.vector_load %arg5[%swap3A_125, %swap3A_126] {strides = array<i32>} : memref<160x128xf32, #tpu.memory_space<vmem>>, vector<16xf32>,
        tpu.vector_store %arg5[%swap3A_125, %swap3A_126], %div3A_124 {strides = array<i32>} : memref<160x128xf32, #tpu.memory_space<vmem>>, vector<16xf32>,
        %get3A_128 = arith.index_cast %scan3A_73 : i32 to index
        %get3A_129 = arith.constant 64 : index
        %get3A_130 = tpu.vector_load %arg6[%get3A_128, %get3A_129] {strides = array<i32>} : memref<160x128xi32, #tpu.memory_space<vmem>>, vector<16xi32>,
        %gather3A_131 = tpu.vector_load_idx %arg7[%get3A_130] : memref<10240xf32, #tpu.memory_space<vmem>>[vector<16xi32>], vector<16xf32>,
        %get3A_132 = arith.index_cast %scan3A_73 : i32 to index
        %get3A_133 = arith.constant 64 : index
        %get3A_134 = tpu.vector_load %arg5[%get3A_132, %get3A_133] {strides = array<i32>} : memref<160x128xf32, #tpu.memory_space<vmem>>, vector<16xf32>,
        %add3A_135 = arith.constant 1.000000e-16 : f32
        %add3A_136 = vector.broadcast %add3A_135 : f32 to vector<16xf32>
        %add3A_137 = arith.addf %gather3A_131, %add3A_136 : vector<16xf32>
        %div3A_138 = arith.divf %get3A_134, %add3A_137 : vector<16xf32>
        %swap3A_139 = arith.index_cast %scan3A_73 : i32 to index
        %swap3A_140 = arith.constant 64 : index
        %swap3A_141 = tpu.vector_load %arg5[%swap3A_139, %swap3A_140] {strides = array<i32>} : memref<160x128xf32, #tpu.memory_space<vmem>>, vector<16xf32>,
        tpu.vector_store %arg5[%swap3A_139, %swap3A_140], %div3A_138 {strides = array<i32>} : memref<160x128xf32, #tpu.memory_space<vmem>>, vector<16xf32>,
        %get3A_142 = arith.index_cast %scan3A_73 : i32 to index
        %get3A_143 = arith.constant 80 : index
        %get3A_144 = tpu.vector_load %arg6[%get3A_142, %get3A_143] {strides = array<i32>} : memref<160x128xi32, #tpu.memory_space<vmem>>, vector<16xi32>,
        %gather3A_145 = tpu.vector_load_idx %arg7[%get3A_144] : memref<10240xf32, #tpu.memory_space<vmem>>[vector<16xi32>], vector<16xf32>,
        %get3A_146 = arith.index_cast %scan3A_73 : i32 to index
        %get3A_147 = arith.constant 80 : index
        %get3A_148 = tpu.vector_load %arg5[%get3A_146, %get3A_147] {strides = array<i32>} : memref<160x128xf32, #tpu.memory_space<vmem>>, vector<16xf32>,
        %add3A_149 = arith.constant 1.000000e-16 : f32
        %add3A_150 = vector.broadcast %add3A_149 : f32 to vector<16xf32>
        %add3A_151 = arith.addf %gather3A_145, %add3A_150 : vector<16xf32>
        %div3A_152 = arith.divf %get3A_148, %add3A_151 : vector<16xf32>
        %swap3A_153 = arith.index_cast %scan3A_73 : i32 to index
        %swap3A_154 = arith.constant 80 : index
        %swap3A_155 = tpu.vector_load %arg5[%swap3A_153, %swap3A_154] {strides = array<i32>} : memref<160x128xf32, #tpu.memory_space<vmem>>, vector<16xf32>,
        tpu.vector_store %arg5[%swap3A_153, %swap3A_154], %div3A_152 {strides = array<i32>} : memref<160x128xf32, #tpu.memory_space<vmem>>, vector<16xf32>,
        %get3A_156 = arith.index_cast %scan3A_73 : i32 to index
        %get3A_157 = arith.constant 96 : index
        %get3A_158 = tpu.vector_load %arg6[%get3A_156, %get3A_157] {strides = array<i32>} : memref<160x128xi32, #tpu.memory_space<vmem>>, vector<16xi32>,
        %gather3A_159 = tpu.vector_load_idx %arg7[%get3A_158] : memref<10240xf32, #tpu.memory_space<vmem>>[vector<16xi32>], vector<16xf32>,
        %get3A_160 = arith.index_cast %scan3A_73 : i32 to index
        %get3A_161 = arith.constant 96 : index
        %get3A_162 = tpu.vector_load %arg5[%get3A_160, %get3A_161] {strides = array<i32>} : memref<160x128xf32, #tpu.memory_space<vmem>>, vector<16xf32>,
        %add3A_163 = arith.constant 1.000000e-16 : f32
        %add3A_164 = vector.broadcast %add3A_163 : f32 to vector<16xf32>
        %add3A_165 = arith.addf %gather3A_159, %add3A_164 : vector<16xf32>
        %div3A_166 = arith.divf %get3A_162, %add3A_165 : vector<16xf32>
        %swap3A_167 = arith.index_cast %scan3A_73 : i32 to index
        %swap3A_168 = arith.constant 96 : index
        %swap3A_169 = tpu.vector_load %arg5[%swap3A_167, %swap3A_168] {strides = array<i32>} : memref<160x128xf32, #tpu.memory_space<vmem>>, vector<16xf32>,
        tpu.vector_store %arg5[%swap3A_167, %swap3A_168], %div3A_166 {strides = array<i32>} : memref<160x128xf32, #tpu.memory_space<vmem>>, vector<16xf32>,
        %get3A_170 = arith.index_cast %scan3A_73 : i32 to index
        %get3A_171 = arith.constant 112 : index
        %get3A_172 = tpu.vector_load %arg6[%get3A_170, %get3A_171] {strides = array<i32>} : memref<160x128xi32, #tpu.memory_space<vmem>>, vector<16xi32>,
        %gather3A_173 = tpu.vector_load_idx %arg7[%get3A_172] : memref<10240xf32, #tpu.memory_space<vmem>>[vector<16xi32>], vector<16xf32>,
        %get3A_174 = arith.index_cast %scan3A_73 : i32 to index
        %get3A_175 = arith.constant 112 : index
        %get3A_176 = tpu.vector_load %arg5[%get3A_174, %get3A_175] {strides = array<i32>} : memref<160x128xf32, #tpu.memory_space<vmem>>, vector<16xf32>,
        %add3A_177 = arith.constant 1.000000e-16 : f32
        %add3A_178 = vector.broadcast %add3A_177 : f32 to vector<16xf32>
        %add3A_179 = arith.addf %gather3A_173, %add3A_178 : vector<16xf32>
        %div3A_180 = arith.divf %get3A_176, %add3A_179 : vector<16xf32>
        %swap3A_181 = arith.index_cast %scan3A_73 : i32 to index
        %swap3A_182 = arith.constant 112 : index
        %swap3A_183 = tpu.vector_load %arg5[%swap3A_181, %swap3A_182] {strides = array<i32>} : memref<160x128xf32, #tpu.memory_space<vmem>>, vector<16xf32>,
        tpu.vector_store %arg5[%swap3A_181, %swap3A_182], %div3A_180 {strides = array<i32>} : memref<160x128xf32, #tpu.memory_space<vmem>>, vector<16xf32>,
      }
      %scan3A_72 = arith.constant 160 : i32
      "tpu.region"() ({
        %run_scoped3A = tpu.sem_alloc : memref<!tpu.dma_semaphore, #tpu.memory_space<semaphore_mem>>
        %dma_start3A = arith.constant 0 : i32
        %dma_start3A_73 = tpu.memref_slice %arg4[%mul3A_2, %dma_start3A] : memref<2560x128xf32, #tpu.memory_space<hbm>> -> memref<160x128xf32, #tpu.memory_space<hbm>>
        %dma_start3A_74 = arith.constant 0 : i32
        %dma_start3A_75 = tpu.memref_slice %arg4[%mul3A_2, %dma_start3A_74] : memref<2560x128xf32, #tpu.memory_space<hbm>> -> memref<160x128xf32, #tpu.memory_space<hbm>>
        tpu.enqueue_dma source(%arg5 : memref<160x128xf32, #tpu.memory_space<vmem>>) target(%dma_start3A_75 : memref<160x128xf32, #tpu.memory_space<hbm>>) target_semaphore(%run_scoped3A : memref<!tpu.dma_semaphore, #tpu.memory_space<semaphore_mem>>)
        %dma_wait3A = arith.constant 0 : i32
        %dma_wait3A_76 = tpu.memref_slice %arg4[%mul3A_2, %dma_wait3A] : memref<2560x128xf32, #tpu.memory_space<hbm>> -> memref<160x128xf32, #tpu.memory_space<hbm>>
        %dma_wait3A_77 = arith.constant 0 : i32
        %dma_wait3A_78 = tpu.memref_slice %arg4[%mul3A_2, %dma_wait3A_77] : memref<2560x128xf32, #tpu.memory_space<hbm>> -> memref<160x128xf32, #tpu.memory_space<hbm>>
        tpu.wait_dma2 semaphore(%run_scoped3A : memref<!tpu.dma_semaphore, #tpu.memory_space<semaphore_mem>>) src(%arg5 : memref<160x128xf32, #tpu.memory_space<vmem>>) dst(%dma_wait3A_78 : memref<160x128xf32, #tpu.memory_space<hbm>>)
        tpu.yield
      }) : () -> ()
    } else {
    }
    return
  }
}

#map = affine_map<(d0, d1) -> (0, 0)>
#map1 = affine_map<(d0, d1) -> (0)>
module attributes {stable_mosaic.version = 14 : i64} {
  func.func @_gather_body(%arg0: i32, %arg1: i32, %arg2: memref<10000x256xi32, #tpu.memory_space<hbm>>, %arg3: memref<10000x128xf32, #tpu.memory_space<hbm>>, %arg4: memref<327680xi32, #tpu.memory_space<hbm>>, %arg5: memref<327680xi32, #tpu.memory_space<hbm>>, %arg6: memref<327680x256xi32, #tpu.memory_space<hbm>>, %arg7: memref<327680x128xf32, #tpu.memory_space<hbm>>, %arg8: memref<80xi32, #tpu.memory_space<vmem>>, %arg9: memref<80xi32, #tpu.memory_space<vmem>>, %arg10: memref<80x256xi32, #tpu.memory_space<vmem>>, %arg11: memref<80x128xf32, #tpu.memory_space<vmem>>, %arg12: memref<!tpu.dma_semaphore, #tpu.memory_space<semaphore_mem>>) attributes {dimension_semantics = [#tpu.dimension_semantics<core_parallel>, #tpu.dimension_semantics<subcore_parallel>], iteration_bounds = array<i64: 2, 16>, scalar_prefetch = 0 : i64, scratch_operands = 5 : i64, tpu.core_type = #tpu.core_type<sc_vector_subcore>, window_params = [{transform_indices = #map}, {transform_indices = #map}, {transform_indices = #map1}, {transform_indices = #map1}, {transform_indices = #map}, {transform_indices = #map}]} {
    %mul3A = arith.constant 2 : i32
    %mul3A_0 = arith.muli %arg1, %mul3A : i32
    %add3A = arith.addi %mul3A_0, %arg0 : i32
    %mul3A_1 = arith.constant 10240 : i32
    %mul3A_2 = arith.muli %add3A, %mul3A_1 : i32
    %scan3A = arith.constant 0 : i32
    %scan3A_3 = arith.constant 0 : i32
    %scan3A_4 = arith.constant 128 : i32
    %scan3A_5 = arith.addi %scan3A_3, %scan3A_4 : i32
    %scan3A_6 = arith.constant 1 : i32
    scf.for %scan3A_8 = %scan3A_3 to %scan3A_5 step %scan3A_6  : i32 {
      %mul3A_9 = arith.constant 80 : i32
      %mul3A_10 = arith.muli %scan3A_8, %mul3A_9 : i32
      %add3A_11 = arith.addi %mul3A_2, %mul3A_10 : i32
      "tpu.region"() ({
        %run_scoped3A = tpu.sem_alloc : memref<!tpu.dma_semaphore, #tpu.memory_space<semaphore_mem>>
        %dma_start3A_22 = tpu.memref_slice %arg4[%add3A_11] : memref<327680xi32, #tpu.memory_space<hbm>> -> memref<80xi32, #tpu.memory_space<hbm>>
        %dma_start3A_23 = tpu.memref_slice %arg4[%add3A_11] : memref<327680xi32, #tpu.memory_space<hbm>> -> memref<80xi32, #tpu.memory_space<hbm>>
        tpu.enqueue_dma source(%dma_start3A_23 : memref<80xi32, #tpu.memory_space<hbm>>) target(%arg8 : memref<80xi32, #tpu.memory_space<vmem>>) target_semaphore(%run_scoped3A : memref<!tpu.dma_semaphore, #tpu.memory_space<semaphore_mem>>)
        %dma_wait3A_24 = tpu.memref_slice %arg4[%add3A_11] : memref<327680xi32, #tpu.memory_space<hbm>> -> memref<80xi32, #tpu.memory_space<hbm>>
        %dma_wait3A_25 = tpu.memref_slice %arg4[%add3A_11] : memref<327680xi32, #tpu.memory_space<hbm>> -> memref<80xi32, #tpu.memory_space<hbm>>
        tpu.wait_dma2 semaphore(%run_scoped3A : memref<!tpu.dma_semaphore, #tpu.memory_space<semaphore_mem>>) src(%dma_wait3A_25 : memref<80xi32, #tpu.memory_space<hbm>>) dst(%arg8 : memref<80xi32, #tpu.memory_space<vmem>>)
        tpu.yield
      }) : () -> ()
      "tpu.region"() ({
        %run_scoped3A = tpu.sem_alloc : memref<!tpu.dma_semaphore, #tpu.memory_space<semaphore_mem>>
        %dma_start3A_22 = tpu.memref_slice %arg5[%add3A_11] : memref<327680xi32, #tpu.memory_space<hbm>> -> memref<80xi32, #tpu.memory_space<hbm>>
        %dma_start3A_23 = tpu.memref_slice %arg5[%add3A_11] : memref<327680xi32, #tpu.memory_space<hbm>> -> memref<80xi32, #tpu.memory_space<hbm>>
        tpu.enqueue_dma source(%dma_start3A_23 : memref<80xi32, #tpu.memory_space<hbm>>) target(%arg9 : memref<80xi32, #tpu.memory_space<vmem>>) target_semaphore(%run_scoped3A : memref<!tpu.dma_semaphore, #tpu.memory_space<semaphore_mem>>)
        %dma_wait3A_24 = tpu.memref_slice %arg5[%add3A_11] : memref<327680xi32, #tpu.memory_space<hbm>> -> memref<80xi32, #tpu.memory_space<hbm>>
        %dma_wait3A_25 = tpu.memref_slice %arg5[%add3A_11] : memref<327680xi32, #tpu.memory_space<hbm>> -> memref<80xi32, #tpu.memory_space<hbm>>
        tpu.wait_dma2 semaphore(%run_scoped3A : memref<!tpu.dma_semaphore, #tpu.memory_space<semaphore_mem>>) src(%dma_wait3A_25 : memref<80xi32, #tpu.memory_space<hbm>>) dst(%arg9 : memref<80xi32, #tpu.memory_space<vmem>>)
        tpu.yield
      }) : () -> ()
      %dma_start3A = arith.constant 0 : i32
      %dma_start3A_12 = arith.constant 0 : i32
      %dma_start3A_13 = tpu.memref_slice %arg2[%dma_start3A, %dma_start3A_12] : memref<10000x256xi32, #tpu.memory_space<hbm>> -> memref<10000x256xi32, #tpu.memory_space<hbm>>
      tpu.enqueue_indirect_dma source(%dma_start3A_13 : memref<10000x256xi32, #tpu.memory_space<hbm>>) target(%arg10 : memref<80x256xi32, #tpu.memory_space<vmem>>) offsets(%arg8 : memref<80xi32, #tpu.memory_space<vmem>>) semaphore(%arg12 : memref<!tpu.dma_semaphore, #tpu.memory_space<semaphore_mem>>)
      %dma_start3A_14 = arith.constant 0 : i32
      %dma_start3A_15 = arith.constant 0 : i32
      %dma_start3A_16 = tpu.memref_slice %arg3[%dma_start3A_14, %dma_start3A_15] : memref<10000x128xf32, #tpu.memory_space<hbm>> -> memref<10000x128xf32, #tpu.memory_space<hbm>>
      tpu.enqueue_indirect_dma source(%dma_start3A_16 : memref<10000x128xf32, #tpu.memory_space<hbm>>) target(%arg11 : memref<80x128xf32, #tpu.memory_space<vmem>>) offsets(%arg9 : memref<80xi32, #tpu.memory_space<vmem>>) semaphore(%arg12 : memref<!tpu.dma_semaphore, #tpu.memory_space<semaphore_mem>>)
      %dma_wait3A = arith.constant 0 : i32
      %dma_wait3A_17 = arith.constant 0 : i32
      %dma_wait3A_18 = tpu.memref_slice %arg2[%dma_wait3A, %dma_wait3A_17] : memref<10000x256xi32, #tpu.memory_space<hbm>> -> memref<10000x256xi32, #tpu.memory_space<hbm>>
      tpu.wait_indirect_dma semaphore(%arg12 : memref<!tpu.dma_semaphore, #tpu.memory_space<semaphore_mem>>) src(%dma_wait3A_18 : memref<10000x256xi32, #tpu.memory_space<hbm>>) dst(%arg10 : memref<80x256xi32, #tpu.memory_space<vmem>>)
      %dma_wait3A_19 = arith.constant 0 : i32
      %dma_wait3A_20 = arith.constant 0 : i32
      %dma_wait3A_21 = tpu.memref_slice %arg3[%dma_wait3A_19, %dma_wait3A_20] : memref<10000x128xf32, #tpu.memory_space<hbm>> -> memref<10000x128xf32, #tpu.memory_space<hbm>>
      tpu.wait_indirect_dma semaphore(%arg12 : memref<!tpu.dma_semaphore, #tpu.memory_space<semaphore_mem>>) src(%dma_wait3A_21 : memref<10000x128xf32, #tpu.memory_space<hbm>>) dst(%arg11 : memref<80x128xf32, #tpu.memory_space<vmem>>)
      "tpu.region"() ({
        %run_scoped3A = tpu.sem_alloc : memref<!tpu.dma_semaphore, #tpu.memory_space<semaphore_mem>>
        %dma_start3A_22 = arith.constant 0 : i32
        %dma_start3A_23 = tpu.memref_slice %arg6[%add3A_11, %dma_start3A_22] : memref<327680x256xi32, #tpu.memory_space<hbm>> -> memref<80x256xi32, #tpu.memory_space<hbm>>
        %dma_start3A_24 = arith.constant 0 : i32
        %dma_start3A_25 = tpu.memref_slice %arg6[%add3A_11, %dma_start3A_24] : memref<327680x256xi32, #tpu.memory_space<hbm>> -> memref<80x256xi32, #tpu.memory_space<hbm>>
        tpu.enqueue_dma source(%arg10 : memref<80x256xi32, #tpu.memory_space<vmem>>) target(%dma_start3A_25 : memref<80x256xi32, #tpu.memory_space<hbm>>) target_semaphore(%run_scoped3A : memref<!tpu.dma_semaphore, #tpu.memory_space<semaphore_mem>>)
        %dma_wait3A_26 = arith.constant 0 : i32
        %dma_wait3A_27 = tpu.memref_slice %arg6[%add3A_11, %dma_wait3A_26] : memref<327680x256xi32, #tpu.memory_space<hbm>> -> memref<80x256xi32, #tpu.memory_space<hbm>>
        %dma_wait3A_28 = arith.constant 0 : i32
        %dma_wait3A_29 = tpu.memref_slice %arg6[%add3A_11, %dma_wait3A_28] : memref<327680x256xi32, #tpu.memory_space<hbm>> -> memref<80x256xi32, #tpu.memory_space<hbm>>
        tpu.wait_dma2 semaphore(%run_scoped3A : memref<!tpu.dma_semaphore, #tpu.memory_space<semaphore_mem>>) src(%arg10 : memref<80x256xi32, #tpu.memory_space<vmem>>) dst(%dma_wait3A_29 : memref<80x256xi32, #tpu.memory_space<hbm>>)
        tpu.yield
      }) : () -> ()
      "tpu.region"() ({
        %run_scoped3A = tpu.sem_alloc : memref<!tpu.dma_semaphore, #tpu.memory_space<semaphore_mem>>
        %dma_start3A_22 = arith.constant 0 : i32
        %dma_start3A_23 = tpu.memref_slice %arg7[%add3A_11, %dma_start3A_22] : memref<327680x128xf32, #tpu.memory_space<hbm>> -> memref<80x128xf32, #tpu.memory_space<hbm>>
        %dma_start3A_24 = arith.constant 0 : i32
        %dma_start3A_25 = tpu.memref_slice %arg7[%add3A_11, %dma_start3A_24] : memref<327680x128xf32, #tpu.memory_space<hbm>> -> memref<80x128xf32, #tpu.memory_space<hbm>>
        tpu.enqueue_dma source(%arg11 : memref<80x128xf32, #tpu.memory_space<vmem>>) target(%dma_start3A_25 : memref<80x128xf32, #tpu.memory_space<hbm>>) target_semaphore(%run_scoped3A : memref<!tpu.dma_semaphore, #tpu.memory_space<semaphore_mem>>)
        %dma_wait3A_26 = arith.constant 0 : i32
        %dma_wait3A_27 = tpu.memref_slice %arg7[%add3A_11, %dma_wait3A_26] : memref<327680x128xf32, #tpu.memory_space<hbm>> -> memref<80x128xf32, #tpu.memory_space<hbm>>
        %dma_wait3A_28 = arith.constant 0 : i32
        %dma_wait3A_29 = tpu.memref_slice %arg7[%add3A_11, %dma_wait3A_28] : memref<327680x128xf32, #tpu.memory_space<hbm>> -> memref<80x128xf32, #tpu.memory_space<hbm>>
        tpu.wait_dma2 semaphore(%run_scoped3A : memref<!tpu.dma_semaphore, #tpu.memory_space<semaphore_mem>>) src(%arg11 : memref<80x128xf32, #tpu.memory_space<vmem>>) dst(%dma_wait3A_29 : memref<80x128xf32, #tpu.memory_space<hbm>>)
        tpu.yield
      }) : () -> ()
    }
    %scan3A_7 = arith.constant 128 : i32
    return
  }
}

#map = affine_map<(d0, d1) -> (0, 0)>
module attributes {stable_mosaic.version = 14 : i64} {
  func.func @_softmax_body(%arg0: i32, %arg1: i32, %arg2: memref<2560x128xf32, #tpu.memory_space<hbm>>, %arg3: memref<2560x128xi32, #tpu.memory_space<hbm>>, %arg4: memref<2560x128xf32, #tpu.memory_space<hbm>>, %arg5: memref<160x128xf32, #tpu.memory_space<vmem>>, %arg6: memref<160x128xi32, #tpu.memory_space<vmem>>, %arg7: memref<10240xf32, #tpu.memory_space<vmem>>, %arg8: memref<640xf32, #tpu.memory_space<vmem>>, %arg9: memref<16xf32, #tpu.memory_space<vmem>>, %arg10: memref<256xf32, #tpu.memory_space<vmem>>, %arg11: memref<10496xf32, #tpu.memory_space<vmem_shared>>, %arg12: memref<!tpu.dma_semaphore, #tpu.memory_space<semaphore_mem>>) attributes {dimension_semantics = [#tpu.dimension_semantics<core_parallel>, #tpu.dimension_semantics<subcore_parallel>], iteration_bounds = array<i64: 2, 16>, scalar_prefetch = 0 : i64, scratch_operands = 8 : i64, tpu.core_type = #tpu.core_type<sc_vector_subcore>, window_params = [{transform_indices = #map}, {transform_indices = #map}, {transform_indices = #map}]} {
    %eq3A = arith.constant 0 : i32
    %eq3A_0 = arith.cmpi eq, %arg0, %eq3A : i32
    %convert_element_type3A = arith.extui %eq3A_0 : i1 to i32
    %cond3A = arith.constant 0 : i32
    %cond3A_1 = arith.cmpi ne, %convert_element_type3A, %cond3A : i32
    scf.if %cond3A_1 {
      %mul3A = arith.constant 160 : i32
      %mul3A_2 = arith.muli %arg1, %mul3A : i32
      "tpu.region"() ({
        %run_scoped3A = tpu.sem_alloc : memref<!tpu.dma_semaphore, #tpu.memory_space<semaphore_mem>>
        %dma_start3A = arith.constant 0 : i32
        %dma_start3A_73 = tpu.memref_slice %arg2[%mul3A_2, %dma_start3A] : memref<2560x128xf32, #tpu.memory_space<hbm>> -> memref<160x128xf32, #tpu.memory_space<hbm>>
        %dma_start3A_74 = arith.constant 0 : i32
        %dma_start3A_75 = tpu.memref_slice %arg2[%mul3A_2, %dma_start3A_74] : memref<2560x128xf32, #tpu.memory_space<hbm>> -> memref<160x128xf32, #tpu.memory_space<hbm>>
        tpu.enqueue_dma source(%dma_start3A_75 : memref<160x128xf32, #tpu.memory_space<hbm>>) target(%arg5 : memref<160x128xf32, #tpu.memory_space<vmem>>) target_semaphore(%run_scoped3A : memref<!tpu.dma_semaphore, #tpu.memory_space<semaphore_mem>>)
        %dma_wait3A = arith.constant 0 : i32
        %dma_wait3A_76 = tpu.memref_slice %arg2[%mul3A_2, %dma_wait3A] : memref<2560x128xf32, #tpu.memory_space<hbm>> -> memref<160x128xf32, #tpu.memory_space<hbm>>
        %dma_wait3A_77 = arith.constant 0 : i32
        %dma_wait3A_78 = tpu.memref_slice %arg2[%mul3A_2, %dma_wait3A_77] : memref<2560x128xf32, #tpu.memory_space<hbm>> -> memref<160x128xf32, #tpu.memory_space<hbm>>
        tpu.wait_dma2 semaphore(%run_scoped3A : memref<!tpu.dma_semaphore, #tpu.memory_space<semaphore_mem>>) src(%dma_wait3A_78 : memref<160x128xf32, #tpu.memory_space<hbm>>) dst(%arg5 : memref<160x128xf32, #tpu.memory_space<vmem>>)
        tpu.yield
      }) : () -> ()
      "tpu.region"() ({
        %run_scoped3A = tpu.sem_alloc : memref<!tpu.dma_semaphore, #tpu.memory_space<semaphore_mem>>
        %dma_start3A = arith.constant 0 : i32
        %dma_start3A_73 = tpu.memref_slice %arg3[%mul3A_2, %dma_start3A] : memref<2560x128xi32, #tpu.memory_space<hbm>> -> memref<160x128xi32, #tpu.memory_space<hbm>>
        %dma_start3A_74 = arith.constant 0 : i32
        %dma_start3A_75 = tpu.memref_slice %arg3[%mul3A_2, %dma_start3A_74] : memref<2560x128xi32, #tpu.memory_space<hbm>> -> memref<160x128xi32, #tpu.memory_space<hbm>>
        tpu.enqueue_dma source(%dma_start3A_75 : memref<160x128xi32, #tpu.memory_space<hbm>>) target(%arg6 : memref<160x128xi32, #tpu.memory_space<vmem>>) target_semaphore(%run_scoped3A : memref<!tpu.dma_semaphore, #tpu.memory_space<semaphore_mem>>)
        %dma_wait3A = arith.constant 0 : i32
        %dma_wait3A_76 = tpu.memref_slice %arg3[%mul3A_2, %dma_wait3A] : memref<2560x128xi32, #tpu.memory_space<hbm>> -> memref<160x128xi32, #tpu.memory_space<hbm>>
        %dma_wait3A_77 = arith.constant 0 : i32
        %dma_wait3A_78 = tpu.memref_slice %arg3[%mul3A_2, %dma_wait3A_77] : memref<2560x128xi32, #tpu.memory_space<hbm>> -> memref<160x128xi32, #tpu.memory_space<hbm>>
        tpu.wait_dma2 semaphore(%run_scoped3A : memref<!tpu.dma_semaphore, #tpu.memory_space<semaphore_mem>>) src(%dma_wait3A_78 : memref<160x128xi32, #tpu.memory_space<hbm>>) dst(%arg6 : memref<160x128xi32, #tpu.memory_space<vmem>>)
        tpu.yield
      }) : () -> ()
      %scan3A = arith.constant 0 : i32
      %scan3A_3 = arith.constant 0 : i32
      %scan3A_4 = arith.constant 40 : i32
      %scan3A_5 = arith.addi %scan3A_3, %scan3A_4 : i32
      %scan3A_6 = arith.constant 1 : i32
      scf.for %scan3A_73 = %scan3A_3 to %scan3A_5 step %scan3A_6  : i32 {
        %broadcast_in_dim3A_74 = arith.constant 0.000000e+00 : f32
        %broadcast_in_dim3A_75 = vector.broadcast %broadcast_in_dim3A_74 : f32 to vector<16xf32>
        %mul3A_76 = arith.constant 16 : i32
        %mul3A_77 = arith.muli %scan3A_73, %mul3A_76 : i32
        %swap3A_78 = arith.index_cast %mul3A_77 : i32 to index
        %swap3A_79 = tpu.vector_load %arg8[%swap3A_78] {strides = array<i32>} : memref<640xf32, #tpu.memory_space<vmem>>, vector<16xf32>,
        tpu.vector_store %arg8[%swap3A_78], %broadcast_in_dim3A_75 {strides = array<i32>} : memref<640xf32, #tpu.memory_space<vmem>>, vector<16xf32>,
      }
      %scan3A_7 = arith.constant 40 : i32
      %mul3A_8 = arith.constant 640 : i32
      %mul3A_9 = arith.muli %arg1, %mul3A_8 : i32
      "tpu.region"() ({
        %run_scoped3A = tpu.sem_alloc : memref<!tpu.dma_semaphore, #tpu.memory_space<semaphore_mem>>
        %dma_start3A = tpu.memref_slice %arg11[%mul3A_9] : memref<10496xf32, #tpu.memory_space<vmem_shared>> -> memref<640xf32, #tpu.memory_space<vmem_shared>>
        %dma_start3A_73 = tpu.memref_slice %arg11[%mul3A_9] : memref<10496xf32, #tpu.memory_space<vmem_shared>> -> memref<640xf32, #tpu.memory_space<vmem_shared>>
        tpu.enqueue_dma source(%arg8 : memref<640xf32, #tpu.memory_space<vmem>>) target(%dma_start3A_73 : memref<640xf32, #tpu.memory_space<vmem_shared>>) target_semaphore(%run_scoped3A : memref<!tpu.dma_semaphore, #tpu.memory_space<semaphore_mem>>)
        %dma_wait3A = tpu.memref_slice %arg11[%mul3A_9] : memref<10496xf32, #tpu.memory_space<vmem_shared>> -> memref<640xf32, #tpu.memory_space<vmem_shared>>
        %dma_wait3A_74 = tpu.memref_slice %arg11[%mul3A_9] : memref<10496xf32, #tpu.memory_space<vmem_shared>> -> memref<640xf32, #tpu.memory_space<vmem_shared>>
        tpu.wait_dma2 semaphore(%run_scoped3A : memref<!tpu.dma_semaphore, #tpu.memory_space<semaphore_mem>>) src(%arg8 : memref<640xf32, #tpu.memory_space<vmem>>) dst(%dma_wait3A_74 : memref<640xf32, #tpu.memory_space<vmem_shared>>)
        tpu.yield
      }) : () -> ()
      %broadcast_in_dim3A = arith.constant -1.000000e+30 : f32
      %broadcast_in_dim3A_10 = vector.broadcast %broadcast_in_dim3A : f32 to vector<16xf32>
      %scan3A_11 = arith.constant 0 : i32
      %scan3A_12 = arith.constant 160 : i32
      %scan3A_13 = arith.addi %scan3A_11, %scan3A_12 : i32
      %scan3A_14 = arith.constant 1 : i32
      %scan3A_15 = scf.for %scan3A_73 = %scan3A_11 to %scan3A_13 step %scan3A_14 iter_args(%scan3A_74 = %broadcast_in_dim3A_10) -> (vector<16xf32>)  : i32 {
        %get3A = arith.index_cast %scan3A_73 : i32 to index
        %get3A_75 = arith.constant 0 : index
        %get3A_76 = tpu.vector_load %arg5[%get3A, %get3A_75] {strides = array<i32>} : memref<160x128xf32, #tpu.memory_space<vmem>>, vector<16xf32>,
        %max3A_77 = arith.maximumf %scan3A_74, %get3A_76 : vector<16xf32>
        %get3A_78 = arith.index_cast %scan3A_73 : i32 to index
        %get3A_79 = arith.constant 16 : index
        %get3A_80 = tpu.vector_load %arg5[%get3A_78, %get3A_79] {strides = array<i32>} : memref<160x128xf32, #tpu.memory_space<vmem>>, vector<16xf32>,
        %max3A_81 = arith.maximumf %max3A_77, %get3A_80 : vector<16xf32>
        %get3A_82 = arith.index_cast %scan3A_73 : i32 to index
        %get3A_83 = arith.constant 32 : index
        %get3A_84 = tpu.vector_load %arg5[%get3A_82, %get3A_83] {strides = array<i32>} : memref<160x128xf32, #tpu.memory_space<vmem>>, vector<16xf32>,
        %max3A_85 = arith.maximumf %max3A_81, %get3A_84 : vector<16xf32>
        %get3A_86 = arith.index_cast %scan3A_73 : i32 to index
        %get3A_87 = arith.constant 48 : index
        %get3A_88 = tpu.vector_load %arg5[%get3A_86, %get3A_87] {strides = array<i32>} : memref<160x128xf32, #tpu.memory_space<vmem>>, vector<16xf32>,
        %max3A_89 = arith.maximumf %max3A_85, %get3A_88 : vector<16xf32>
        %get3A_90 = arith.index_cast %scan3A_73 : i32 to index
        %get3A_91 = arith.constant 64 : index
        %get3A_92 = tpu.vector_load %arg5[%get3A_90, %get3A_91] {strides = array<i32>} : memref<160x128xf32, #tpu.memory_space<vmem>>, vector<16xf32>,
        %max3A_93 = arith.maximumf %max3A_89, %get3A_92 : vector<16xf32>
        %get3A_94 = arith.index_cast %scan3A_73 : i32 to index
        %get3A_95 = arith.constant 80 : index
        %get3A_96 = tpu.vector_load %arg5[%get3A_94, %get3A_95] {strides = array<i32>} : memref<160x128xf32, #tpu.memory_space<vmem>>, vector<16xf32>,
        %max3A_97 = arith.maximumf %max3A_93, %get3A_96 : vector<16xf32>
        %get3A_98 = arith.index_cast %scan3A_73 : i32 to index
        %get3A_99 = arith.constant 96 : index
        %get3A_100 = tpu.vector_load %arg5[%get3A_98, %get3A_99] {strides = array<i32>} : memref<160x128xf32, #tpu.memory_space<vmem>>, vector<16xf32>,
        %max3A_101 = arith.maximumf %max3A_97, %get3A_100 : vector<16xf32>
        %get3A_102 = arith.index_cast %scan3A_73 : i32 to index
        %get3A_103 = arith.constant 112 : index
        %get3A_104 = tpu.vector_load %arg5[%get3A_102, %get3A_103] {strides = array<i32>} : memref<160x128xf32, #tpu.memory_space<vmem>>, vector<16xf32>,
        %max3A_105 = arith.maximumf %max3A_101, %get3A_104 : vector<16xf32>
        scf.yield %max3A_105 : vector<16xf32>
      }
      %scan3A_16 = arith.constant 160 : i32
      %iota3A = tpu.iota {dimensions = array<i32: 0>} : vector<16xi32>
      %xor3A = arith.constant 8 : i32
      %xor3A_17 = vector.broadcast %xor3A : i32 to vector<16xi32>
      %xor3A_18 = arith.xori %iota3A, %xor3A_17 : vector<16xi32>
      %broadcast_in_dim3A_19 = vector.shape_cast %xor3A_18 : vector<16xi32> to vector<16x1xi32>
      %gather3A = vector.shape_cast %broadcast_in_dim3A_19 : vector<16x1xi32> to vector<16xi32>
      %gather3A_20 = tpu.dynamic_gather %scan3A_15[%gather3A] in [0] : vector<16xf32>, vector<16xi32> -> vector<16xf32>
      %max3A = arith.maximumf %scan3A_15, %gather3A_20 : vector<16xf32>
      %xor3A_21 = arith.constant 4 : i32
      %xor3A_22 = vector.broadcast %xor3A_21 : i32 to vector<16xi32>
      %xor3A_23 = arith.xori %iota3A, %xor3A_22 : vector<16xi32>
      %broadcast_in_dim3A_24 = vector.shape_cast %xor3A_23 : vector<16xi32> to vector<16x1xi32>
      %gather3A_25 = vector.shape_cast %broadcast_in_dim3A_24 : vector<16x1xi32> to vector<16xi32>
      %gather3A_26 = tpu.dynamic_gather %max3A[%gather3A_25] in [0] : vector<16xf32>, vector<16xi32> -> vector<16xf32>
      %max3A_27 = arith.maximumf %max3A, %gather3A_26 : vector<16xf32>
      %xor3A_28 = arith.constant 2 : i32
      %xor3A_29 = vector.broadcast %xor3A_28 : i32 to vector<16xi32>
      %xor3A_30 = arith.xori %iota3A, %xor3A_29 : vector<16xi32>
      %broadcast_in_dim3A_31 = vector.shape_cast %xor3A_30 : vector<16xi32> to vector<16x1xi32>
      %gather3A_32 = vector.shape_cast %broadcast_in_dim3A_31 : vector<16x1xi32> to vector<16xi32>
      %gather3A_33 = tpu.dynamic_gather %max3A_27[%gather3A_32] in [0] : vector<16xf32>, vector<16xi32> -> vector<16xf32>
      %max3A_34 = arith.maximumf %max3A_27, %gather3A_33 : vector<16xf32>
      %xor3A_35 = arith.constant 1 : i32
      %xor3A_36 = vector.broadcast %xor3A_35 : i32 to vector<16xi32>
      %xor3A_37 = arith.xori %iota3A, %xor3A_36 : vector<16xi32>
      %broadcast_in_dim3A_38 = vector.shape_cast %xor3A_37 : vector<16xi32> to vector<16x1xi32>
      %gather3A_39 = vector.shape_cast %broadcast_in_dim3A_38 : vector<16x1xi32> to vector<16xi32>
      %gather3A_40 = tpu.dynamic_gather %max3A_34[%gather3A_39] in [0] : vector<16xf32>, vector<16xi32> -> vector<16xf32>
      %max3A_41 = arith.maximumf %max3A_34, %gather3A_40 : vector<16xf32>
      %swap3A = arith.constant 0 : index
      %swap3A_42 = tpu.vector_load %arg9[%swap3A] {strides = array<i32>} : memref<16xf32, #tpu.memory_space<vmem>>, vector<16xf32>,
      tpu.vector_store %arg9[%swap3A], %max3A_41 {strides = array<i32>} : memref<16xf32, #tpu.memory_space<vmem>>, vector<16xf32>,
      %mul3A_43 = arith.constant 16 : i32
      %mul3A_44 = arith.muli %arg1, %mul3A_43 : i32
      %add3A = arith.constant 10240 : i32
      %add3A_45 = arith.addi %add3A, %mul3A_44 : i32
      "tpu.region"() ({
        %run_scoped3A = tpu.sem_alloc : memref<!tpu.dma_semaphore, #tpu.memory_space<semaphore_mem>>
        %dma_start3A = tpu.memref_slice %arg11[%add3A_45] : memref<10496xf32, #tpu.memory_space<vmem_shared>> -> memref<16xf32, #tpu.memory_space<vmem_shared>>
        %dma_start3A_73 = tpu.memref_slice %arg11[%add3A_45] : memref<10496xf32, #tpu.memory_space<vmem_shared>> -> memref<16xf32, #tpu.memory_space<vmem_shared>>
        tpu.enqueue_dma source(%arg9 : memref<16xf32, #tpu.memory_space<vmem>>) target(%dma_start3A_73 : memref<16xf32, #tpu.memory_space<vmem_shared>>) target_semaphore(%run_scoped3A : memref<!tpu.dma_semaphore, #tpu.memory_space<semaphore_mem>>)
        %dma_wait3A = tpu.memref_slice %arg11[%add3A_45] : memref<10496xf32, #tpu.memory_space<vmem_shared>> -> memref<16xf32, #tpu.memory_space<vmem_shared>>
        %dma_wait3A_74 = tpu.memref_slice %arg11[%add3A_45] : memref<10496xf32, #tpu.memory_space<vmem_shared>> -> memref<16xf32, #tpu.memory_space<vmem_shared>>
        tpu.wait_dma2 semaphore(%run_scoped3A : memref<!tpu.dma_semaphore, #tpu.memory_space<semaphore_mem>>) src(%arg9 : memref<16xf32, #tpu.memory_space<vmem>>) dst(%dma_wait3A_74 : memref<16xf32, #tpu.memory_space<vmem_shared>>)
        tpu.yield
      }) : () -> ()
      %barrier3A = arith.constant 0 : index
      tpu.barrier barrier_id(%barrier3A)
      "tpu.region"() ({
        %run_scoped3A = tpu.sem_alloc : memref<!tpu.dma_semaphore, #tpu.memory_space<semaphore_mem>>
        %dma_start3A = arith.constant 10240 : i32
        %dma_start3A_73 = tpu.memref_slice %arg11[%dma_start3A] : memref<10496xf32, #tpu.memory_space<vmem_shared>> -> memref<256xf32, #tpu.memory_space<vmem_shared>>
        %dma_start3A_74 = arith.constant 10240 : i32
        %dma_start3A_75 = tpu.memref_slice %arg11[%dma_start3A_74] : memref<10496xf32, #tpu.memory_space<vmem_shared>> -> memref<256xf32, #tpu.memory_space<vmem_shared>>
        tpu.enqueue_dma source(%dma_start3A_75 : memref<256xf32, #tpu.memory_space<vmem_shared>>) target(%arg10 : memref<256xf32, #tpu.memory_space<vmem>>) target_semaphore(%run_scoped3A : memref<!tpu.dma_semaphore, #tpu.memory_space<semaphore_mem>>)
        %dma_wait3A = arith.constant 10240 : i32
        %dma_wait3A_76 = tpu.memref_slice %arg11[%dma_wait3A] : memref<10496xf32, #tpu.memory_space<vmem_shared>> -> memref<256xf32, #tpu.memory_space<vmem_shared>>
        %dma_wait3A_77 = arith.constant 10240 : i32
        %dma_wait3A_78 = tpu.memref_slice %arg11[%dma_wait3A_77] : memref<10496xf32, #tpu.memory_space<vmem_shared>> -> memref<256xf32, #tpu.memory_space<vmem_shared>>
        tpu.wait_dma2 semaphore(%run_scoped3A : memref<!tpu.dma_semaphore, #tpu.memory_space<semaphore_mem>>) src(%dma_wait3A_78 : memref<256xf32, #tpu.memory_space<vmem_shared>>) dst(%arg10 : memref<256xf32, #tpu.memory_space<vmem>>)
        tpu.yield
      }) : () -> ()
      %broadcast_in_dim3A_46 = arith.constant -1.000000e+30 : f32
      %broadcast_in_dim3A_47 = vector.broadcast %broadcast_in_dim3A_46 : f32 to vector<16xf32>
      %scan3A_48 = arith.constant 0 : i32
      %scan3A_49 = arith.constant 16 : i32
      %scan3A_50 = arith.addi %scan3A_48, %scan3A_49 : i32
      %scan3A_51 = arith.constant 1 : i32
      %scan3A_52 = scf.for %scan3A_73 = %scan3A_48 to %scan3A_50 step %scan3A_51 iter_args(%scan3A_74 = %broadcast_in_dim3A_47) -> (vector<16xf32>)  : i32 {
        %mul3A_75 = arith.constant 16 : i32
        %mul3A_76 = arith.muli %scan3A_73, %mul3A_75 : i32
        %get3A = arith.index_cast %mul3A_76 : i32 to index
        %get3A_77 = tpu.vector_load %arg10[%get3A] {strides = array<i32>} : memref<256xf32, #tpu.memory_space<vmem>>, vector<16xf32>,
        %max3A_78 = arith.maximumf %scan3A_74, %get3A_77 : vector<16xf32>
        scf.yield %max3A_78 : vector<16xf32>
      }
      %scan3A_53 = arith.constant 16 : i32
      %scan3A_54 = arith.constant 0 : i32
      %scan3A_55 = arith.constant 0 : i32
      %scan3A_56 = arith.constant 160 : i32
      %scan3A_57 = arith.addi %scan3A_55, %scan3A_56 : i32
      %scan3A_58 = arith.constant 1 : i32
      scf.for %scan3A_73 = %scan3A_55 to %scan3A_57 step %scan3A_58  : i32 {
        %get3A = arith.index_cast %scan3A_73 : i32 to index
        %get3A_74 = arith.constant 0 : index
        %get3A_75 = tpu.vector_load %arg5[%get3A, %get3A_74] {strides = array<i32>} : memref<160x128xf32, #tpu.memory_space<vmem>>, vector<16xf32>,
        %sub3A = arith.subf %get3A_75, %scan3A_52 : vector<16xf32>
        %exp3A = math.exp %sub3A : vector<16xf32>
        %swap3A_76 = arith.index_cast %scan3A_73 : i32 to index
        %swap3A_77 = arith.constant 0 : index
        %swap3A_78 = tpu.vector_load %arg5[%swap3A_76, %swap3A_77] {strides = array<i32>} : memref<160x128xf32, #tpu.memory_space<vmem>>, vector<16xf32>,
        tpu.vector_store %arg5[%swap3A_76, %swap3A_77], %exp3A {strides = array<i32>} : memref<160x128xf32, #tpu.memory_space<vmem>>, vector<16xf32>,
        %get3A_79 = arith.index_cast %scan3A_73 : i32 to index
        %get3A_80 = arith.constant 16 : index
        %get3A_81 = tpu.vector_load %arg5[%get3A_79, %get3A_80] {strides = array<i32>} : memref<160x128xf32, #tpu.memory_space<vmem>>, vector<16xf32>,
        %sub3A_82 = arith.subf %get3A_81, %scan3A_52 : vector<16xf32>
        %exp3A_83 = math.exp %sub3A_82 : vector<16xf32>
        %swap3A_84 = arith.index_cast %scan3A_73 : i32 to index
        %swap3A_85 = arith.constant 16 : index
        %swap3A_86 = tpu.vector_load %arg5[%swap3A_84, %swap3A_85] {strides = array<i32>} : memref<160x128xf32, #tpu.memory_space<vmem>>, vector<16xf32>,
        tpu.vector_store %arg5[%swap3A_84, %swap3A_85], %exp3A_83 {strides = array<i32>} : memref<160x128xf32, #tpu.memory_space<vmem>>, vector<16xf32>,
        %get3A_87 = arith.index_cast %scan3A_73 : i32 to index
        %get3A_88 = arith.constant 32 : index
        %get3A_89 = tpu.vector_load %arg5[%get3A_87, %get3A_88] {strides = array<i32>} : memref<160x128xf32, #tpu.memory_space<vmem>>, vector<16xf32>,
        %sub3A_90 = arith.subf %get3A_89, %scan3A_52 : vector<16xf32>
        %exp3A_91 = math.exp %sub3A_90 : vector<16xf32>
        %swap3A_92 = arith.index_cast %scan3A_73 : i32 to index
        %swap3A_93 = arith.constant 32 : index
        %swap3A_94 = tpu.vector_load %arg5[%swap3A_92, %swap3A_93] {strides = array<i32>} : memref<160x128xf32, #tpu.memory_space<vmem>>, vector<16xf32>,
        tpu.vector_store %arg5[%swap3A_92, %swap3A_93], %exp3A_91 {strides = array<i32>} : memref<160x128xf32, #tpu.memory_space<vmem>>, vector<16xf32>,
        %get3A_95 = arith.index_cast %scan3A_73 : i32 to index
        %get3A_96 = arith.constant 48 : index
        %get3A_97 = tpu.vector_load %arg5[%get3A_95, %get3A_96] {strides = array<i32>} : memref<160x128xf32, #tpu.memory_space<vmem>>, vector<16xf32>,
        %sub3A_98 = arith.subf %get3A_97, %scan3A_52 : vector<16xf32>
        %exp3A_99 = math.exp %sub3A_98 : vector<16xf32>
        %swap3A_100 = arith.index_cast %scan3A_73 : i32 to index
        %swap3A_101 = arith.constant 48 : index
        %swap3A_102 = tpu.vector_load %arg5[%swap3A_100, %swap3A_101] {strides = array<i32>} : memref<160x128xf32, #tpu.memory_space<vmem>>, vector<16xf32>,
        tpu.vector_store %arg5[%swap3A_100, %swap3A_101], %exp3A_99 {strides = array<i32>} : memref<160x128xf32, #tpu.memory_space<vmem>>, vector<16xf32>,
        %get3A_103 = arith.index_cast %scan3A_73 : i32 to index
        %get3A_104 = arith.constant 64 : index
        %get3A_105 = tpu.vector_load %arg5[%get3A_103, %get3A_104] {strides = array<i32>} : memref<160x128xf32, #tpu.memory_space<vmem>>, vector<16xf32>,
        %sub3A_106 = arith.subf %get3A_105, %scan3A_52 : vector<16xf32>
        %exp3A_107 = math.exp %sub3A_106 : vector<16xf32>
        %swap3A_108 = arith.index_cast %scan3A_73 : i32 to index
        %swap3A_109 = arith.constant 64 : index
        %swap3A_110 = tpu.vector_load %arg5[%swap3A_108, %swap3A_109] {strides = array<i32>} : memref<160x128xf32, #tpu.memory_space<vmem>>, vector<16xf32>,
        tpu.vector_store %arg5[%swap3A_108, %swap3A_109], %exp3A_107 {strides = array<i32>} : memref<160x128xf32, #tpu.memory_space<vmem>>, vector<16xf32>,
        %get3A_111 = arith.index_cast %scan3A_73 : i32 to index
        %get3A_112 = arith.constant 80 : index
        %get3A_113 = tpu.vector_load %arg5[%get3A_111, %get3A_112] {strides = array<i32>} : memref<160x128xf32, #tpu.memory_space<vmem>>, vector<16xf32>,
        %sub3A_114 = arith.subf %get3A_113, %scan3A_52 : vector<16xf32>
        %exp3A_115 = math.exp %sub3A_114 : vector<16xf32>
        %swap3A_116 = arith.index_cast %scan3A_73 : i32 to index
        %swap3A_117 = arith.constant 80 : index
        %swap3A_118 = tpu.vector_load %arg5[%swap3A_116, %swap3A_117] {strides = array<i32>} : memref<160x128xf32, #tpu.memory_space<vmem>>, vector<16xf32>,
        tpu.vector_store %arg5[%swap3A_116, %swap3A_117], %exp3A_115 {strides = array<i32>} : memref<160x128xf32, #tpu.memory_space<vmem>>, vector<16xf32>,
        %get3A_119 = arith.index_cast %scan3A_73 : i32 to index
        %get3A_120 = arith.constant 96 : index
        %get3A_121 = tpu.vector_load %arg5[%get3A_119, %get3A_120] {strides = array<i32>} : memref<160x128xf32, #tpu.memory_space<vmem>>, vector<16xf32>,
        %sub3A_122 = arith.subf %get3A_121, %scan3A_52 : vector<16xf32>
        %exp3A_123 = math.exp %sub3A_122 : vector<16xf32>
        %swap3A_124 = arith.index_cast %scan3A_73 : i32 to index
        %swap3A_125 = arith.constant 96 : index
        %swap3A_126 = tpu.vector_load %arg5[%swap3A_124, %swap3A_125] {strides = array<i32>} : memref<160x128xf32, #tpu.memory_space<vmem>>, vector<16xf32>,
        tpu.vector_store %arg5[%swap3A_124, %swap3A_125], %exp3A_123 {strides = array<i32>} : memref<160x128xf32, #tpu.memory_space<vmem>>, vector<16xf32>,
        %get3A_127 = arith.index_cast %scan3A_73 : i32 to index
        %get3A_128 = arith.constant 112 : index
        %get3A_129 = tpu.vector_load %arg5[%get3A_127, %get3A_128] {strides = array<i32>} : memref<160x128xf32, #tpu.memory_space<vmem>>, vector<16xf32>,
        %sub3A_130 = arith.subf %get3A_129, %scan3A_52 : vector<16xf32>
        %exp3A_131 = math.exp %sub3A_130 : vector<16xf32>
        %swap3A_132 = arith.index_cast %scan3A_73 : i32 to index
        %swap3A_133 = arith.constant 112 : index
        %swap3A_134 = tpu.vector_load %arg5[%swap3A_132, %swap3A_133] {strides = array<i32>} : memref<160x128xf32, #tpu.memory_space<vmem>>, vector<16xf32>,
        tpu.vector_store %arg5[%swap3A_132, %swap3A_133], %exp3A_131 {strides = array<i32>} : memref<160x128xf32, #tpu.memory_space<vmem>>, vector<16xf32>,
      }
      %scan3A_59 = arith.constant 160 : i32
      %scan3A_60 = arith.constant 0 : i32
      %scan3A_61 = arith.constant 0 : i32
      %scan3A_62 = arith.constant 160 : i32
      %scan3A_63 = arith.addi %scan3A_61, %scan3A_62 : i32
      %scan3A_64 = arith.constant 1 : i32
      scf.for %scan3A_73 = %scan3A_61 to %scan3A_63 step %scan3A_64  : i32 {
        "tpu.region"() ({
          %run_scoped3A = tpu.sem_alloc : memref<!tpu.dma_semaphore, #tpu.memory_space<semaphore_mem>>
          %dma_start3A = arith.constant 0 : i32
          %dma_start3A_74 = tpu.memref_slice %arg5[%scan3A_73, %dma_start3A] : memref<160x128xf32, #tpu.memory_space<vmem>> -> memref<1x128xf32, #tpu.memory_space<vmem>>
          %dma_start3A_75 = tpu.memref_squeeze %dma_start3A_74 : memref<1x128xf32, #tpu.memory_space<vmem>> -> memref<128xf32, #tpu.memory_space<vmem>>
          %dma_start3A_76 = arith.constant 0 : i32
          %dma_start3A_77 = tpu.memref_slice %arg6[%scan3A_73, %dma_start3A_76] : memref<160x128xi32, #tpu.memory_space<vmem>> -> memref<1x128xi32, #tpu.memory_space<vmem>>
          %dma_start3A_78 = tpu.memref_squeeze %dma_start3A_77 : memref<1x128xi32, #tpu.memory_space<vmem>> -> memref<128xi32, #tpu.memory_space<vmem>>
          %dma_start3A_79 = arith.constant 0 : i32
          %dma_start3A_80 = tpu.memref_slice %arg11[%dma_start3A_79] : memref<10496xf32, #tpu.memory_space<vmem_shared>> -> memref<10496xf32, #tpu.memory_space<vmem_shared>>
          tpu.enqueue_indirect_dma source(%dma_start3A_75 : memref<128xf32, #tpu.memory_space<vmem>>) target(%dma_start3A_80 : memref<10496xf32, #tpu.memory_space<vmem_shared>>) offsets(%dma_start3A_78 : memref<128xi32, #tpu.memory_space<vmem>>) semaphore(%run_scoped3A : memref<!tpu.dma_semaphore, #tpu.memory_space<semaphore_mem>>) {add = true}
          %dma_wait3A = arith.constant 0 : i32
          %dma_wait3A_81 = tpu.memref_slice %arg5[%scan3A_73, %dma_wait3A] : memref<160x128xf32, #tpu.memory_space<vmem>> -> memref<1x128xf32, #tpu.memory_space<vmem>>
          %dma_wait3A_82 = tpu.memref_squeeze %dma_wait3A_81 : memref<1x128xf32, #tpu.memory_space<vmem>> -> memref<128xf32, #tpu.memory_space<vmem>>
          %dma_wait3A_83 = arith.constant 0 : i32
          %dma_wait3A_84 = tpu.memref_slice %arg6[%scan3A_73, %dma_wait3A_83] : memref<160x128xi32, #tpu.memory_space<vmem>> -> memref<1x128xi32, #tpu.memory_space<vmem>>
          %dma_wait3A_85 = tpu.memref_squeeze %dma_wait3A_84 : memref<1x128xi32, #tpu.memory_space<vmem>> -> memref<128xi32, #tpu.memory_space<vmem>>
          %dma_wait3A_86 = arith.constant 0 : i32
          %dma_wait3A_87 = tpu.memref_slice %arg11[%dma_wait3A_86] : memref<10496xf32, #tpu.memory_space<vmem_shared>> -> memref<10496xf32, #tpu.memory_space<vmem_shared>>
          tpu.wait_indirect_dma semaphore(%run_scoped3A : memref<!tpu.dma_semaphore, #tpu.memory_space<semaphore_mem>>) src(%dma_wait3A_82 : memref<128xf32, #tpu.memory_space<vmem>>) dst(%dma_wait3A_87 : memref<10496xf32, #tpu.memory_space<vmem_shared>>)
          tpu.yield
        }) : () -> ()
      }
      %scan3A_65 = arith.constant 160 : i32
      %barrier3A_66 = arith.constant 0 : index
      tpu.barrier barrier_id(%barrier3A_66)
      "tpu.region"() ({
        %run_scoped3A = tpu.sem_alloc : memref<!tpu.dma_semaphore, #tpu.memory_space<semaphore_mem>>
        %dma_start3A = arith.constant 0 : i32
        %dma_start3A_73 = tpu.memref_slice %arg11[%dma_start3A] : memref<10496xf32, #tpu.memory_space<vmem_shared>> -> memref<10240xf32, #tpu.memory_space<vmem_shared>>
        %dma_start3A_74 = arith.constant 0 : i32
        %dma_start3A_75 = tpu.memref_slice %arg11[%dma_start3A_74] : memref<10496xf32, #tpu.memory_space<vmem_shared>> -> memref<10240xf32, #tpu.memory_space<vmem_shared>>
        tpu.enqueue_dma source(%dma_start3A_75 : memref<10240xf32, #tpu.memory_space<vmem_shared>>) target(%arg7 : memref<10240xf32, #tpu.memory_space<vmem>>) target_semaphore(%run_scoped3A : memref<!tpu.dma_semaphore, #tpu.memory_space<semaphore_mem>>)
        %dma_wait3A = arith.constant 0 : i32
        %dma_wait3A_76 = tpu.memref_slice %arg11[%dma_wait3A] : memref<10496xf32, #tpu.memory_space<vmem_shared>> -> memref<10240xf32, #tpu.memory_space<vmem_shared>>
        %dma_wait3A_77 = arith.constant 0 : i32
        %dma_wait3A_78 = tpu.memref_slice %arg11[%dma_wait3A_77] : memref<10496xf32, #tpu.memory_space<vmem_shared>> -> memref<10240xf32, #tpu.memory_space<vmem_shared>>
        tpu.wait_dma2 semaphore(%run_scoped3A : memref<!tpu.dma_semaphore, #tpu.memory_space<semaphore_mem>>) src(%dma_wait3A_78 : memref<10240xf32, #tpu.memory_space<vmem_shared>>) dst(%arg7 : memref<10240xf32, #tpu.memory_space<vmem>>)
        tpu.yield
      }) : () -> ()
      %scan3A_67 = arith.constant 0 : i32
      %scan3A_68 = arith.constant 0 : i32
      %scan3A_69 = arith.constant 160 : i32
      %scan3A_70 = arith.addi %scan3A_68, %scan3A_69 : i32
      %scan3A_71 = arith.constant 1 : i32
      scf.for %scan3A_73 = %scan3A_68 to %scan3A_70 step %scan3A_71  : i32 {
        %get3A = arith.index_cast %scan3A_73 : i32 to index
        %get3A_74 = arith.constant 0 : index
        %get3A_75 = tpu.vector_load %arg6[%get3A, %get3A_74] {strides = array<i32>} : memref<160x128xi32, #tpu.memory_space<vmem>>, vector<16xi32>,
        %gather3A_76 = tpu.vector_load_idx %arg7[%get3A_75] : memref<10240xf32, #tpu.memory_space<vmem>>[vector<16xi32>], vector<16xf32>,
        %get3A_77 = arith.index_cast %scan3A_73 : i32 to index
        %get3A_78 = arith.constant 0 : index
        %get3A_79 = tpu.vector_load %arg5[%get3A_77, %get3A_78] {strides = array<i32>} : memref<160x128xf32, #tpu.memory_space<vmem>>, vector<16xf32>,
        %add3A_80 = arith.constant 1.000000e-16 : f32
        %add3A_81 = vector.broadcast %add3A_80 : f32 to vector<16xf32>
        %add3A_82 = arith.addf %gather3A_76, %add3A_81 : vector<16xf32>
        %div3A = arith.divf %get3A_79, %add3A_82 : vector<16xf32>
        %swap3A_83 = arith.index_cast %scan3A_73 : i32 to index
        %swap3A_84 = arith.constant 0 : index
        %swap3A_85 = tpu.vector_load %arg5[%swap3A_83, %swap3A_84] {strides = array<i32>} : memref<160x128xf32, #tpu.memory_space<vmem>>, vector<16xf32>,
        tpu.vector_store %arg5[%swap3A_83, %swap3A_84], %div3A {strides = array<i32>} : memref<160x128xf32, #tpu.memory_space<vmem>>, vector<16xf32>,
        %get3A_86 = arith.index_cast %scan3A_73 : i32 to index
        %get3A_87 = arith.constant 16 : index
        %get3A_88 = tpu.vector_load %arg6[%get3A_86, %get3A_87] {strides = array<i32>} : memref<160x128xi32, #tpu.memory_space<vmem>>, vector<16xi32>,
        %gather3A_89 = tpu.vector_load_idx %arg7[%get3A_88] : memref<10240xf32, #tpu.memory_space<vmem>>[vector<16xi32>], vector<16xf32>,
        %get3A_90 = arith.index_cast %scan3A_73 : i32 to index
        %get3A_91 = arith.constant 16 : index
        %get3A_92 = tpu.vector_load %arg5[%get3A_90, %get3A_91] {strides = array<i32>} : memref<160x128xf32, #tpu.memory_space<vmem>>, vector<16xf32>,
        %add3A_93 = arith.constant 1.000000e-16 : f32
        %add3A_94 = vector.broadcast %add3A_93 : f32 to vector<16xf32>
        %add3A_95 = arith.addf %gather3A_89, %add3A_94 : vector<16xf32>
        %div3A_96 = arith.divf %get3A_92, %add3A_95 : vector<16xf32>
        %swap3A_97 = arith.index_cast %scan3A_73 : i32 to index
        %swap3A_98 = arith.constant 16 : index
        %swap3A_99 = tpu.vector_load %arg5[%swap3A_97, %swap3A_98] {strides = array<i32>} : memref<160x128xf32, #tpu.memory_space<vmem>>, vector<16xf32>,
        tpu.vector_store %arg5[%swap3A_97, %swap3A_98], %div3A_96 {strides = array<i32>} : memref<160x128xf32, #tpu.memory_space<vmem>>, vector<16xf32>,
        %get3A_100 = arith.index_cast %scan3A_73 : i32 to index
        %get3A_101 = arith.constant 32 : index
        %get3A_102 = tpu.vector_load %arg6[%get3A_100, %get3A_101] {strides = array<i32>} : memref<160x128xi32, #tpu.memory_space<vmem>>, vector<16xi32>,
        %gather3A_103 = tpu.vector_load_idx %arg7[%get3A_102] : memref<10240xf32, #tpu.memory_space<vmem>>[vector<16xi32>], vector<16xf32>,
        %get3A_104 = arith.index_cast %scan3A_73 : i32 to index
        %get3A_105 = arith.constant 32 : index
        %get3A_106 = tpu.vector_load %arg5[%get3A_104, %get3A_105] {strides = array<i32>} : memref<160x128xf32, #tpu.memory_space<vmem>>, vector<16xf32>,
        %add3A_107 = arith.constant 1.000000e-16 : f32
        %add3A_108 = vector.broadcast %add3A_107 : f32 to vector<16xf32>
        %add3A_109 = arith.addf %gather3A_103, %add3A_108 : vector<16xf32>
        %div3A_110 = arith.divf %get3A_106, %add3A_109 : vector<16xf32>
        %swap3A_111 = arith.index_cast %scan3A_73 : i32 to index
        %swap3A_112 = arith.constant 32 : index
        %swap3A_113 = tpu.vector_load %arg5[%swap3A_111, %swap3A_112] {strides = array<i32>} : memref<160x128xf32, #tpu.memory_space<vmem>>, vector<16xf32>,
        tpu.vector_store %arg5[%swap3A_111, %swap3A_112], %div3A_110 {strides = array<i32>} : memref<160x128xf32, #tpu.memory_space<vmem>>, vector<16xf32>,
        %get3A_114 = arith.index_cast %scan3A_73 : i32 to index
        %get3A_115 = arith.constant 48 : index
        %get3A_116 = tpu.vector_load %arg6[%get3A_114, %get3A_115] {strides = array<i32>} : memref<160x128xi32, #tpu.memory_space<vmem>>, vector<16xi32>,
        %gather3A_117 = tpu.vector_load_idx %arg7[%get3A_116] : memref<10240xf32, #tpu.memory_space<vmem>>[vector<16xi32>], vector<16xf32>,
        %get3A_118 = arith.index_cast %scan3A_73 : i32 to index
        %get3A_119 = arith.constant 48 : index
        %get3A_120 = tpu.vector_load %arg5[%get3A_118, %get3A_119] {strides = array<i32>} : memref<160x128xf32, #tpu.memory_space<vmem>>, vector<16xf32>,
        %add3A_121 = arith.constant 1.000000e-16 : f32
        %add3A_122 = vector.broadcast %add3A_121 : f32 to vector<16xf32>
        %add3A_123 = arith.addf %gather3A_117, %add3A_122 : vector<16xf32>
        %div3A_124 = arith.divf %get3A_120, %add3A_123 : vector<16xf32>
        %swap3A_125 = arith.index_cast %scan3A_73 : i32 to index
        %swap3A_126 = arith.constant 48 : index
        %swap3A_127 = tpu.vector_load %arg5[%swap3A_125, %swap3A_126] {strides = array<i32>} : memref<160x128xf32, #tpu.memory_space<vmem>>, vector<16xf32>,
        tpu.vector_store %arg5[%swap3A_125, %swap3A_126], %div3A_124 {strides = array<i32>} : memref<160x128xf32, #tpu.memory_space<vmem>>, vector<16xf32>,
        %get3A_128 = arith.index_cast %scan3A_73 : i32 to index
        %get3A_129 = arith.constant 64 : index
        %get3A_130 = tpu.vector_load %arg6[%get3A_128, %get3A_129] {strides = array<i32>} : memref<160x128xi32, #tpu.memory_space<vmem>>, vector<16xi32>,
        %gather3A_131 = tpu.vector_load_idx %arg7[%get3A_130] : memref<10240xf32, #tpu.memory_space<vmem>>[vector<16xi32>], vector<16xf32>,
        %get3A_132 = arith.index_cast %scan3A_73 : i32 to index
        %get3A_133 = arith.constant 64 : index
        %get3A_134 = tpu.vector_load %arg5[%get3A_132, %get3A_133] {strides = array<i32>} : memref<160x128xf32, #tpu.memory_space<vmem>>, vector<16xf32>,
        %add3A_135 = arith.constant 1.000000e-16 : f32
        %add3A_136 = vector.broadcast %add3A_135 : f32 to vector<16xf32>
        %add3A_137 = arith.addf %gather3A_131, %add3A_136 : vector<16xf32>
        %div3A_138 = arith.divf %get3A_134, %add3A_137 : vector<16xf32>
        %swap3A_139 = arith.index_cast %scan3A_73 : i32 to index
        %swap3A_140 = arith.constant 64 : index
        %swap3A_141 = tpu.vector_load %arg5[%swap3A_139, %swap3A_140] {strides = array<i32>} : memref<160x128xf32, #tpu.memory_space<vmem>>, vector<16xf32>,
        tpu.vector_store %arg5[%swap3A_139, %swap3A_140], %div3A_138 {strides = array<i32>} : memref<160x128xf32, #tpu.memory_space<vmem>>, vector<16xf32>,
        %get3A_142 = arith.index_cast %scan3A_73 : i32 to index
        %get3A_143 = arith.constant 80 : index
        %get3A_144 = tpu.vector_load %arg6[%get3A_142, %get3A_143] {strides = array<i32>} : memref<160x128xi32, #tpu.memory_space<vmem>>, vector<16xi32>,
        %gather3A_145 = tpu.vector_load_idx %arg7[%get3A_144] : memref<10240xf32, #tpu.memory_space<vmem>>[vector<16xi32>], vector<16xf32>,
        %get3A_146 = arith.index_cast %scan3A_73 : i32 to index
        %get3A_147 = arith.constant 80 : index
        %get3A_148 = tpu.vector_load %arg5[%get3A_146, %get3A_147] {strides = array<i32>} : memref<160x128xf32, #tpu.memory_space<vmem>>, vector<16xf32>,
        %add3A_149 = arith.constant 1.000000e-16 : f32
        %add3A_150 = vector.broadcast %add3A_149 : f32 to vector<16xf32>
        %add3A_151 = arith.addf %gather3A_145, %add3A_150 : vector<16xf32>
        %div3A_152 = arith.divf %get3A_148, %add3A_151 : vector<16xf32>
        %swap3A_153 = arith.index_cast %scan3A_73 : i32 to index
        %swap3A_154 = arith.constant 80 : index
        %swap3A_155 = tpu.vector_load %arg5[%swap3A_153, %swap3A_154] {strides = array<i32>} : memref<160x128xf32, #tpu.memory_space<vmem>>, vector<16xf32>,
        tpu.vector_store %arg5[%swap3A_153, %swap3A_154], %div3A_152 {strides = array<i32>} : memref<160x128xf32, #tpu.memory_space<vmem>>, vector<16xf32>,
        %get3A_156 = arith.index_cast %scan3A_73 : i32 to index
        %get3A_157 = arith.constant 96 : index
        %get3A_158 = tpu.vector_load %arg6[%get3A_156, %get3A_157] {strides = array<i32>} : memref<160x128xi32, #tpu.memory_space<vmem>>, vector<16xi32>,
        %gather3A_159 = tpu.vector_load_idx %arg7[%get3A_158] : memref<10240xf32, #tpu.memory_space<vmem>>[vector<16xi32>], vector<16xf32>,
        %get3A_160 = arith.index_cast %scan3A_73 : i32 to index
        %get3A_161 = arith.constant 96 : index
        %get3A_162 = tpu.vector_load %arg5[%get3A_160, %get3A_161] {strides = array<i32>} : memref<160x128xf32, #tpu.memory_space<vmem>>, vector<16xf32>,
        %add3A_163 = arith.constant 1.000000e-16 : f32
        %add3A_164 = vector.broadcast %add3A_163 : f32 to vector<16xf32>
        %add3A_165 = arith.addf %gather3A_159, %add3A_164 : vector<16xf32>
        %div3A_166 = arith.divf %get3A_162, %add3A_165 : vector<16xf32>
        %swap3A_167 = arith.index_cast %scan3A_73 : i32 to index
        %swap3A_168 = arith.constant 96 : index
        %swap3A_169 = tpu.vector_load %arg5[%swap3A_167, %swap3A_168] {strides = array<i32>} : memref<160x128xf32, #tpu.memory_space<vmem>>, vector<16xf32>,
        tpu.vector_store %arg5[%swap3A_167, %swap3A_168], %div3A_166 {strides = array<i32>} : memref<160x128xf32, #tpu.memory_space<vmem>>, vector<16xf32>,
        %get3A_170 = arith.index_cast %scan3A_73 : i32 to index
        %get3A_171 = arith.constant 112 : index
        %get3A_172 = tpu.vector_load %arg6[%get3A_170, %get3A_171] {strides = array<i32>} : memref<160x128xi32, #tpu.memory_space<vmem>>, vector<16xi32>,
        %gather3A_173 = tpu.vector_load_idx %arg7[%get3A_172] : memref<10240xf32, #tpu.memory_space<vmem>>[vector<16xi32>], vector<16xf32>,
        %get3A_174 = arith.index_cast %scan3A_73 : i32 to index
        %get3A_175 = arith.constant 112 : index
        %get3A_176 = tpu.vector_load %arg5[%get3A_174, %get3A_175] {strides = array<i32>} : memref<160x128xf32, #tpu.memory_space<vmem>>, vector<16xf32>,
        %add3A_177 = arith.constant 1.000000e-16 : f32
        %add3A_178 = vector.broadcast %add3A_177 : f32 to vector<16xf32>
        %add3A_179 = arith.addf %gather3A_173, %add3A_178 : vector<16xf32>
        %div3A_180 = arith.divf %get3A_176, %add3A_179 : vector<16xf32>
        %swap3A_181 = arith.index_cast %scan3A_73 : i32 to index
        %swap3A_182 = arith.constant 112 : index
        %swap3A_183 = tpu.vector_load %arg5[%swap3A_181, %swap3A_182] {strides = array<i32>} : memref<160x128xf32, #tpu.memory_space<vmem>>, vector<16xf32>,
        tpu.vector_store %arg5[%swap3A_181, %swap3A_182], %div3A_180 {strides = array<i32>} : memref<160x128xf32, #tpu.memory_space<vmem>>, vector<16xf32>,
      }
      %scan3A_72 = arith.constant 160 : i32
      "tpu.region"() ({
        %run_scoped3A = tpu.sem_alloc : memref<!tpu.dma_semaphore, #tpu.memory_space<semaphore_mem>>
        %dma_start3A = arith.constant 0 : i32
        %dma_start3A_73 = tpu.memref_slice %arg4[%mul3A_2, %dma_start3A] : memref<2560x128xf32, #tpu.memory_space<hbm>> -> memref<160x128xf32, #tpu.memory_space<hbm>>
        %dma_start3A_74 = arith.constant 0 : i32
        %dma_start3A_75 = tpu.memref_slice %arg4[%mul3A_2, %dma_start3A_74] : memref<2560x128xf32, #tpu.memory_space<hbm>> -> memref<160x128xf32, #tpu.memory_space<hbm>>
        tpu.enqueue_dma source(%arg5 : memref<160x128xf32, #tpu.memory_space<vmem>>) target(%dma_start3A_75 : memref<160x128xf32, #tpu.memory_space<hbm>>) target_semaphore(%run_scoped3A : memref<!tpu.dma_semaphore, #tpu.memory_space<semaphore_mem>>)
        %dma_wait3A = arith.constant 0 : i32
        %dma_wait3A_76 = tpu.memref_slice %arg4[%mul3A_2, %dma_wait3A] : memref<2560x128xf32, #tpu.memory_space<hbm>> -> memref<160x128xf32, #tpu.memory_space<hbm>>
        %dma_wait3A_77 = arith.constant 0 : i32
        %dma_wait3A_78 = tpu.memref_slice %arg4[%mul3A_2, %dma_wait3A_77] : memref<2560x128xf32, #tpu.memory_space<hbm>> -> memref<160x128xf32, #tpu.memory_space<hbm>>
        tpu.wait_dma2 semaphore(%run_scoped3A : memref<!tpu.dma_semaphore, #tpu.memory_space<semaphore_mem>>) src(%arg5 : memref<160x128xf32, #tpu.memory_space<vmem>>) dst(%dma_wait3A_78 : memref<160x128xf32, #tpu.memory_space<hbm>>)
        tpu.yield
      }) : () -> ()
    } else {
    }
    return
  }
}

module attributes {stable_mosaic.version = 14 : i64} {
  func.func @_alpha_body(%arg0: i32, %arg1: memref<2048x128xf32, #tpu.memory_space<vmem>>, %arg2: memref<2048x128xi32, #tpu.memory_space<vmem>>, %arg3: memref<16x128xf32, #tpu.memory_space<vmem>>) attributes {dimension_semantics = [#tpu.dimension_semantics<parallel>], iteration_bounds = array<i64: 160>, scalar_prefetch = 0 : i64, scratch_operands = 0 : i64, tpu.core_type = #tpu.core_type<tc>, window_params = [{transform_indices = @transform_0, window_bounds = array<i64: 2048, 128>}, {transform_indices = @transform_1, window_bounds = array<i64: 2048, 128>}, {transform_indices = @transform_2, window_bounds = array<i64: 16, 128>}]} {
    %get3A = arith.constant 0 : index
    %get3A_0 = arith.constant 0 : index
    %get3A_1 = vector.load %arg2[%get3A, %get3A_0] : memref<2048x128xi32, #tpu.memory_space<vmem>>, vector<2048x128xi32>
    %shift_left3A = arith.constant 16 : i32
    %shift_left3A_2 = vector.broadcast %shift_left3A : i32 to vector<2048x128xi32>
    %shift_left3A_3 = arith.shli %get3A_1, %shift_left3A_2 : vector<2048x128xi32>
    %bitcast_convert_type3A = tpu.bitcast %shift_left3A_3 : vector<2048x128xi32> -> vector<2048x128xf32>
    %get3A_4 = arith.constant 0 : index
    %get3A_5 = arith.constant 0 : index
    %get3A_6 = vector.load %arg1[%get3A_4, %get3A_5] : memref<2048x128xf32, #tpu.memory_space<vmem>>, vector<2048x128xf32>
    %mul3A = arith.mulf %get3A_6, %bitcast_convert_type3A : vector<2048x128xf32>
    %reshape3A = vector.shape_cast %mul3A : vector<2048x128xf32> to vector<16x128x128xf32>
    %reduce_sum3A = arith.constant dense<0.000000e+00> : vector<16x128xf32>
    %reduce_sum3A_7 = vector.multi_reduction <add>, %reshape3A, %reduce_sum3A [2] : vector<16x128x128xf32> to vector<16x128xf32>
    %swap3A = arith.constant 0 : index
    %swap3A_8 = arith.constant 0 : index
    %swap3A_9 = vector.load %arg3[%swap3A, %swap3A_8] : memref<16x128xf32, #tpu.memory_space<vmem>>, vector<16x128xf32>
    tpu.vector_store %arg3[%swap3A, %swap3A_8], %reduce_sum3A_7 {strides = array<i32>} : memref<16x128xf32, #tpu.memory_space<vmem>>, vector<16x128xf32>,
    return
  }
  func.func @transform_0(%arg0: i32) -> (i32, i32) {
    %c0_i32 = arith.constant 0 : i32
    %c0_i32_0 = arith.constant 0 : i32
    return %arg0, %c0_i32 : i32, i32
  }
  func.func @transform_1(%arg0: i32) -> (i32, i32) {
    %c0_i32 = arith.constant 0 : i32
    %c0_i32_0 = arith.constant 0 : i32
    return %arg0, %c0_i32 : i32, i32
  }
  func.func @transform_2(%arg0: i32) -> (i32, i32) {
    %c0_i32 = arith.constant 0 : i32
    %c0_i32_0 = arith.constant 0 : i32
    return %arg0, %c0_i32 : i32, i32
  }
}

module attributes {stable_mosaic.version = 14 : i64} {
  func.func @_pre_body(%arg0: i32, %arg1: memref<2000x128xf32, #tpu.memory_space<vmem>>, %arg2: memref<5x128x128xf32, #tpu.memory_space<vmem>>, %arg3: memref<5x128xf32, #tpu.memory_space<vmem>>, %arg4: memref<128x128xf32, #tpu.memory_space<vmem>>, %arg5: memref<128x128xf32, #tpu.memory_space<vmem>>, %arg6: memref<1x128xf32, #tpu.memory_space<vmem>>, %arg7: memref<1x128xf32, #tpu.memory_space<vmem>>, %arg8: memref<2000x128xf32, #tpu.memory_space<vmem>>, %arg9: memref<2000x256xi32, #tpu.memory_space<vmem>>, %arg10: memref<128x128xf32, #tpu.memory_space<vmem>>, %arg11: memref<1x128xf32, #tpu.memory_space<vmem>>) attributes {dimension_semantics = [#tpu.dimension_semantics<arbitrary>], iteration_bounds = array<i64: 5>, scalar_prefetch = 0 : i64, scratch_operands = 0 : i64, tpu.core_type = #tpu.core_type<tc>, window_params = [{transform_indices = @transform_0, window_bounds = array<i64: 2000, 128>}, {pipeline_mode = #tpu.pipeline_mode<synchronous>, transform_indices = @transform_1, window_bounds = array<i64: 5, 128, 128>}, {pipeline_mode = #tpu.pipeline_mode<synchronous>, transform_indices = @transform_2, window_bounds = array<i64: 5, 128>}, {pipeline_mode = #tpu.pipeline_mode<synchronous>, transform_indices = @transform_3, window_bounds = array<i64: 128, 128>}, {pipeline_mode = #tpu.pipeline_mode<synchronous>, transform_indices = @transform_4, window_bounds = array<i64: 128, 128>}, {pipeline_mode = #tpu.pipeline_mode<synchronous>, transform_indices = @transform_5, window_bounds = array<i64: 1, 128>}, {pipeline_mode = #tpu.pipeline_mode<synchronous>, transform_indices = @transform_6, window_bounds = array<i64: 1, 128>}, {transform_indices = @transform_7, window_bounds = array<i64: 2000, 128>}, {transform_indices = @transform_8, window_bounds = array<i64: 2000, 256>}, {pipeline_mode = #tpu.pipeline_mode<synchronous>, transform_indices = @transform_9, window_bounds = array<i64: 128, 128>}, {pipeline_mode = #tpu.pipeline_mode<synchronous>, transform_indices = @transform_10, window_bounds = array<i64: 1, 128>}]} {
    %get3A = arith.constant 0 : index
    %get3A_0 = arith.constant 0 : index
    %get3A_1 = vector.load %arg1[%get3A, %get3A_0] : memref<2000x128xf32, #tpu.memory_space<vmem>>, vector<2000x128xf32>
    %get3A_2 = arith.constant 0 : index
    %get3A_3 = arith.constant 0 : index
    %get3A_4 = arith.constant 0 : index
    %get3A_5 = vector.load %arg2[%get3A_2, %get3A_3, %get3A_4] : memref<5x128x128xf32, #tpu.memory_space<vmem>>, vector<1x128x128xf32>
    %get3A_6 = vector.shape_cast %get3A_5 : vector<1x128x128xf32> to vector<128x128xf32>
    %dot_general3A = arith.constant dense<0.000000e+00> : vector<2000x128xf32>
    %dot_general3A_7 = tpu.matmul %get3A_1, %get3A_6, %dot_general3A {dimension_numbers = #tpu.dot_dimension_numbers<[1], [0], [0], [1], [0, 0, 1, 1], [], []>, transpose_lhs_hint = false} : vector<2000x128xf32>, vector<128x128xf32>, vector<2000x128xf32> -> vector<2000x128xf32>
    %get3A_8 = arith.constant 0 : index
    %get3A_9 = arith.constant 0 : index
    %get3A_10 = vector.load %arg3[%get3A_8, %get3A_9] : memref<5x128xf32, #tpu.memory_space<vmem>>, vector<1x128xf32>
    %add3A = vector.broadcast %get3A_10 : vector<1x128xf32> to vector<2000x128xf32>
    %add3A_11 = arith.addf %dot_general3A_7, %add3A : vector<2000x128xf32>
    %swap3A = arith.constant 0 : index
    %swap3A_12 = arith.constant 0 : index
    %swap3A_13 = vector.load %arg8[%swap3A, %swap3A_12] : memref<2000x128xf32, #tpu.memory_space<vmem>>, vector<2000x128xf32>
    tpu.vector_store %arg8[%swap3A, %swap3A_12], %add3A_11 {strides = array<i32>} : memref<2000x128xf32, #tpu.memory_space<vmem>>, vector<2000x128xf32>,
    %get3A_14 = arith.constant 1 : index
    %get3A_15 = arith.constant 0 : index
    %get3A_16 = arith.constant 0 : index
    %get3A_17 = vector.load %arg2[%get3A_14, %get3A_15, %get3A_16] : memref<5x128x128xf32, #tpu.memory_space<vmem>>, vector<1x128x128xf32>
    %get3A_18 = vector.shape_cast %get3A_17 : vector<1x128x128xf32> to vector<128x128xf32>
    %dot_general3A_19 = arith.constant dense<0.000000e+00> : vector<2000x128xf32>
    %dot_general3A_20 = tpu.matmul %get3A_1, %get3A_18, %dot_general3A_19 {dimension_numbers = #tpu.dot_dimension_numbers<[1], [0], [0], [1], [0, 0, 1, 1], [], []>, transpose_lhs_hint = false} : vector<2000x128xf32>, vector<128x128xf32>, vector<2000x128xf32> -> vector<2000x128xf32>
    %get3A_21 = arith.constant 1 : index
    %get3A_22 = arith.constant 0 : index
    %get3A_23 = vector.load %arg3[%get3A_21, %get3A_22] : memref<5x128xf32, #tpu.memory_space<vmem>>, vector<1x128xf32>
    %add3A_24 = vector.broadcast %get3A_23 : vector<1x128xf32> to vector<2000x128xf32>
    %add3A_25 = arith.addf %dot_general3A_20, %add3A_24 : vector<2000x128xf32>
    %get3A_26 = arith.constant 2 : index
    %get3A_27 = arith.constant 0 : index
    %get3A_28 = arith.constant 0 : index
    %get3A_29 = vector.load %arg2[%get3A_26, %get3A_27, %get3A_28] : memref<5x128x128xf32, #tpu.memory_space<vmem>>, vector<1x128x128xf32>
    %get3A_30 = vector.shape_cast %get3A_29 : vector<1x128x128xf32> to vector<128x128xf32>
    %dot_general3A_31 = arith.constant dense<0.000000e+00> : vector<2000x128xf32>
    %dot_general3A_32 = tpu.matmul %get3A_1, %get3A_30, %dot_general3A_31 {dimension_numbers = #tpu.dot_dimension_numbers<[1], [0], [0], [1], [0, 0, 1, 1], [], []>, transpose_lhs_hint = false} : vector<2000x128xf32>, vector<128x128xf32>, vector<2000x128xf32> -> vector<2000x128xf32>
    %get3A_33 = arith.constant 2 : index
    %get3A_34 = arith.constant 0 : index
    %get3A_35 = vector.load %arg3[%get3A_33, %get3A_34] : memref<5x128xf32, #tpu.memory_space<vmem>>, vector<1x128xf32>
    %add3A_36 = vector.broadcast %get3A_35 : vector<1x128xf32> to vector<2000x128xf32>
    %add3A_37 = arith.addf %dot_general3A_32, %add3A_36 : vector<2000x128xf32>
    %bitcast_convert_type3A = tpu.bitcast %add3A_25 : vector<2000x128xf32> -> vector<2000x128xi32>
    %add3A_38 = arith.constant 32767 : i32
    %add3A_39 = vector.broadcast %add3A_38 : i32 to vector<2000x128xi32>
    %add3A_40 = arith.addi %bitcast_convert_type3A, %add3A_39 : vector<2000x128xi32>
    %shift_right_logical3A = arith.constant 16 : i32
    %shift_right_logical3A_41 = vector.broadcast %shift_right_logical3A : i32 to vector<2000x128xi32>
    %shift_right_logical3A_42 = arith.shrui %bitcast_convert_type3A, %shift_right_logical3A_41 : vector<2000x128xi32>
    %and3A = arith.constant 1 : i32
    %and3A_43 = vector.broadcast %and3A : i32 to vector<2000x128xi32>
    %and3A_44 = arith.andi %shift_right_logical3A_42, %and3A_43 : vector<2000x128xi32>
    %add3A_45 = arith.addi %add3A_40, %and3A_44 : vector<2000x128xi32>
    %shift_right_logical3A_46 = arith.constant 16 : i32
    %shift_right_logical3A_47 = vector.broadcast %shift_right_logical3A_46 : i32 to vector<2000x128xi32>
    %shift_right_logical3A_48 = arith.shrui %add3A_45, %shift_right_logical3A_47 : vector<2000x128xi32>
    %bitcast_convert_type3A_49 = tpu.bitcast %add3A_37 : vector<2000x128xf32> -> vector<2000x128xi32>
    %add3A_50 = arith.constant 32767 : i32
    %add3A_51 = vector.broadcast %add3A_50 : i32 to vector<2000x128xi32>
    %add3A_52 = arith.addi %bitcast_convert_type3A_49, %add3A_51 : vector<2000x128xi32>
    %shift_right_logical3A_53 = arith.constant 16 : i32
    %shift_right_logical3A_54 = vector.broadcast %shift_right_logical3A_53 : i32 to vector<2000x128xi32>
    %shift_right_logical3A_55 = arith.shrui %bitcast_convert_type3A_49, %shift_right_logical3A_54 : vector<2000x128xi32>
    %and3A_56 = arith.constant 1 : i32
    %and3A_57 = vector.broadcast %and3A_56 : i32 to vector<2000x128xi32>
    %and3A_58 = arith.andi %shift_right_logical3A_55, %and3A_57 : vector<2000x128xi32>
    %add3A_59 = arith.addi %add3A_52, %and3A_58 : vector<2000x128xi32>
    %shift_right_logical3A_60 = arith.constant 16 : i32
    %shift_right_logical3A_61 = vector.broadcast %shift_right_logical3A_60 : i32 to vector<2000x128xi32>
    %shift_right_logical3A_62 = arith.shrui %add3A_59, %shift_right_logical3A_61 : vector<2000x128xi32>
    %shift_left3A = arith.constant 16 : i32
    %shift_left3A_63 = vector.broadcast %shift_left3A : i32 to vector<2000x128xi32>
    %shift_left3A_64 = arith.shli %shift_right_logical3A_62, %shift_left3A_63 : vector<2000x128xi32>
    %or3A = arith.ori %shift_right_logical3A_48, %shift_left3A_64 : vector<2000x128xi32>
    %swap3A_65 = arith.constant 0 : index
    %swap3A_66 = arith.constant 0 : index
    %swap3A_67 = vector.load %arg9[%swap3A_65, %swap3A_66] : memref<2000x256xi32, #tpu.memory_space<vmem>>, vector<2000x128xi32>
    tpu.vector_store %arg9[%swap3A_65, %swap3A_66], %or3A {strides = array<i32>} : memref<2000x256xi32, #tpu.memory_space<vmem>>, vector<2000x128xi32>,
    %get3A_68 = arith.constant 3 : index
    %get3A_69 = arith.constant 0 : index
    %get3A_70 = arith.constant 0 : index
    %get3A_71 = vector.load %arg2[%get3A_68, %get3A_69, %get3A_70] : memref<5x128x128xf32, #tpu.memory_space<vmem>>, vector<1x128x128xf32>
    %get3A_72 = vector.shape_cast %get3A_71 : vector<1x128x128xf32> to vector<128x128xf32>
    %dot_general3A_73 = arith.constant dense<0.000000e+00> : vector<2000x128xf32>
    %dot_general3A_74 = tpu.matmul %get3A_1, %get3A_72, %dot_general3A_73 {dimension_numbers = #tpu.dot_dimension_numbers<[1], [0], [0], [1], [0, 0, 1, 1], [], []>, transpose_lhs_hint = false} : vector<2000x128xf32>, vector<128x128xf32>, vector<2000x128xf32> -> vector<2000x128xf32>
    %get3A_75 = arith.constant 3 : index
    %get3A_76 = arith.constant 0 : index
    %get3A_77 = vector.load %arg3[%get3A_75, %get3A_76] : memref<5x128xf32, #tpu.memory_space<vmem>>, vector<1x128xf32>
    %add3A_78 = vector.broadcast %get3A_77 : vector<1x128xf32> to vector<2000x128xf32>
    %add3A_79 = arith.addf %dot_general3A_74, %add3A_78 : vector<2000x128xf32>
    %get3A_80 = arith.constant 4 : index
    %get3A_81 = arith.constant 0 : index
    %get3A_82 = arith.constant 0 : index
    %get3A_83 = vector.load %arg2[%get3A_80, %get3A_81, %get3A_82] : memref<5x128x128xf32, #tpu.memory_space<vmem>>, vector<1x128x128xf32>
    %get3A_84 = vector.shape_cast %get3A_83 : vector<1x128x128xf32> to vector<128x128xf32>
    %dot_general3A_85 = arith.constant dense<0.000000e+00> : vector<2000x128xf32>
    %dot_general3A_86 = tpu.matmul %get3A_1, %get3A_84, %dot_general3A_85 {dimension_numbers = #tpu.dot_dimension_numbers<[1], [0], [0], [1], [0, 0, 1, 1], [], []>, transpose_lhs_hint = false} : vector<2000x128xf32>, vector<128x128xf32>, vector<2000x128xf32> -> vector<2000x128xf32>
    %get3A_87 = arith.constant 4 : index
    %get3A_88 = arith.constant 0 : index
    %get3A_89 = vector.load %arg3[%get3A_87, %get3A_88] : memref<5x128xf32, #tpu.memory_space<vmem>>, vector<1x128xf32>
    %add3A_90 = vector.broadcast %get3A_89 : vector<1x128xf32> to vector<2000x128xf32>
    %add3A_91 = arith.addf %dot_general3A_86, %add3A_90 : vector<2000x128xf32>
    %bitcast_convert_type3A_92 = tpu.bitcast %add3A_79 : vector<2000x128xf32> -> vector<2000x128xi32>
    %add3A_93 = arith.constant 32767 : i32
    %add3A_94 = vector.broadcast %add3A_93 : i32 to vector<2000x128xi32>
    %add3A_95 = arith.addi %bitcast_convert_type3A_92, %add3A_94 : vector<2000x128xi32>
    %shift_right_logical3A_96 = arith.constant 16 : i32
    %shift_right_logical3A_97 = vector.broadcast %shift_right_logical3A_96 : i32 to vector<2000x128xi32>
    %shift_right_logical3A_98 = arith.shrui %bitcast_convert_type3A_92, %shift_right_logical3A_97 : vector<2000x128xi32>
    %and3A_99 = arith.constant 1 : i32
    %and3A_100 = vector.broadcast %and3A_99 : i32 to vector<2000x128xi32>
    %and3A_101 = arith.andi %shift_right_logical3A_98, %and3A_100 : vector<2000x128xi32>
    %add3A_102 = arith.addi %add3A_95, %and3A_101 : vector<2000x128xi32>
    %shift_right_logical3A_103 = arith.constant 16 : i32
    %shift_right_logical3A_104 = vector.broadcast %shift_right_logical3A_103 : i32 to vector<2000x128xi32>
    %shift_right_logical3A_105 = arith.shrui %add3A_102, %shift_right_logical3A_104 : vector<2000x128xi32>
    %bitcast_convert_type3A_106 = tpu.bitcast %add3A_91 : vector<2000x128xf32> -> vector<2000x128xi32>
    %add3A_107 = arith.constant 32767 : i32
    %add3A_108 = vector.broadcast %add3A_107 : i32 to vector<2000x128xi32>
    %add3A_109 = arith.addi %bitcast_convert_type3A_106, %add3A_108 : vector<2000x128xi32>
    %shift_right_logical3A_110 = arith.constant 16 : i32
    %shift_right_logical3A_111 = vector.broadcast %shift_right_logical3A_110 : i32 to vector<2000x128xi32>
    %shift_right_logical3A_112 = arith.shrui %bitcast_convert_type3A_106, %shift_right_logical3A_111 : vector<2000x128xi32>
    %and3A_113 = arith.constant 1 : i32
    %and3A_114 = vector.broadcast %and3A_113 : i32 to vector<2000x128xi32>
    %and3A_115 = arith.andi %shift_right_logical3A_112, %and3A_114 : vector<2000x128xi32>
    %add3A_116 = arith.addi %add3A_109, %and3A_115 : vector<2000x128xi32>
    %shift_right_logical3A_117 = arith.constant 16 : i32
    %shift_right_logical3A_118 = vector.broadcast %shift_right_logical3A_117 : i32 to vector<2000x128xi32>
    %shift_right_logical3A_119 = arith.shrui %add3A_116, %shift_right_logical3A_118 : vector<2000x128xi32>
    %shift_left3A_120 = arith.constant 16 : i32
    %shift_left3A_121 = vector.broadcast %shift_left3A_120 : i32 to vector<2000x128xi32>
    %shift_left3A_122 = arith.shli %shift_right_logical3A_119, %shift_left3A_121 : vector<2000x128xi32>
    %or3A_123 = arith.ori %shift_right_logical3A_105, %shift_left3A_122 : vector<2000x128xi32>
    %swap3A_124 = arith.constant 0 : index
    %swap3A_125 = arith.constant 128 : index
    %swap3A_126 = vector.load %arg9[%swap3A_124, %swap3A_125] : memref<2000x256xi32, #tpu.memory_space<vmem>>, vector<2000x128xi32>
    tpu.vector_store %arg9[%swap3A_124, %swap3A_125], %or3A_123 {strides = array<i32>} : memref<2000x256xi32, #tpu.memory_space<vmem>>, vector<2000x128xi32>,
    %eq3A = arith.constant 0 : i32
    %eq3A_127 = arith.cmpi eq, %arg0, %eq3A : i32
    %convert_element_type3A = arith.extui %eq3A_127 : i1 to i32
    %cond3A = arith.constant 0 : i32
    %cond3A_128 = arith.cmpi ne, %convert_element_type3A, %cond3A : i32
    scf.if %cond3A_128 {
      %get3A_129 = arith.constant 0 : index
      %get3A_130 = arith.constant 0 : index
      %get3A_131 = vector.load %arg4[%get3A_129, %get3A_130] : memref<128x128xf32, #tpu.memory_space<vmem>>, vector<128x128xf32>
      %get3A_132 = arith.constant 0 : index
      %get3A_133 = arith.constant 0 : index
      %get3A_134 = vector.load %arg5[%get3A_132, %get3A_133] : memref<128x128xf32, #tpu.memory_space<vmem>>, vector<128x128xf32>
      %dot_general3A_135 = arith.constant dense<0.000000e+00> : vector<128x128xf32>
      %dot_general3A_136 = tpu.matmul %get3A_131, %get3A_134, %dot_general3A_135 {dimension_numbers = #tpu.dot_dimension_numbers<[1], [0], [0], [1], [0, 0, 1, 1], [], []>, transpose_lhs_hint = false} : vector<128x128xf32>, vector<128x128xf32>, vector<128x128xf32> -> vector<128x128xf32>
      %swap3A_137 = arith.constant 0 : index
      %swap3A_138 = arith.constant 0 : index
      %swap3A_139 = vector.load %arg10[%swap3A_137, %swap3A_138] : memref<128x128xf32, #tpu.memory_space<vmem>>, vector<128x128xf32>
      tpu.vector_store %arg10[%swap3A_137, %swap3A_138], %dot_general3A_136 {strides = array<i32>} : memref<128x128xf32, #tpu.memory_space<vmem>>, vector<128x128xf32>,
      %get3A_140 = arith.constant 0 : index
      %get3A_141 = arith.constant 0 : index
      %get3A_142 = vector.load %arg6[%get3A_140, %get3A_141] : memref<1x128xf32, #tpu.memory_space<vmem>>, vector<1x128xf32>
      %get3A_143 = arith.constant 0 : index
      %get3A_144 = arith.constant 0 : index
      %get3A_145 = vector.load %arg5[%get3A_143, %get3A_144] : memref<128x128xf32, #tpu.memory_space<vmem>>, vector<128x128xf32>
      %dot_general3A_146 = arith.constant dense<0.000000e+00> : vector<1x128xf32>
      %dot_general3A_147 = tpu.matmul %get3A_142, %get3A_145, %dot_general3A_146 {dimension_numbers = #tpu.dot_dimension_numbers<[1], [0], [0], [1], [0, 0, 1, 1], [], []>, transpose_lhs_hint = false} : vector<1x128xf32>, vector<128x128xf32>, vector<1x128xf32> -> vector<1x128xf32>
      %get3A_148 = arith.constant 0 : index
      %get3A_149 = arith.constant 0 : index
      %get3A_150 = vector.load %arg7[%get3A_148, %get3A_149] : memref<1x128xf32, #tpu.memory_space<vmem>>, vector<1x128xf32>
      %add3A_151 = arith.addf %dot_general3A_147, %get3A_150 : vector<1x128xf32>
      %swap3A_152 = arith.constant 0 : index
      %swap3A_153 = arith.constant 0 : index
      %swap3A_154 = vector.load %arg11[%swap3A_152, %swap3A_153] : memref<1x128xf32, #tpu.memory_space<vmem>>, vector<1x128xf32>
      tpu.vector_store %arg11[%swap3A_152, %swap3A_153], %add3A_151 {strides = array<i32>} : memref<1x128xf32, #tpu.memory_space<vmem>>, vector<1x128xf32>,
    } else {
    }
    return
  }
  func.func @transform_0(%arg0: i32) -> (i32, i32) {
    %c0_i32 = arith.constant 0 : i32
    %c0_i32_0 = arith.constant 0 : i32
    return %arg0, %c0_i32 : i32, i32
  }
  func.func @transform_1(%arg0: i32) -> (i32, i32, i32) {
    %c0_i32 = arith.constant 0 : i32
    %c0_i32_0 = arith.constant 0 : i32
    %c0_i32_1 = arith.constant 0 : i32
    %c0_i32_2 = arith.constant 0 : i32
    return %c0_i32, %c0_i32_0, %c0_i32_1 : i32, i32, i32
  }
  func.func @transform_2(%arg0: i32) -> (i32, i32) {
    %c0_i32 = arith.constant 0 : i32
    %c0_i32_0 = arith.constant 0 : i32
    %c0_i32_1 = arith.constant 0 : i32
    return %c0_i32, %c0_i32_0 : i32, i32
  }
  func.func @transform_3(%arg0: i32) -> (i32, i32) {
    %c0_i32 = arith.constant 0 : i32
    %c0_i32_0 = arith.constant 0 : i32
    %c0_i32_1 = arith.constant 0 : i32
    return %c0_i32, %c0_i32_0 : i32, i32
  }
  func.func @transform_4(%arg0: i32) -> (i32, i32) {
    %c0_i32 = arith.constant 0 : i32
    %c0_i32_0 = arith.constant 0 : i32
    %c0_i32_1 = arith.constant 0 : i32
    return %c0_i32, %c0_i32_0 : i32, i32
  }
  func.func @transform_5(%arg0: i32) -> (i32, i32) {
    %c0_i32 = arith.constant 0 : i32
    %c0_i32_0 = arith.constant 0 : i32
    %c0_i32_1 = arith.constant 0 : i32
    return %c0_i32, %c0_i32_0 : i32, i32
  }
  func.func @transform_6(%arg0: i32) -> (i32, i32) {
    %c0_i32 = arith.constant 0 : i32
    %c0_i32_0 = arith.constant 0 : i32
    %c0_i32_1 = arith.constant 0 : i32
    return %c0_i32, %c0_i32_0 : i32, i32
  }
  func.func @transform_7(%arg0: i32) -> (i32, i32) {
    %c0_i32 = arith.constant 0 : i32
    %c0_i32_0 = arith.constant 0 : i32
    return %arg0, %c0_i32 : i32, i32
  }
  func.func @transform_8(%arg0: i32) -> (i32, i32) {
    %c0_i32 = arith.constant 0 : i32
    %c0_i32_0 = arith.constant 0 : i32
    return %arg0, %c0_i32 : i32, i32
  }
  func.func @transform_9(%arg0: i32) -> (i32, i32) {
    %c0_i32 = arith.constant 0 : i32
    %c0_i32_0 = arith.constant 0 : i32
    %c0_i32_1 = arith.constant 0 : i32
    return %c0_i32, %c0_i32_0 : i32, i32
  }
  func.func @transform_10(%arg0: i32) -> (i32, i32) {
    %c0_i32 = arith.constant 0 : i32
    %c0_i32_0 = arith.constant 0 : i32
    %c0_i32_1 = arith.constant 0 : i32
    return %c0_i32, %c0_i32_0 : i32, i32
  }
}

module attributes {stable_mosaic.version = 14 : i64} {
  func.func @_pass1_body(%arg0: i32, %arg1: memref<2048x128xf32, #tpu.memory_space<vmem>>, %arg2: memref<2048x128xi32, #tpu.memory_space<vmem>>, %arg3: memref<2048x128xi32, #tpu.memory_space<vmem>>, %arg4: memref<16x128xf32, #tpu.memory_space<vmem>>, %arg5: memref<1x128xf32, #tpu.memory_space<vmem>>, %arg6: memref<1x128xf32, #tpu.memory_space<vmem>>, %arg7: memref<128x128xf32, #tpu.memory_space<vmem>>, %arg8: memref<1x128xf32, #tpu.memory_space<vmem>>, %arg9: memref<2048x128xf32, #tpu.memory_space<vmem>>, %arg10: memref<16x128xf32, #tpu.memory_space<vmem>>) attributes {dimension_semantics = [#tpu.dimension_semantics<parallel>], iteration_bounds = array<i64: 160>, scalar_prefetch = 0 : i64, scratch_operands = 0 : i64, tpu.core_type = #tpu.core_type<tc>, window_params = [{transform_indices = @transform_0, window_bounds = array<i64: 2048, 128>}, {transform_indices = @transform_1, window_bounds = array<i64: 2048, 128>}, {transform_indices = @transform_2, window_bounds = array<i64: 2048, 128>}, {transform_indices = @transform_3, window_bounds = array<i64: 16, 128>}, {pipeline_mode = #tpu.pipeline_mode<synchronous>, transform_indices = @transform_4, window_bounds = array<i64: 1, 128>}, {pipeline_mode = #tpu.pipeline_mode<synchronous>, transform_indices = @transform_5, window_bounds = array<i64: 1, 128>}, {pipeline_mode = #tpu.pipeline_mode<synchronous>, transform_indices = @transform_6, window_bounds = array<i64: 128, 128>}, {pipeline_mode = #tpu.pipeline_mode<synchronous>, transform_indices = @transform_7, window_bounds = array<i64: 1, 128>}, {transform_indices = @transform_8, window_bounds = array<i64: 2048, 128>}, {transform_indices = @transform_9, window_bounds = array<i64: 16, 128>}]} {
    %get3A = arith.constant 0 : index
    %get3A_0 = arith.constant 0 : index
    %get3A_1 = vector.load %arg2[%get3A, %get3A_0] : memref<2048x128xi32, #tpu.memory_space<vmem>>, vector<2048x128xi32>
    %and3A = arith.constant -65536 : i32
    %and3A_2 = vector.broadcast %and3A : i32 to vector<2048x128xi32>
    %and3A_3 = arith.andi %get3A_1, %and3A_2 : vector<2048x128xi32>
    %bitcast_convert_type3A = tpu.bitcast %and3A_3 : vector<2048x128xi32> -> vector<2048x128xf32>
    %get3A_4 = arith.constant 0 : index
    %get3A_5 = arith.constant 0 : index
    %get3A_6 = vector.load %arg1[%get3A_4, %get3A_5] : memref<2048x128xf32, #tpu.memory_space<vmem>>, vector<2048x128xf32>
    %get3A_7 = arith.constant 0 : index
    %get3A_8 = arith.constant 0 : index
    %get3A_9 = vector.load %arg4[%get3A_7, %get3A_8] : memref<16x128xf32, #tpu.memory_space<vmem>>, vector<16x128xf32>
    %broadcast_in_dim3A = vector.shape_cast %get3A_9 : vector<16x128xf32> to vector<16x128x1xf32>
    %broadcast_in_dim3A_10 = vector.shape_cast %broadcast_in_dim3A : vector<16x128x1xf32> to vector<16x128x1xf32>
    %broadcast_in_dim3A_11 = vector.broadcast %broadcast_in_dim3A_10 : vector<16x128x1xf32> to vector<16x128x128xf32>
    %reshape3A = vector.shape_cast %broadcast_in_dim3A_11 : vector<16x128x128xf32> to vector<2048x128xf32>
    %mul3A = arith.mulf %reshape3A, %bitcast_convert_type3A : vector<2048x128xf32>
    %add3A = arith.addf %get3A_6, %mul3A : vector<2048x128xf32>
    %get3A_12 = arith.constant 0 : index
    %get3A_13 = arith.constant 0 : index
    %get3A_14 = vector.load %arg5[%get3A_12, %get3A_13] : memref<1x128xf32, #tpu.memory_space<vmem>>, vector<1x128xf32>
    %get3A_15 = arith.constant 0 : index
    %get3A_16 = arith.constant 0 : index
    %get3A_17 = vector.load %arg6[%get3A_15, %get3A_16] : memref<1x128xf32, #tpu.memory_space<vmem>>, vector<1x128xf32>
    %reduce_sum3A = arith.constant dense<0.000000e+00> : vector<2048xf32>
    %reduce_sum3A_18 = vector.multi_reduction <add>, %add3A, %reduce_sum3A [1] : vector<2048x128xf32> to vector<2048xf32>
    %broadcast_in_dim3A_19 = vector.shape_cast %reduce_sum3A_18 : vector<2048xf32> to vector<2048x1xf32>
    %div3A = arith.constant 1.280000e+02 : f32
    %div3A_20 = vector.broadcast %div3A : f32 to vector<2048x1xf32>
    %div3A_21 = arith.divf %broadcast_in_dim3A_19, %div3A_20 : vector<2048x1xf32>
    %sub3A = vector.broadcast %div3A_21 : vector<2048x1xf32> to vector<2048x128xf32>
    %sub3A_22 = arith.subf %add3A, %sub3A : vector<2048x128xf32>
    %mul3A_23 = arith.mulf %sub3A_22, %sub3A_22 : vector<2048x128xf32>
    %reduce_sum3A_24 = arith.constant dense<0.000000e+00> : vector<2048xf32>
    %reduce_sum3A_25 = vector.multi_reduction <add>, %mul3A_23, %reduce_sum3A_24 [1] : vector<2048x128xf32> to vector<2048xf32>
    %broadcast_in_dim3A_26 = vector.shape_cast %reduce_sum3A_25 : vector<2048xf32> to vector<2048x1xf32>
    %div3A_27 = arith.constant 1.280000e+02 : f32
    %div3A_28 = vector.broadcast %div3A_27 : f32 to vector<2048x1xf32>
    %div3A_29 = arith.divf %broadcast_in_dim3A_26, %div3A_28 : vector<2048x1xf32>
    %add3A_30 = arith.constant 9.99999974E-6 : f32
    %add3A_31 = vector.broadcast %add3A_30 : f32 to vector<2048x1xf32>
    %add3A_32 = arith.addf %div3A_29, %add3A_31 : vector<2048x1xf32>
    %sqrt3A = math.sqrt %add3A_32 : vector<2048x1xf32>
    %div3A_33 = vector.broadcast %sqrt3A : vector<2048x1xf32> to vector<2048x128xf32>
    %div3A_34 = arith.divf %sub3A_22, %div3A_33 : vector<2048x128xf32>
    %mul3A_35 = vector.broadcast %get3A_14 : vector<1x128xf32> to vector<2048x128xf32>
    %mul3A_36 = arith.mulf %div3A_34, %mul3A_35 : vector<2048x128xf32>
    %add3A_37 = vector.broadcast %get3A_17 : vector<1x128xf32> to vector<2048x128xf32>
    %add3A_38 = arith.addf %mul3A_36, %add3A_37 : vector<2048x128xf32>
    %convert_element_type3A = arith.truncf %add3A_38 : vector<2048x128xf32> to vector<2048x128xbf16>
    %get3A_39 = arith.constant 0 : index
    %get3A_40 = arith.constant 0 : index
    %get3A_41 = vector.load %arg7[%get3A_39, %get3A_40] : memref<128x128xf32, #tpu.memory_space<vmem>>, vector<128x128xf32>
    %convert_element_type3A_42 = arith.truncf %get3A_41 : vector<128x128xf32> to vector<128x128xbf16>
    %dot_general3A = arith.constant dense<0.000000e+00> : vector<2048x128xf32>
    %dot_general3A_43 = tpu.matmul %convert_element_type3A, %convert_element_type3A_42, %dot_general3A {dimension_numbers = #tpu.dot_dimension_numbers<[1], [0], [0], [1], [0, 0, 1, 1], [], []>, transpose_lhs_hint = false} : vector<2048x128xbf16>, vector<128x128xbf16>, vector<2048x128xf32> -> vector<2048x128xf32>
    %get3A_44 = arith.constant 0 : index
    %get3A_45 = arith.constant 0 : index
    %get3A_46 = vector.load %arg8[%get3A_44, %get3A_45] : memref<1x128xf32, #tpu.memory_space<vmem>>, vector<1x128xf32>
    %add3A_47 = vector.broadcast %get3A_46 : vector<1x128xf32> to vector<2048x128xf32>
    %add3A_48 = arith.addf %dot_general3A_43, %add3A_47 : vector<2048x128xf32>
    %swap3A = arith.constant 0 : index
    %swap3A_49 = arith.constant 0 : index
    %swap3A_50 = vector.load %arg9[%swap3A, %swap3A_49] : memref<2048x128xf32, #tpu.memory_space<vmem>>, vector<2048x128xf32>
    tpu.vector_store %arg9[%swap3A, %swap3A_49], %add3A_48 {strides = array<i32>} : memref<2048x128xf32, #tpu.memory_space<vmem>>, vector<2048x128xf32>,
    %get3A_51 = arith.constant 0 : index
    %get3A_52 = arith.constant 0 : index
    %get3A_53 = vector.load %arg3[%get3A_51, %get3A_52] : memref<2048x128xi32, #tpu.memory_space<vmem>>, vector<2048x128xi32>
    %shift_left3A = arith.constant 16 : i32
    %shift_left3A_54 = vector.broadcast %shift_left3A : i32 to vector<2048x128xi32>
    %shift_left3A_55 = arith.shli %get3A_53, %shift_left3A_54 : vector<2048x128xi32>
    %bitcast_convert_type3A_56 = tpu.bitcast %shift_left3A_55 : vector<2048x128xi32> -> vector<2048x128xf32>
    %mul3A_57 = arith.mulf %add3A_48, %bitcast_convert_type3A_56 : vector<2048x128xf32>
    %reshape3A_58 = vector.shape_cast %mul3A_57 : vector<2048x128xf32> to vector<16x128x128xf32>
    %reduce_sum3A_59 = arith.constant dense<0.000000e+00> : vector<16x128xf32>
    %reduce_sum3A_60 = vector.multi_reduction <add>, %reshape3A_58, %reduce_sum3A_59 [2] : vector<16x128x128xf32> to vector<16x128xf32>
    %swap3A_61 = arith.constant 0 : index
    %swap3A_62 = arith.constant 0 : index
    %swap3A_63 = vector.load %arg10[%swap3A_61, %swap3A_62] : memref<16x128xf32, #tpu.memory_space<vmem>>, vector<16x128xf32>
    tpu.vector_store %arg10[%swap3A_61, %swap3A_62], %reduce_sum3A_60 {strides = array<i32>} : memref<16x128xf32, #tpu.memory_space<vmem>>, vector<16x128xf32>,
    return
  }
  func.func @transform_0(%arg0: i32) -> (i32, i32) {
    %c0_i32 = arith.constant 0 : i32
    %c0_i32_0 = arith.constant 0 : i32
    return %arg0, %c0_i32 : i32, i32
  }
  func.func @transform_1(%arg0: i32) -> (i32, i32) {
    %c0_i32 = arith.constant 0 : i32
    %c0_i32_0 = arith.constant 0 : i32
    return %arg0, %c0_i32 : i32, i32
  }
  func.func @transform_2(%arg0: i32) -> (i32, i32) {
    %c1_i32 = arith.constant 1 : i32
    %c0_i32 = arith.constant 0 : i32
    return %arg0, %c1_i32 : i32, i32
  }
  func.func @transform_3(%arg0: i32) -> (i32, i32) {
    %c0_i32 = arith.constant 0 : i32
    %c0_i32_0 = arith.constant 0 : i32
    return %arg0, %c0_i32 : i32, i32
  }
  func.func @transform_4(%arg0: i32) -> (i32, i32) {
    %c0_i32 = arith.constant 0 : i32
    %c0_i32_0 = arith.constant 0 : i32
    %c0_i32_1 = arith.constant 0 : i32
    return %c0_i32, %c0_i32_0 : i32, i32
  }
  func.func @transform_5(%arg0: i32) -> (i32, i32) {
    %c0_i32 = arith.constant 0 : i32
    %c0_i32_0 = arith.constant 0 : i32
    %c0_i32_1 = arith.constant 0 : i32
    return %c0_i32, %c0_i32_0 : i32, i32
  }
  func.func @transform_6(%arg0: i32) -> (i32, i32) {
    %c0_i32 = arith.constant 0 : i32
    %c0_i32_0 = arith.constant 0 : i32
    %c0_i32_1 = arith.constant 0 : i32
    return %c0_i32, %c0_i32_0 : i32, i32
  }
  func.func @transform_7(%arg0: i32) -> (i32, i32) {
    %c0_i32 = arith.constant 0 : i32
    %c0_i32_0 = arith.constant 0 : i32
    %c0_i32_1 = arith.constant 0 : i32
    return %c0_i32, %c0_i32_0 : i32, i32
  }
  func.func @transform_8(%arg0: i32) -> (i32, i32) {
    %c0_i32 = arith.constant 0 : i32
    %c0_i32_0 = arith.constant 0 : i32
    return %arg0, %c0_i32 : i32, i32
  }
  func.func @transform_9(%arg0: i32) -> (i32, i32) {
    %c0_i32 = arith.constant 0 : i32
    %c0_i32_0 = arith.constant 0 : i32
    return %arg0, %c0_i32 : i32, i32
  }
}

module attributes {stable_mosaic.version = 14 : i64} {
  func.func @_pass2_body(%arg0: i32, %arg1: memref<2048x128xf32, #tpu.memory_space<vmem>>, %arg2: memref<2048x128xi32, #tpu.memory_space<vmem>>, %arg3: memref<16x128xf32, #tpu.memory_space<vmem>>, %arg4: memref<1x128xf32, #tpu.memory_space<vmem>>, %arg5: memref<1x128xf32, #tpu.memory_space<vmem>>, %arg6: memref<128x128xf32, #tpu.memory_space<vmem>>, %arg7: memref<1x128xf32, #tpu.memory_space<vmem>>, %arg8: memref<1x128xf32, #tpu.memory_space<vmem>>, %arg9: memref<1x128xf32, #tpu.memory_space<vmem>>, %arg10: memref<128x384xf32, #tpu.memory_space<vmem>>, %arg11: memref<1x384xf32, #tpu.memory_space<vmem>>, %arg12: memref<384x384xf32, #tpu.memory_space<vmem>>, %arg13: memref<1x384xf32, #tpu.memory_space<vmem>>, %arg14: memref<384x128xf32, #tpu.memory_space<vmem>>, %arg15: memref<1x128xf32, #tpu.memory_space<vmem>>, %arg16: memref<1x128xf32, #tpu.memory_space<vmem>>, %arg17: memref<1x128xf32, #tpu.memory_space<vmem>>, %arg18: memref<1x128xf32, #tpu.memory_space<vmem>>, %arg19: memref<1x1xf32, #tpu.memory_space<vmem>>, %arg20: memref<16x128xf32, #tpu.memory_space<vmem>>) attributes {dimension_semantics = [#tpu.dimension_semantics<parallel>], iteration_bounds = array<i64: 160>, scalar_prefetch = 0 : i64, scratch_operands = 0 : i64, tpu.core_type = #tpu.core_type<tc>, window_params = [{transform_indices = @transform_0, window_bounds = array<i64: 2048, 128>}, {transform_indices = @transform_1, window_bounds = array<i64: 2048, 128>}, {transform_indices = @transform_2, window_bounds = array<i64: 16, 128>}, {pipeline_mode = #tpu.pipeline_mode<synchronous>, transform_indices = @transform_3, window_bounds = array<i64: 1, 128>}, {pipeline_mode = #tpu.pipeline_mode<synchronous>, transform_indices = @transform_4, window_bounds = array<i64: 1, 128>}, {pipeline_mode = #tpu.pipeline_mode<synchronous>, transform_indices = @transform_5, window_bounds = array<i64: 128, 128>}, {pipeline_mode = #tpu.pipeline_mode<synchronous>, transform_indices = @transform_6, window_bounds = array<i64: 1, 128>}, {pipeline_mode = #tpu.pipeline_mode<synchronous>, transform_indices = @transform_7, window_bounds = array<i64: 1, 128>}, {pipeline_mode = #tpu.pipeline_mode<synchronous>, transform_indices = @transform_8, window_bounds = array<i64: 1, 128>}, {pipeline_mode = #tpu.pipeline_mode<synchronous>, transform_indices = @transform_9, window_bounds = array<i64: 128, 384>}, {pipeline_mode = #tpu.pipeline_mode<synchronous>, transform_indices = @transform_10, window_bounds = array<i64: 1, 384>}, {pipeline_mode = #tpu.pipeline_mode<synchronous>, transform_indices = @transform_11, window_bounds = array<i64: 384, 384>}, {pipeline_mode = #tpu.pipeline_mode<synchronous>, transform_indices = @transform_12, window_bounds = array<i64: 1, 384>}, {pipeline_mode = #tpu.pipeline_mode<synchronous>, transform_indices = @transform_13, window_bounds = array<i64: 384, 128>}, {pipeline_mode = #tpu.pipeline_mode<synchronous>, transform_indices = @transform_14, window_bounds = array<i64: 1, 128>}, {pipeline_mode = #tpu.pipeline_mode<synchronous>, transform_indices = @transform_15, window_bounds = array<i64: 1, 128>}, {pipeline_mode = #tpu.pipeline_mode<synchronous>, transform_indices = @transform_16, window_bounds = array<i64: 1, 128>}, {pipeline_mode = #tpu.pipeline_mode<synchronous>, transform_indices = @transform_17, window_bounds = array<i64: 1, 128>}, {pipeline_mode = #tpu.pipeline_mode<synchronous>, transform_indices = @transform_18, window_bounds = array<i64: 1, 1>}, {transform_indices = @transform_19, window_bounds = array<i64: 16, 128>}]} {
    %get3A = arith.constant 0 : index
    %get3A_0 = arith.constant 0 : index
    %get3A_1 = vector.load %arg1[%get3A, %get3A_0] : memref<2048x128xf32, #tpu.memory_space<vmem>>, vector<2048x128xf32>
    %get3A_2 = arith.constant 0 : index
    %get3A_3 = arith.constant 0 : index
    %get3A_4 = vector.load %arg3[%get3A_2, %get3A_3] : memref<16x128xf32, #tpu.memory_space<vmem>>, vector<16x128xf32>
    %broadcast_in_dim3A = vector.shape_cast %get3A_4 : vector<16x128xf32> to vector<16x128x1xf32>
    %broadcast_in_dim3A_5 = vector.shape_cast %broadcast_in_dim3A : vector<16x128x1xf32> to vector<16x128x1xf32>
    %broadcast_in_dim3A_6 = vector.broadcast %broadcast_in_dim3A_5 : vector<16x128x1xf32> to vector<16x128x128xf32>
    %reshape3A = vector.shape_cast %broadcast_in_dim3A_6 : vector<16x128x128xf32> to vector<2048x128xf32>
    %get3A_7 = arith.constant 0 : index
    %get3A_8 = arith.constant 0 : index
    %get3A_9 = vector.load %arg2[%get3A_7, %get3A_8] : memref<2048x128xi32, #tpu.memory_space<vmem>>, vector<2048x128xi32>
    %and3A = arith.constant -65536 : i32
    %and3A_10 = vector.broadcast %and3A : i32 to vector<2048x128xi32>
    %and3A_11 = arith.andi %get3A_9, %and3A_10 : vector<2048x128xi32>
    %bitcast_convert_type3A = tpu.bitcast %and3A_11 : vector<2048x128xi32> -> vector<2048x128xf32>
    %mul3A = arith.mulf %reshape3A, %bitcast_convert_type3A : vector<2048x128xf32>
    %add3A = arith.addf %get3A_1, %mul3A : vector<2048x128xf32>
    %get3A_12 = arith.constant 0 : index
    %get3A_13 = arith.constant 0 : index
    %get3A_14 = vector.load %arg4[%get3A_12, %get3A_13] : memref<1x128xf32, #tpu.memory_space<vmem>>, vector<1x128xf32>
    %get3A_15 = arith.constant 0 : index
    %get3A_16 = arith.constant 0 : index
    %get3A_17 = vector.load %arg5[%get3A_15, %get3A_16] : memref<1x128xf32, #tpu.memory_space<vmem>>, vector<1x128xf32>
    %reduce_sum3A = arith.constant dense<0.000000e+00> : vector<2048xf32>
    %reduce_sum3A_18 = vector.multi_reduction <add>, %add3A, %reduce_sum3A [1] : vector<2048x128xf32> to vector<2048xf32>
    %broadcast_in_dim3A_19 = vector.shape_cast %reduce_sum3A_18 : vector<2048xf32> to vector<2048x1xf32>
    %div3A = arith.constant 1.280000e+02 : f32
    %div3A_20 = vector.broadcast %div3A : f32 to vector<2048x1xf32>
    %div3A_21 = arith.divf %broadcast_in_dim3A_19, %div3A_20 : vector<2048x1xf32>
    %sub3A = vector.broadcast %div3A_21 : vector<2048x1xf32> to vector<2048x128xf32>
    %sub3A_22 = arith.subf %add3A, %sub3A : vector<2048x128xf32>
    %mul3A_23 = arith.mulf %sub3A_22, %sub3A_22 : vector<2048x128xf32>
    %reduce_sum3A_24 = arith.constant dense<0.000000e+00> : vector<2048xf32>
    %reduce_sum3A_25 = vector.multi_reduction <add>, %mul3A_23, %reduce_sum3A_24 [1] : vector<2048x128xf32> to vector<2048xf32>
    %broadcast_in_dim3A_26 = vector.shape_cast %reduce_sum3A_25 : vector<2048xf32> to vector<2048x1xf32>
    %div3A_27 = arith.constant 1.280000e+02 : f32
    %div3A_28 = vector.broadcast %div3A_27 : f32 to vector<2048x1xf32>
    %div3A_29 = arith.divf %broadcast_in_dim3A_26, %div3A_28 : vector<2048x1xf32>
    %add3A_30 = arith.constant 9.99999974E-6 : f32
    %add3A_31 = vector.broadcast %add3A_30 : f32 to vector<2048x1xf32>
    %add3A_32 = arith.addf %div3A_29, %add3A_31 : vector<2048x1xf32>
    %sqrt3A = math.sqrt %add3A_32 : vector<2048x1xf32>
    %div3A_33 = vector.broadcast %sqrt3A : vector<2048x1xf32> to vector<2048x128xf32>
    %div3A_34 = arith.divf %sub3A_22, %div3A_33 : vector<2048x128xf32>
    %mul3A_35 = vector.broadcast %get3A_14 : vector<1x128xf32> to vector<2048x128xf32>
    %mul3A_36 = arith.mulf %div3A_34, %mul3A_35 : vector<2048x128xf32>
    %add3A_37 = vector.broadcast %get3A_17 : vector<1x128xf32> to vector<2048x128xf32>
    %add3A_38 = arith.addf %mul3A_36, %add3A_37 : vector<2048x128xf32>
    %convert_element_type3A = arith.truncf %add3A_38 : vector<2048x128xf32> to vector<2048x128xbf16>
    %get3A_39 = arith.constant 0 : index
    %get3A_40 = arith.constant 0 : index
    %get3A_41 = vector.load %arg6[%get3A_39, %get3A_40] : memref<128x128xf32, #tpu.memory_space<vmem>>, vector<128x128xf32>
    %convert_element_type3A_42 = arith.truncf %get3A_41 : vector<128x128xf32> to vector<128x128xbf16>
    %dot_general3A = arith.constant dense<0.000000e+00> : vector<2048x128xf32>
    %dot_general3A_43 = tpu.matmul %convert_element_type3A, %convert_element_type3A_42, %dot_general3A {dimension_numbers = #tpu.dot_dimension_numbers<[1], [0], [0], [1], [0, 0, 1, 1], [], []>, transpose_lhs_hint = false} : vector<2048x128xbf16>, vector<128x128xbf16>, vector<2048x128xf32> -> vector<2048x128xf32>
    %get3A_44 = arith.constant 0 : index
    %get3A_45 = arith.constant 0 : index
    %get3A_46 = vector.load %arg7[%get3A_44, %get3A_45] : memref<1x128xf32, #tpu.memory_space<vmem>>, vector<1x128xf32>
    %add3A_47 = vector.broadcast %get3A_46 : vector<1x128xf32> to vector<2048x128xf32>
    %add3A_48 = arith.addf %dot_general3A_43, %add3A_47 : vector<2048x128xf32>
    %ge3A = arith.constant 0.000000e+00 : f32
    %ge3A_49 = vector.broadcast %ge3A : f32 to vector<2048x128xf32>
    %ge3A_50 = arith.cmpf oge, %add3A_48, %ge3A_49 : vector<2048x128xf32>
    %mul3A_51 = arith.constant 2.000000e-01 : f32
    %mul3A_52 = vector.broadcast %mul3A_51 : f32 to vector<2048x128xf32>
    %mul3A_53 = arith.mulf %mul3A_52, %add3A_48 : vector<2048x128xf32>
    %select_n3A = arith.select %ge3A_50, %add3A_48, %mul3A_53 : vector<2048x128xi1>, vector<2048x128xf32>
    %get3A_54 = arith.constant 0 : index
    %get3A_55 = arith.constant 0 : index
    %get3A_56 = vector.load %arg8[%get3A_54, %get3A_55] : memref<1x128xf32, #tpu.memory_space<vmem>>, vector<1x128xf32>
    %get3A_57 = arith.constant 0 : index
    %get3A_58 = arith.constant 0 : index
    %get3A_59 = vector.load %arg9[%get3A_57, %get3A_58] : memref<1x128xf32, #tpu.memory_space<vmem>>, vector<1x128xf32>
    %reduce_sum3A_60 = arith.constant dense<0.000000e+00> : vector<2048xf32>
    %reduce_sum3A_61 = vector.multi_reduction <add>, %select_n3A, %reduce_sum3A_60 [1] : vector<2048x128xf32> to vector<2048xf32>
    %broadcast_in_dim3A_62 = vector.shape_cast %reduce_sum3A_61 : vector<2048xf32> to vector<2048x1xf32>
    %div3A_63 = arith.constant 1.280000e+02 : f32
    %div3A_64 = vector.broadcast %div3A_63 : f32 to vector<2048x1xf32>
    %div3A_65 = arith.divf %broadcast_in_dim3A_62, %div3A_64 : vector<2048x1xf32>
    %sub3A_66 = vector.broadcast %div3A_65 : vector<2048x1xf32> to vector<2048x128xf32>
    %sub3A_67 = arith.subf %select_n3A, %sub3A_66 : vector<2048x128xf32>
    %mul3A_68 = arith.mulf %sub3A_67, %sub3A_67 : vector<2048x128xf32>
    %reduce_sum3A_69 = arith.constant dense<0.000000e+00> : vector<2048xf32>
    %reduce_sum3A_70 = vector.multi_reduction <add>, %mul3A_68, %reduce_sum3A_69 [1] : vector<2048x128xf32> to vector<2048xf32>
    %broadcast_in_dim3A_71 = vector.shape_cast %reduce_sum3A_70 : vector<2048xf32> to vector<2048x1xf32>
    %div3A_72 = arith.constant 1.280000e+02 : f32
    %div3A_73 = vector.broadcast %div3A_72 : f32 to vector<2048x1xf32>
    %div3A_74 = arith.divf %broadcast_in_dim3A_71, %div3A_73 : vector<2048x1xf32>
    %add3A_75 = arith.constant 9.99999974E-6 : f32
    %add3A_76 = vector.broadcast %add3A_75 : f32 to vector<2048x1xf32>
    %add3A_77 = arith.addf %div3A_74, %add3A_76 : vector<2048x1xf32>
    %sqrt3A_78 = math.sqrt %add3A_77 : vector<2048x1xf32>
    %div3A_79 = vector.broadcast %sqrt3A_78 : vector<2048x1xf32> to vector<2048x128xf32>
    %div3A_80 = arith.divf %sub3A_67, %div3A_79 : vector<2048x128xf32>
    %mul3A_81 = vector.broadcast %get3A_56 : vector<1x128xf32> to vector<2048x128xf32>
    %mul3A_82 = arith.mulf %div3A_80, %mul3A_81 : vector<2048x128xf32>
    %add3A_83 = vector.broadcast %get3A_59 : vector<1x128xf32> to vector<2048x128xf32>
    %add3A_84 = arith.addf %mul3A_82, %add3A_83 : vector<2048x128xf32>
    %convert_element_type3A_85 = arith.truncf %add3A_84 : vector<2048x128xf32> to vector<2048x128xbf16>
    %get3A_86 = arith.constant 0 : index
    %get3A_87 = arith.constant 0 : index
    %get3A_88 = vector.load %arg10[%get3A_86, %get3A_87] : memref<128x384xf32, #tpu.memory_space<vmem>>, vector<128x384xf32>
    %convert_element_type3A_89 = arith.truncf %get3A_88 : vector<128x384xf32> to vector<128x384xbf16>
    %dot_general3A_90 = arith.constant dense<0.000000e+00> : vector<2048x384xf32>
    %dot_general3A_91 = tpu.matmul %convert_element_type3A_85, %convert_element_type3A_89, %dot_general3A_90 {dimension_numbers = #tpu.dot_dimension_numbers<[1], [0], [0], [1], [0, 0, 1, 1], [], []>, transpose_lhs_hint = false} : vector<2048x128xbf16>, vector<128x384xbf16>, vector<2048x384xf32> -> vector<2048x384xf32>
    %get3A_92 = arith.constant 0 : index
    %get3A_93 = arith.constant 0 : index
    %get3A_94 = vector.load %arg11[%get3A_92, %get3A_93] : memref<1x384xf32, #tpu.memory_space<vmem>>, vector<1x384xf32>
    %add3A_95 = vector.broadcast %get3A_94 : vector<1x384xf32> to vector<2048x384xf32>
    %add3A_96 = arith.addf %dot_general3A_91, %add3A_95 : vector<2048x384xf32>
    %ge3A_97 = arith.constant 0.000000e+00 : f32
    %ge3A_98 = vector.broadcast %ge3A_97 : f32 to vector<2048x384xf32>
    %ge3A_99 = arith.cmpf oge, %add3A_96, %ge3A_98 : vector<2048x384xf32>
    %mul3A_100 = arith.constant 2.000000e-01 : f32
    %mul3A_101 = vector.broadcast %mul3A_100 : f32 to vector<2048x384xf32>
    %mul3A_102 = arith.mulf %mul3A_101, %add3A_96 : vector<2048x384xf32>
    %select_n3A_103 = arith.select %ge3A_99, %add3A_96, %mul3A_102 : vector<2048x384xi1>, vector<2048x384xf32>
    %convert_element_type3A_104 = arith.truncf %select_n3A_103 : vector<2048x384xf32> to vector<2048x384xbf16>
    %get3A_105 = arith.constant 0 : index
    %get3A_106 = arith.constant 0 : index
    %get3A_107 = vector.load %arg12[%get3A_105, %get3A_106] : memref<384x384xf32, #tpu.memory_space<vmem>>, vector<384x384xf32>
    %convert_element_type3A_108 = arith.truncf %get3A_107 : vector<384x384xf32> to vector<384x384xbf16>
    %dot_general3A_109 = arith.constant dense<0.000000e+00> : vector<2048x384xf32>
    %dot_general3A_110 = tpu.matmul %convert_element_type3A_104, %convert_element_type3A_108, %dot_general3A_109 {dimension_numbers = #tpu.dot_dimension_numbers<[1], [0], [0], [1], [0, 0, 1, 1], [], []>, transpose_lhs_hint = false} : vector<2048x384xbf16>, vector<384x384xbf16>, vector<2048x384xf32> -> vector<2048x384xf32>
    %get3A_111 = arith.constant 0 : index
    %get3A_112 = arith.constant 0 : index
    %get3A_113 = vector.load %arg13[%get3A_111, %get3A_112] : memref<1x384xf32, #tpu.memory_space<vmem>>, vector<1x384xf32>
    %add3A_114 = vector.broadcast %get3A_113 : vector<1x384xf32> to vector<2048x384xf32>
    %add3A_115 = arith.addf %dot_general3A_110, %add3A_114 : vector<2048x384xf32>
    %ge3A_116 = arith.constant 0.000000e+00 : f32
    %ge3A_117 = vector.broadcast %ge3A_116 : f32 to vector<2048x384xf32>
    %ge3A_118 = arith.cmpf oge, %add3A_115, %ge3A_117 : vector<2048x384xf32>
    %mul3A_119 = arith.constant 2.000000e-01 : f32
    %mul3A_120 = vector.broadcast %mul3A_119 : f32 to vector<2048x384xf32>
    %mul3A_121 = arith.mulf %mul3A_120, %add3A_115 : vector<2048x384xf32>
    %select_n3A_122 = arith.select %ge3A_118, %add3A_115, %mul3A_121 : vector<2048x384xi1>, vector<2048x384xf32>
    %convert_element_type3A_123 = arith.truncf %select_n3A_122 : vector<2048x384xf32> to vector<2048x384xbf16>
    %get3A_124 = arith.constant 0 : index
    %get3A_125 = arith.constant 0 : index
    %get3A_126 = vector.load %arg14[%get3A_124, %get3A_125] : memref<384x128xf32, #tpu.memory_space<vmem>>, vector<384x128xf32>
    %convert_element_type3A_127 = arith.truncf %get3A_126 : vector<384x128xf32> to vector<384x128xbf16>
    %dot_general3A_128 = arith.constant dense<0.000000e+00> : vector<2048x128xf32>
    %dot_general3A_129 = tpu.matmul %convert_element_type3A_123, %convert_element_type3A_127, %dot_general3A_128 {dimension_numbers = #tpu.dot_dimension_numbers<[1], [0], [0], [1], [0, 0, 1, 1], [], []>, transpose_lhs_hint = false} : vector<2048x384xbf16>, vector<384x128xbf16>, vector<2048x128xf32> -> vector<2048x128xf32>
    %get3A_130 = arith.constant 0 : index
    %get3A_131 = arith.constant 0 : index
    %get3A_132 = vector.load %arg15[%get3A_130, %get3A_131] : memref<1x128xf32, #tpu.memory_space<vmem>>, vector<1x128xf32>
    %add3A_133 = vector.broadcast %get3A_132 : vector<1x128xf32> to vector<2048x128xf32>
    %add3A_134 = arith.addf %dot_general3A_129, %add3A_133 : vector<2048x128xf32>
    %add3A_135 = arith.addf %add3A_134, %add3A_84 : vector<2048x128xf32>
    %get3A_136 = arith.constant 0 : index
    %get3A_137 = arith.constant 0 : index
    %get3A_138 = vector.load %arg16[%get3A_136, %get3A_137] : memref<1x128xf32, #tpu.memory_space<vmem>>, vector<1x128xf32>
    %get3A_139 = arith.constant 0 : index
    %get3A_140 = arith.constant 0 : index
    %get3A_141 = vector.load %arg17[%get3A_139, %get3A_140] : memref<1x128xf32, #tpu.memory_space<vmem>>, vector<1x128xf32>
    %reduce_sum3A_142 = arith.constant dense<0.000000e+00> : vector<2048xf32>
    %reduce_sum3A_143 = vector.multi_reduction <add>, %add3A_135, %reduce_sum3A_142 [1] : vector<2048x128xf32> to vector<2048xf32>
    %broadcast_in_dim3A_144 = vector.shape_cast %reduce_sum3A_143 : vector<2048xf32> to vector<2048x1xf32>
    %div3A_145 = arith.constant 1.280000e+02 : f32
    %div3A_146 = vector.broadcast %div3A_145 : f32 to vector<2048x1xf32>
    %div3A_147 = arith.divf %broadcast_in_dim3A_144, %div3A_146 : vector<2048x1xf32>
    %sub3A_148 = vector.broadcast %div3A_147 : vector<2048x1xf32> to vector<2048x128xf32>
    %sub3A_149 = arith.subf %add3A_135, %sub3A_148 : vector<2048x128xf32>
    %mul3A_150 = arith.mulf %sub3A_149, %sub3A_149 : vector<2048x128xf32>
    %reduce_sum3A_151 = arith.constant dense<0.000000e+00> : vector<2048xf32>
    %reduce_sum3A_152 = vector.multi_reduction <add>, %mul3A_150, %reduce_sum3A_151 [1] : vector<2048x128xf32> to vector<2048xf32>
    %broadcast_in_dim3A_153 = vector.shape_cast %reduce_sum3A_152 : vector<2048xf32> to vector<2048x1xf32>
    %div3A_154 = arith.constant 1.280000e+02 : f32
    %div3A_155 = vector.broadcast %div3A_154 : f32 to vector<2048x1xf32>
    %div3A_156 = arith.divf %broadcast_in_dim3A_153, %div3A_155 : vector<2048x1xf32>
    %add3A_157 = arith.constant 9.99999974E-6 : f32
    %add3A_158 = vector.broadcast %add3A_157 : f32 to vector<2048x1xf32>
    %add3A_159 = arith.addf %div3A_156, %add3A_158 : vector<2048x1xf32>
    %sqrt3A_160 = math.sqrt %add3A_159 : vector<2048x1xf32>
    %div3A_161 = vector.broadcast %sqrt3A_160 : vector<2048x1xf32> to vector<2048x128xf32>
    %div3A_162 = arith.divf %sub3A_149, %div3A_161 : vector<2048x128xf32>
    %mul3A_163 = vector.broadcast %get3A_138 : vector<1x128xf32> to vector<2048x128xf32>
    %mul3A_164 = arith.mulf %div3A_162, %mul3A_163 : vector<2048x128xf32>
    %add3A_165 = vector.broadcast %get3A_141 : vector<1x128xf32> to vector<2048x128xf32>
    %add3A_166 = arith.addf %mul3A_164, %add3A_165 : vector<2048x128xf32>
    %get3A_167 = arith.constant 0 : index
    %get3A_168 = arith.constant 0 : index
    %get3A_169 = vector.load %arg18[%get3A_167, %get3A_168] : memref<1x128xf32, #tpu.memory_space<vmem>>, vector<1x128xf32>
    %mul3A_170 = vector.broadcast %get3A_169 : vector<1x128xf32> to vector<2048x128xf32>
    %mul3A_171 = arith.mulf %add3A_166, %mul3A_170 : vector<2048x128xf32>
    %reshape3A_172 = vector.shape_cast %mul3A_171 : vector<2048x128xf32> to vector<16x128x128xf32>
    %reduce_sum3A_173 = arith.constant dense<0.000000e+00> : vector<16x128xf32>
    %reduce_sum3A_174 = vector.multi_reduction <add>, %reshape3A_172, %reduce_sum3A_173 [2] : vector<16x128x128xf32> to vector<16x128xf32>
    %get3A_175 = arith.constant 0 : index
    %get3A_176 = arith.constant 0 : index
    %get3A_177 = vector.load %arg19[%get3A_175, %get3A_176] : memref<1x1xf32, #tpu.memory_space<vmem>>, vector<1x1xf32>
    %add3A_178 = vector.broadcast %get3A_177 : vector<1x1xf32> to vector<16x128xf32>
    %add3A_179 = arith.addf %reduce_sum3A_174, %add3A_178 : vector<16x128xf32>
    %swap3A = arith.constant 0 : index
    %swap3A_180 = arith.constant 0 : index
    %swap3A_181 = vector.load %arg20[%swap3A, %swap3A_180] : memref<16x128xf32, #tpu.memory_space<vmem>>, vector<16x128xf32>
    tpu.vector_store %arg20[%swap3A, %swap3A_180], %add3A_179 {strides = array<i32>} : memref<16x128xf32, #tpu.memory_space<vmem>>, vector<16x128xf32>,
    return
  }
  func.func @transform_0(%arg0: i32) -> (i32, i32) {
    %c0_i32 = arith.constant 0 : i32
    %c0_i32_0 = arith.constant 0 : i32
    return %arg0, %c0_i32 : i32, i32
  }
  func.func @transform_1(%arg0: i32) -> (i32, i32) {
    %c1_i32 = arith.constant 1 : i32
    %c0_i32 = arith.constant 0 : i32
    return %arg0, %c1_i32 : i32, i32
  }
  func.func @transform_2(%arg0: i32) -> (i32, i32) {
    %c0_i32 = arith.constant 0 : i32
    %c0_i32_0 = arith.constant 0 : i32
    return %arg0, %c0_i32 : i32, i32
  }
  func.func @transform_3(%arg0: i32) -> (i32, i32) {
    %c0_i32 = arith.constant 0 : i32
    %c0_i32_0 = arith.constant 0 : i32
    %c0_i32_1 = arith.constant 0 : i32
    return %c0_i32, %c0_i32_0 : i32, i32
  }
  func.func @transform_4(%arg0: i32) -> (i32, i32) {
    %c0_i32 = arith.constant 0 : i32
    %c0_i32_0 = arith.constant 0 : i32
    %c0_i32_1 = arith.constant 0 : i32
    return %c0_i32, %c0_i32_0 : i32, i32
  }
  func.func @transform_5(%arg0: i32) -> (i32, i32) {
    %c0_i32 = arith.constant 0 : i32
    %c0_i32_0 = arith.constant 0 : i32
    %c0_i32_1 = arith.constant 0 : i32
    return %c0_i32, %c0_i32_0 : i32, i32
  }
  func.func @transform_6(%arg0: i32) -> (i32, i32) {
    %c0_i32 = arith.constant 0 : i32
    %c0_i32_0 = arith.constant 0 : i32
    %c0_i32_1 = arith.constant 0 : i32
    return %c0_i32, %c0_i32_0 : i32, i32
  }
  func.func @transform_7(%arg0: i32) -> (i32, i32) {
    %c0_i32 = arith.constant 0 : i32
    %c0_i32_0 = arith.constant 0 : i32
    %c0_i32_1 = arith.constant 0 : i32
    return %c0_i32, %c0_i32_0 : i32, i32
  }
  func.func @transform_8(%arg0: i32) -> (i32, i32) {
    %c0_i32 = arith.constant 0 : i32
    %c0_i32_0 = arith.constant 0 : i32
    %c0_i32_1 = arith.constant 0 : i32
    return %c0_i32, %c0_i32_0 : i32, i32
  }
  func.func @transform_9(%arg0: i32) -> (i32, i32) {
    %c0_i32 = arith.constant 0 : i32
    %c0_i32_0 = arith.constant 0 : i32
    %c0_i32_1 = arith.constant 0 : i32
    return %c0_i32, %c0_i32_0 : i32, i32
  }
  func.func @transform_10(%arg0: i32) -> (i32, i32) {
    %c0_i32 = arith.constant 0 : i32
    %c0_i32_0 = arith.constant 0 : i32
    %c0_i32_1 = arith.constant 0 : i32
    return %c0_i32, %c0_i32_0 : i32, i32
  }
  func.func @transform_11(%arg0: i32) -> (i32, i32) {
    %c0_i32 = arith.constant 0 : i32
    %c0_i32_0 = arith.constant 0 : i32
    %c0_i32_1 = arith.constant 0 : i32
    return %c0_i32, %c0_i32_0 : i32, i32
  }
  func.func @transform_12(%arg0: i32) -> (i32, i32) {
    %c0_i32 = arith.constant 0 : i32
    %c0_i32_0 = arith.constant 0 : i32
    %c0_i32_1 = arith.constant 0 : i32
    return %c0_i32, %c0_i32_0 : i32, i32
  }
  func.func @transform_13(%arg0: i32) -> (i32, i32) {
    %c0_i32 = arith.constant 0 : i32
    %c0_i32_0 = arith.constant 0 : i32
    %c0_i32_1 = arith.constant 0 : i32
    return %c0_i32, %c0_i32_0 : i32, i32
  }
  func.func @transform_14(%arg0: i32) -> (i32, i32) {
    %c0_i32 = arith.constant 0 : i32
    %c0_i32_0 = arith.constant 0 : i32
    %c0_i32_1 = arith.constant 0 : i32
    return %c0_i32, %c0_i32_0 : i32, i32
  }
  func.func @transform_15(%arg0: i32) -> (i32, i32) {
    %c0_i32 = arith.constant 0 : i32
    %c0_i32_0 = arith.constant 0 : i32
    %c0_i32_1 = arith.constant 0 : i32
    return %c0_i32, %c0_i32_0 : i32, i32
  }
  func.func @transform_16(%arg0: i32) -> (i32, i32) {
    %c0_i32 = arith.constant 0 : i32
    %c0_i32_0 = arith.constant 0 : i32
    %c0_i32_1 = arith.constant 0 : i32
    return %c0_i32, %c0_i32_0 : i32, i32
  }
  func.func @transform_17(%arg0: i32) -> (i32, i32) {
    %c0_i32 = arith.constant 0 : i32
    %c0_i32_0 = arith.constant 0 : i32
    %c0_i32_1 = arith.constant 0 : i32
    return %c0_i32, %c0_i32_0 : i32, i32
  }
  func.func @transform_18(%arg0: i32) -> (i32, i32) {
    %c0_i32 = arith.constant 0 : i32
    %c0_i32_0 = arith.constant 0 : i32
    %c0_i32_1 = arith.constant 0 : i32
    return %c0_i32, %c0_i32_0 : i32, i32
  }
  func.func @transform_19(%arg0: i32) -> (i32, i32) {
    %c0_i32 = arith.constant 0 : i32
    %c0_i32_0 = arith.constant 0 : i32
    return %arg0, %c0_i32 : i32, i32
  }
}

</mosaic_0001>

<sc_bundles>
// kernel: kernel.12.cloned.1.call-start
scs
__scs_entry_jumppad:
0x0: {  	(pc) =	sbr.rel $0x88, $3  }
0x1: {  	(tag) =	ssettag $0x0;
	lr =	simm.s32 $0x1  }
0x2: {  	[smem:$0x3F89] =	sst lr;
	_ =	strace $0xD0000000  }
0x3: {  	_ = 	snop  }
0x4: {  	_ = 	snop  }
0x5: {  	_ = 	snop  }
0x6: {  	_ = 	snop  }
0x7: {  	_ = 	snop  }
__scs_overlays_trampoline_lowered:
0x8: {  	[smem:$0x3F98] =	sst s0  }
0x9: {  	[smem:$0x3F99] =	sst s1  }
0xa: {  	[smem:$0x3F9A] =	sst s2  }
0xb: {  	[smem:$0x3F9B] =	sst s3  }
0xc: {  	[smem:$0x3F9C] =	sst s4  }
0xd: {  	[smem:$0x3F9D] =	sst s5  }
0xe: {  	[smem:$0x3F9E] =	sst s6  }
0xf: {  	[smem:$0x3F9F] =	sst s7  }
0x10: {  	[smem:$0x3FA0] =	sst s8  }
0x11: {  	[smem:$0x3FA1] =	sst s9;
	s0 =	simm.s32 @!p0 $0x0  }
0x12: {  	s1 =	sld [smem:$0x3F87];
	s0 =	simm.s32 @p0 $0x1  }
0x13: {  	[smem:$0x3FA2] =	sst s0;
	s0 =	simm.s32 @!p1 $0x0  }
0x14: {  	s2 =	sld [smem:$0x3F86];
	s0 =	simm.s32 @p1 $0x1  }
0x15: {  	[smem:$0x3FA3] =	sst s0;
	s0 =	simm.s32 @!p2 $0x0  }
0x16: {  	s3 =	sld [smem:$0x3FDB];
	s0 =	simm.s32 @p2 $0x1  }
0x17: {  	s4 =	simm.s32 $0x1BF5;
	[smem:$0x3FA5] =	sst s0  }
0x18: {  	s0 =	sld [smem:$0x3F88];
	_ =	swait.ge [sflag:s4], $0x0  }
0x19: {  	s7 =	sld [smem:$0x3F89]  }
0x1a: {  	s8 =	sadd.s32 $0xFFFFE003, lr  }
0x1b: {  	s9 =	sadd.s32 $0xFFFFFEF7, lr;
	s5 =	simm.s32 $0xFFFFFFFF;
	p2 =	slt.u32 s8, $0xFFFFF086  }
0x1c: {  	p1 =	slt.u32 s9, $0xF7A;
	s5 =	simm.s32 @!p2 $0x0  }
0x1d: {  	s5 =	simm.s32 @p1 $0x1;
	p0 =	seq.s32 s7, s2  }
0x1e: {  	s7 =	smul.u32 @!p0 $0xF7A, s2;
	p2 =	seq.s32 @!p0 s5, $0x0  }
0x1f: {  	s9 =	smul.u32 $0xF7A, s1;
	s8 =	simm.s32 @!p0 $0x1BF5;
	p2 =	por !p2, p0  }
0x20: {  	[sflag:s8] =	ssyncset.s32 @!p0 $0xFFFFF086;
	s6 =	sadd.s32 @!p0 s3, s7;
	s7 =	simm.s32 @!p0 $0x108  }
0x21: {  	s3 =	sadd.s32 s3, s9;
	s6 =	sadd.s32 @!p0 $0x88, s6;
	s7 =	simm.s32 @p2 $0x1082  }
0x22: {  	[simem:s7], [sflag:s8] =	dma.local @!p0 [hbm:s6], $0xF7A  }
0x23: {  	s9 =	sor.u32 $0xD0000000, s2;
	s6 =	simm.s32 $0x108;
	_ =	swait.ge @!p0 [sflag:s8], $0x0  }
0x24: {  	s3 =	sadd.s32 $0x88, s3;
	s6 =	simm.s32 @!p1 $0x1082;
	[sflag:s4] =	ssyncset.s32 $0xFFFFF086  }
0x25: {  	[simem:s6], [sflag:s4] =	dma.local [hbm:s3], $0xF7A  }
0x26: {  	[smem:$0x3F89] =	sst s1;
	(tag) =	ssettag s2;
	_ =	strace s9  }
0x27: {  	s1 =	sld [smem:$0x3F99]  }
0x28: {  	s2 =	sld [smem:$0x3F9A]  }
0x29: {  	s4 =	sld [smem:$0x3F9C]  }
0x2a: {  	p0 =	seq.s32 s5, $0x0;
	s5 =	sld [smem:$0x3F9D]  }
0x2b: {  	s6 =	sld [smem:$0x3F9E]  }
0x2c: {  	s7 =	sld [smem:$0x3F9F]  }
0x2d: {  	s3 =	simm.s32 $0x108;
	s8 =	sld [smem:$0x3FA0]  }
0x2e: {  	s3 =	simm.s32 @!p0 $0x1082;
	s9 =	sld [smem:$0x3FA1]  }
0x2f: {  	lr =	sadd.s32 s0, s3;
	s0 =	sld [smem:$0x3F98]  }
0x30: {  	s3 =	sld [smem:$0x3F9B]  }
0x31: {  	[smem:$0x3FA4] =	sst s10  }
0x32: {  	s10 =	sld [smem:$0x3FA2];
	_ =	sdelay $0x3  }
0x33: {  	p0 =	seq.s32 s10, $0x1;
	s10 =	sld [smem:$0x3FA4];
	_ =	sdelay $0x3  }
0x34: {  	[smem:$0x3FA4] =	sst s10  }
0x35: {  	s10 =	sld [smem:$0x3FA3];
	_ =	sdelay $0x3  }
0x36: {  	p1 =	seq.s32 s10, $0x1;
	s10 =	sld [smem:$0x3FA4];
	_ =	sdelay $0x3  }
0x37: {  	[smem:$0x3FA4] =	sst s10  }
0x38: {  	s10 =	sld [smem:$0x3FA5]  }
0x39: {  	_ = 	snop;
	(pc) =	sbr.ind lr, $3  }
0x3a: {  	_ = 	snop  }
0x3b: {  	_ = 	snop  }
0x3c: {  	p2 =	seq.s32 s10, $0x1;
	s10 =	sld [smem:$0x3FA4]  }
0x3d: {  	_ =	shalt  }
0x3e: {  	_ =	shalt  }
0x3f: {  	_ =	shalt  }
0x40: {  	_ =	shalt  }
0x41: {  	_ =	shalt  }
0x42: {  	_ =	shalt  }
0x43: {  	_ =	shalt  }
0x44: {  	_ =	shalt  }
0x45: {  	_ =	shalt  }
0x46: {  	_ =	shalt  }
0x47: {  	_ =	shalt  }
0x48: {  	_ =	shalt  }
0x49: {  	_ =	shalt  }
0x4a: {  	_ =	shalt  }
0x4b: {  	_ =	shalt  }
0x4c: {  	_ =	shalt  }
0x4d: {  	_ =	shalt  }
0x4e: {  	_ =	shalt  }
0x4f: {  	_ =	shalt  }
0x50: {  	_ =	shalt  }
0x51: {  	_ =	shalt  }
0x52: {  	_ =	shalt  }
0x53: {  	_ =	shalt  }
0x54: {  	_ =	shalt  }
0x55: {  	_ =	shalt  }
0x56: {  	_ =	shalt  }
0x57: {  	_ =	shalt  }
0x58: {  	_ =	shalt  }
0x59: {  	_ =	shalt  }
0x5a: {  	_ =	shalt  }
0x5b: {  	_ =	shalt  }
0x5c: {  	_ =	shalt  }
0x5d: {  	_ =	shalt  }
0x5e: {  	_ =	shalt  }
0x5f: {  	_ =	shalt  }
0x60: {  	_ =	shalt  }
0x61: {  	_ =	shalt  }
0x62: {  	_ =	shalt  }
0x63: {  	_ =	shalt  }
0x64: {  	_ =	shalt  }
0x65: {  	_ =	shalt  }
0x66: {  	_ =	shalt  }
0x67: {  	_ =	shalt  }
0x68: {  	_ =	shalt  }
0x69: {  	_ =	shalt  }
0x6a: {  	_ =	shalt  }
0x6b: {  	_ =	shalt  }
0x6c: {  	_ =	shalt  }
0x6d: {  	_ =	shalt  }
0x6e: {  	_ =	shalt  }
0x6f: {  	_ =	shalt  }
0x70: {  	_ =	shalt  }
0x71: {  	_ =	shalt  }
0x72: {  	_ =	shalt  }
0x73: {  	_ =	shalt  }
0x74: {  	_ =	shalt  }
0x75: {  	_ =	shalt  }
0x76: {  	_ =	shalt  }
0x77: {  	_ =	shalt  }
0x78: {  	_ =	shalt  }
0x79: {  	_ =	shalt  }
0x7a: {  	_ =	shalt  }
0x7b: {  	_ =	shalt  }
0x7c: {  	_ =	shalt  }
0x7d: {  	_ =	shalt  }
0x7e: {  	_ =	shalt  }
0x7f: {  	_ =	shalt  }
0x80: {  	_ =	shalt  }
0x81: {  	_ =	shalt  }
0x82: {  	_ =	shalt  }
0x83: {  	_ =	shalt  }
0x84: {  	_ =	shalt  }
0x85: {  	_ =	shalt  }
0x86: {  	_ =	shalt  }
0x87: {  	_ =	shalt  }
.Lfunc_end0:
.L_simem_size_0:
called_computation.1_lowered:
.L_overlay_start_0:
0x88: {  	s2 =	sld [smem:$0x3FD9]  }
0x89: {  	s3 =	sld [smem:$0x3FFE];
	_ =	sdelay $0x1  }
0x8a: {  	s1 =	srdreg.scid  }
0x8b: {  	s0 =	sand.u32 $0x1, s1  }
0x8c: {  	s16 =	sshll.u32 s0, $0xA;
	s2 =	sadd.s32 s3, s2  }
0x8d: {  	s2 =	sadd.s32 s2, s16  }
0x8e: {  	[smem:$0x3FB0] =	sst s2  }
0x8f: {  	_ = 	snop  }
0x90: {  	(tm) =	ssettm $0x1  }
0x91: {  	s17 =	sld [smem:$0x3FFB];
	_ =	sdelay $0x3  }
0x92: {  	_ =	strace s17  }
0x93: {  	s2 =	sld [smem:$0x3FFC];
	_ =	sdelay $0x3  }
0x94: {  	_ =	strace s2  }
0x95: {  	s2 =	sld [smem:$0x3FFD];
	_ =	sdelay $0x3  }
0x96: {  	_ =	strace s2  }
0x97: {  	_ =	strace $0x8FFFFFFF  }
0x98: {  	s18 =	sld [smem:$0x3FDB];
	_ =	sdelay $0x1  }
0x99: {  	s19 =	simm.s32 $_scs_section_size  }
0x9a: {  	s4 =	simm.s32 $_size__tile_overlayer_lowered;
	s5 =	simm.s32 $_tile_overlayer_lowered  }
0x9b: {  	s22 =	simm.s32 $0x1BFF;
	s21 =	sshll.u32 s5, $0x1;
	s2 =	sadd.s32 s19, s18  }
0x9c: {  	s6 =	simm.s32 $0x0;
	s20 =	sshll.u32 s4, $0x1;
	s4 =	sadd.s32 s21, s2  }
0x9d: {  	[timem:s6], [sflag:s22] =	dma.local [hbm:s4], s20  }
0x9e: {  	_ =	swait.ge [sflag:s22], s20  }
0x9f: {  	s3 =	ssub.s32 $0x0, s20;
	[sflag:s22] =	ssyncset.done $0x0  }
0xa0: {  	[sflag:s22] =	ssyncadd.s32 s3;
	_ =	sdelay $0x1  }
0xa1: {  	s23 =	simm.s32 $0x1B8B  }
0xa2: {  	_ =	swait.ge [sflag:s23], $0x1  }
0xa3: {  	[sflag:s23] =	ssyncset.done $0x0  }
0xa4: {  	s25 =	simm.s32 $0x1B8E;
	s24 =	sld [smem:$0x3FFE];
	[sflag:s23] =	ssyncadd.s32 $0xFFFFFFFF  }
0xa5: {  	s26 =	simm.s32 $execute0_lowered;
	[smem:$0x3FD2] =	sst s25  }
0xa6: {  	s4 =	sshll.u32 s26, $0x1;
	_ =	strace $0x80000049;
	[dreg:$0x1] =	wrdreg $0xFFFFFFFF  }
0xa7: {  	s28 =	simm.s32 $_size_execute0_lowered;
	s2 =	sadd.s32 s2, s4;
	[dreg:$0x0] =	wrdreg $0x0  }
0xa8: {  	s4 =	sshll.u32 s28, $0x1;
	[dreg:$0x2] =	wrdreg s2  }
0xa9: {  	[dreg:$0x3] =	wrdreg s4  }
0xaa: {  	[dreg:$0x4] =	wrdreg $0xC0  }
0xab: {  	_ =	task [dreg:s6], $0x5FFFF  }
0xac: {  	[dreg:$0x1] =	wrdreg $0xFFFFFFFF  }
0xad: {  	[dreg:$0x0] =	wrdreg $0x60  }
0xae: {  	[dreg:$0x2] =	wrdreg s24  }
0xaf: {  	[dreg:$0x3] =	wrdreg $0xCC000  }
0xb0: {  	[dreg:$0x4] =	wrdreg $0x9  }
0xb1: {  	_ =	task.clear_ibuf [dreg:s6], $0x5FFFF;
	_ =	strace $0x90000049  }
0xb2: {  	s29 =	simm.s32 $0x9;
	_ =	strace $0x8000004B  }
0xb3: {  	_ =	swait.ge [sflag:s29], $0x1  }
0xb4: {  	[sflag:s29] =	ssyncadd.s32 $0xFFFFFFFF  }
0xb5: {  	_ =	strace $0x9000004B  }
0xb6: {  	_ =	sfence  }
0xb7: {  	s30 =	sld [smem:$0x0];
	_ =	sdelay $0x2  }
0xb8: {  	s31 =	sshll.u32 s1, $0xD;
	s1 =	sshrl.u32 s1, $0x2  }
0xb9: {  	s3 =	sand.u32 $0x4000, s31;
	s1 =	sadd.s32 s1, s30  }
0xba: {  	s0 =	sor.u32 s3, s0;
	s1 =	sshll.u32 s1, $0x11  }
0xbb: {  	s0 =	sor.u32 s1, s0  }
0xbc: {  	s0 =	sadd.s32 $0x8F2B, s0  }
0xbd: {  	[sflag:s0] =	ssyncadd.remote.s32 $0x1  }
0xbe: {  	_ =	sfence.sel $0xFFFF  }
0xbf: {  	[dreg:$0x0] =	wrdreg $0xFFFFFFFF;
	(pc) =	sbr.abs _section_cstart, $3  }
0xc0: {  	[dreg:$0x1] =	wrdreg $0xFFFFFFFF  }
0xc1: {  	_ =	task.clear_ibuf [dreg:s6], $0x2FFFF;
	_ =	strace $0x9FFFFFFF  }
0xc2: {  	(tm) =	ssettm $0x7FFFFFFF  }
0xc3: {  	_ =	shalt  }
tec
execute0_lowered:
.L_overlay_start_1:
0x0: {  	(tag) =	ssettag $0x1  }
0x1: {  	s1 =	srdreg.scid  }
0x2: {  	s1 =	sand.u32 $0x1, s1  }
0x3: {  	p0 =	seq.s32 s1, $0x1  }
.Ltmp0:
0x4: {  	_ = 	snop;
	(pc) =	sbr.rel @p0 .LBB2_10-.Ltmp0, $4  }
0x5: {  	s2 =	rddreg [dreg:$0x0]  }
0x6: {  	s3 =	rddreg [dreg:$0x1];
	s4 =	simm.s32 $0x0  }
0x7: {  	[smem:$0x7FF] =	sst s4  }
0x8: {  	s0 =	rddreg [dreg:$0x2];
	_ =	strace $0x8000004A;
	s1 =	stileid.u32  }
0x9: {  	s5 =	smul.u32 $0xA00, s1  }
0xa: {  	s6 =	sadd.s32 $0x6600, s2  }
0xb: {  	s25 =	simm.s32 $0x1;
	s6 =	sadd.s32 s6, s5  }
0xc: {  	[tilespmem:s4], [sflag:$0x1] =	stream.linear.gather [hbm4b:s6+s4], $0x5000, $0x38;
	[tilespmem:$0xCE90] =	vst v63  }
0xd: {  	_ =	swait.ge [sflag:s25], $0x5000  }
0xe: {  	s7 =	sadd.s32 $0x1A600, s2;
	[sflag:s25] =	ssyncset.done $0x0  }
0xf: {  	s8 =	simm.s32 $0x5000;
	s7 =	sadd.s32 s7, s5;
	[sflag:s25] =	ssyncadd.s32 $0xFFFFB000  }
0x10: {  	[tilespmem:s8], [sflag:$0x1] =	stream.linear.gather [hbm4b:s7+s4], $0x5000, $0x38;
	[tilespmem:$0xCE90] =	vst v63  }
0x11: {  	_ =	swait.ge [sflag:s25], $0x5000  }
0x12: {  	[sflag:s25] =	ssyncset.done $0x0  }
0x13: {  	v0 =	vimm.f32 $0.0e+00;
	[sflag:s25] =	ssyncadd.s32 $0xFFFFB000  }
0x14: {  	[tilespmem:$0xC800] =	vst v0  }
0x15: {  	[tilespmem:$0xC810] =	vst v0  }
0x16: {  	[tilespmem:$0xC820] =	vst v0  }
0x17: {  	[tilespmem:$0xC830] =	vst v0  }
0x18: {  	[tilespmem:$0xC840] =	vst v0  }
0x19: {  	[tilespmem:$0xC850] =	vst v0  }
0x1a: {  	[tilespmem:$0xC860] =	vst v0  }
0x1b: {  	[tilespmem:$0xC870] =	vst v0  }
0x1c: {  	[tilespmem:$0xC880] =	vst v0  }
0x1d: {  	[tilespmem:$0xC890] =	vst v0  }
0x1e: {  	[tilespmem:$0xC8A0] =	vst v0  }
0x1f: {  	[tilespmem:$0xC8B0] =	vst v0  }
0x20: {  	[tilespmem:$0xC8C0] =	vst v0  }
0x21: {  	[tilespmem:$0xC8D0] =	vst v0  }
0x22: {  	[tilespmem:$0xC8E0] =	vst v0  }
0x23: {  	[tilespmem:$0xC8F0] =	vst v0  }
0x24: {  	[tilespmem:$0xC900] =	vst v0  }
0x25: {  	[tilespmem:$0xC910] =	vst v0  }
0x26: {  	[tilespmem:$0xC920] =	vst v0  }
0x27: {  	[tilespmem:$0xC930] =	vst v0  }
0x28: {  	[tilespmem:$0xC940] =	vst v0  }
0x29: {  	[tilespmem:$0xC950] =	vst v0  }
0x2a: {  	[tilespmem:$0xC960] =	vst v0  }
0x2b: {  	[tilespmem:$0xC970] =	vst v0  }
0x2c: {  	[tilespmem:$0xC980] =	vst v0  }
0x2d: {  	[tilespmem:$0xC990] =	vst v0  }
0x2e: {  	[tilespmem:$0xC9A0] =	vst v0  }
0x2f: {  	[tilespmem:$0xC9B0] =	vst v0  }
0x30: {  	[tilespmem:$0xC9C0] =	vst v0  }
0x31: {  	[tilespmem:$0xC9D0] =	vst v0  }
0x32: {  	[tilespmem:$0xC9E0] =	vst v0  }
0x33: {  	[tilespmem:$0xC9F0] =	vst v0  }
0x34: {  	[tilespmem:$0xCA00] =	vst v0  }
0x35: {  	[tilespmem:$0xCA10] =	vst v0  }
0x36: {  	[tilespmem:$0xCA20] =	vst v0  }
0x37: {  	[tilespmem:$0xCA30] =	vst v0  }
0x38: {  	[tilespmem:$0xCA40] =	vst v0  }
0x39: {  	[tilespmem:$0xCA50] =	vst v0  }
0x3a: {  	s26 =	sshrl.u32 s5, $0x2;
	[tilespmem:$0xCA60] =	vst v0  }
0x3b: {  	s28 =	simm.s32 $0xC800;
	s4 =	sadd.s32 s26, s3;
	[tilespmem:$0xCA70] =	vst v0  }
0x3c: {  	[spmem:s4] =	stream.linear.scatter [tilespmem:s28], [sflag:$0x1], $0x280, $0x38;
	[tilespmem:$0xCE90] =	vst v63  }
0x3d: {  	_ =	swait.ge [sflag:s25], $0x280  }
0x3e: {  	[sflag:s25] =	ssyncset.done $0x0  }
0x3f: {  	s29 =	simm.s32 $0x0;
	[sflag:s25] =	ssyncadd.s32 $0xFFFFFD80  }
0x40: {  	v2 =	vld [tilespmem:s29+$0x0]  }
0x41: {  	v3 =	vld [tilespmem:s29+$0x10]  }
0x42: {  	v4 =	vld [tilespmem:s29+$0x20]  }
0x43: {  	v0 =	vld [tilespmem:s29+$0x30]  }
0x44: {  	v5 =	vimm.f32 $-1.000000020e+30;
	v1 =	vld [tilespmem:s29+$0x40]  }
0x45: {  	s31 =	sadd.s32 s5, s2;
	v5 =	vmax.f32 v5, v2;
	v2 =	vld [tilespmem:s29+$0x50]  }
0x46: {  	s30 =	sshll.u32 s1, $0x4;
	s2 =	sadd.s32 $0x10600, s31;
	s4 =	sadd.s32 $0x2800, s3;
	v5 =	vmax.f32 v5, v3;
	v3 =	vld [tilespmem:s29+$0x60]  }
0x47: {  	s6 =	simm.s32 $0x80;
	s7 =	simm.s32 $0x400;
	s5 =	sadd.s32 s30, s4;
	v5 =	vmax.f32 v5, v4;
	v4 =	vld [tilespmem:s29+$0x70]  }
.LBB2_2:
0x48: {  	p0 =	sne.s32 s7, $0x13E00;
	v6 =	vld [tilespmem:s6+$0x0];
	v0 =	vmax.f32 v5, v0  }
0x49: {  	v5 =	vld [tilespmem:s6+$0x10];
	v0 =	vmax.f32 v0, v1  }
0x4a: {  	v7 =	vld [tilespmem:s6+$0x20];
	v1 =	vmax.f32 v0, v2  }
.Ltmp1:
0x4b: {  	v0 =	vld [tilespmem:s6+$0x30];
	v2 =	vmax.f32 v1, v3;
	(pc) =	sbr.rel @p0 .LBB2_2-.Ltmp1, $4  }
0x4c: {  	v1 =	vld [tilespmem:s6+$0x40];
	v2 =	vmax.f32 v2, v4  }
0x4d: {  	v3 =	vmax.f32 v2, v6;
	v2 =	vld [tilespmem:s6+$0x50]  }
0x4e: {  	v4 =	vmax.f32 v3, v5;
	v3 =	vld [tilespmem:s6+$0x60]  }
0x4f: {  	v5 =	vmax.f32 v4, v7;
	v4 =	vld [tilespmem:s6+$0x70];
	s6 =	sshra.s32 s7, $0x2;
	s7 =	sadd.s32 $0x200, s7  }
0x50: {  	v6 =	vld [tilespmem:s6+$0x0];
	v0 =	vmax.f32 v5, v0  }
0x51: {  	v5 =	vld [tilespmem:s6+$0x10];
	v0 =	vmax.f32 v0, v1  }
0x52: {  	v1 =	vld [tilespmem:s6+$0x20];
	v0 =	vmax.f32 v0, v2  }
0x53: {  	v0 =	vmax.f32 v0, v3  }
0x54: {  	v2 =	vld [tilespmem:s6+$0x30];
	v0 =	vmax.f32 v0, v4  }
0x55: {  	v3 =	vld [tilespmem:s6+$0x40];
	v0 =	vmax.f32 v0, v6  }
0x56: {  	v4 =	vld [tilespmem:s6+$0x50];
	v6 =	vimm.s32 $0xFEDCBA98;
	v0 =	vmax.f32 v0, v5  }
0x57: {  	v6 =	vunpack.c.l.s4.s8 v6;
	v0 =	vmax.f32 v0, v1;
	v1 =	vimm.s32 $0x76543210  }
0x58: {  	v5 =	vld [tilespmem:s6+$0x60];
	v1 =	vunpack.c.l.s4.s8 v1  }
0x59: {  	v7 =	vld [tilespmem:s6+$0x70];
	v0 =	vmax.f32 v0, v2;
	v2 =	vunpack.c.0.s8.s32 v6  }
0x5a: {  	v0 =	vmax.f32 v0, v3;
	v1 =	vunpack.c.0.s8.s32 v1  }
0x5b: {  	v3 =	vimm.s32 $0xBA98FEDC;
	v0 =	vmax.f32 v0, v4;
	v2 =	vand.u32 $0xF, v2  }
0x5c: {  	v1 =	vcombine.low v2, v1;
	v2 =	vunpack.c.l.s4.s8 v3;
	v3 =	vimm.s32 $0x32107654  }
0x5d: {  	v4 =	vimm.s32 $0xDCFE98BA;
	v0 =	vmax.f32 v0, v5;
	v3 =	vunpack.c.l.s4.s8 v3  }
0x5e: {  	v4 =	vunpack.c.l.s4.s8 v4;
	v5 =	vimm.s32 $0x54761032;
	v0 =	vmax.f32 v0, v7  }
0x5f: {  	v1 =	vperm.xlane v0, v1;
	v2 =	vunpack.c.0.s8.s32 v2;
	v3 =	vunpack.c.0.s8.s32 v3  }
0x60: {  	v5 =	vunpack.c.l.s4.s8 v5  }
0x61: {  	v0 =	vmax.f32 v0, v1;
	v1 =	vcombine.low v3, v2;
	v2 =	vunpack.c.0.s8.s32 v4  }
0x62: {  	v3 =	vunpack.c.0.s8.s32 v5;
	v4 =	vimm.s32 $0xEFCDAB89;
	v5 =	vimm.s32 $0x67452301  }
0x63: {  	v4 =	vunpack.c.l.s4.s8 v4;
	v5 =	vunpack.c.l.s4.s8 v5;
	v1 =	vperm.xlane v0, v1  }
0x64: {  	v2 =	vcombine.low v3, v2  }
0x65: {  	v3 =	vunpack.c.0.s8.s32 v5;
	v0 =	vmax.f32 v0, v1;
	v1 =	vunpack.c.0.s8.s32 v4  }
0x66: {  	v2 =	vperm.xlane v0, v2  }
0x67: {  	v1 =	vcombine.low v3, v1  }
0x68: {  	v0 =	vmax.f32 v0, v2  }
0x69: {  	v1 =	vperm.xlane v0, v1;
	_ =	sdelay $0x1  }
0x6a: {  	v0 =	vmax.f32 v0, v1  }
0x6b: {  	s29 =	simm.s32 $0xCA80;
	s30 =	simm.s32 $0x1;
	[tilespmem:$0xCA80] =	vst v0  }
0x6c: {  	[spmem:s5] =	stream.linear.scatter [tilespmem:s29], [sflag:$0x1], $0x10, $0x38;
	[tilespmem:$0xCE90] =	vst v63  }
0x6d: {  	_ =	swait.ge [sflag:s30], $0x10  }
0x6e: {  	[sflag:s30] =	ssyncset.done $0x0  }
0x6f: {  	[sflag:s30] =	ssyncadd.s32 $0xFFFFFFF0  }
0x70: {  	s31 =	simm.s32 $0xCB00;
	[bflag:$0x0] =	sbarrier.arrive $0xFFFF  }
0x71: {  	[tilespmem:s31], [sflag:$0x1] =	stream.linear.gather [spmem:s4], $0x100, $0x38;
	[tilespmem:$0xCE90] =	vst v63  }
0x72: {  	_ =	swait.ge [sflag:s30], $0x100  }
0x73: {  	[sflag:s30] =	ssyncset.done $0x0  }
0x74: {  	[sflag:s30] =	ssyncadd.s32 $0xFFFFFF00  }
0x75: {  	v0 =	vld [tilespmem:$0xCB00]  }
0x76: {  	v1 =	vld [tilespmem:$0xCB10]  }
0x77: {  	v2 =	vld [tilespmem:$0xCB20]  }
0x78: {  	v3 =	vld [tilespmem:$0xCB30]  }
0x79: {  	v4 =	vld [tilespmem:$0xCB40]  }
0x7a: {  	v5 =	vld [tilespmem:$0xCB50];
	v0 =	vmax.f32 v0, $-1.000000020e+30  }
0x7b: {  	v6 =	vld [tilespmem:$0xCB60];
	v0 =	vmax.f32 v0, v1  }
0x7c: {  	v1 =	vld [tilespmem:$0xCB70];
	v0 =	vmax.f32 v0, v2  }
0x7d: {  	v2 =	vld [tilespmem:$0xCB80];
	v0 =	vmax.f32 v0, v3  }
0x7e: {  	v3 =	vld [tilespmem:$0xCB90];
	v0 =	vmax.f32 v0, v4  }
0x7f: {  	v4 =	vld [tilespmem:$0xCBA0];
	v0 =	vmax.f32 v0, v5  }
0x80: {  	v5 =	vld [tilespmem:$0xCBB0];
	v0 =	vmax.f32 v0, v6  }
0x81: {  	v6 =	vld [tilespmem:$0xCBC0];
	v0 =	vmax.f32 v0, v1  }
0x82: {  	v1 =	vld [tilespmem:$0xCBD0];
	v0 =	vmax.f32 v0, v2  }
0x83: {  	v7 =	vld [tilespmem:$0xCBE0];
	v0 =	vmax.f32 v0, v3  }
0x84: {  	s4 =	simm.s32 $0x0;
	v8 =	vld [tilespmem:$0xCBF0];
	v0 =	vmax.f32 v0, v4  }
0x85: {  	v9 =	vld [tilespmem:s4+$0x0];
	v0 =	vmax.f32 v0, v5  }
0x86: {  	v5 =	vld [tilespmem:s4+$0x10];
	v0 =	vmax.f32 v0, v6  }
0x87: {  	v2 =	vld [tilespmem:s4+$0x20];
	v0 =	vmax.f32 v0, v1  }
0x88: {  	v1 =	vld [tilespmem:s4+$0x30];
	v0 =	vmax.f32 v0, v7  }
0x89: {  	v3 =	vld [tilespmem:s4+$0x40];
	v0 =	vmax.f32 v0, v8  }
0x8a: {  	v4 =	vld [tilespmem:s4+$0x50];
	v7 =	vsub.f32 v9, v0  }
0x8b: {  	s6 =	simm.s32 $0x200;
	s5 =	simm.s32 $0x0;
	v6 =	vsub.f32 v5, v0;
	v5 =	vld [tilespmem:s4+$0x60]  }
.LBB2_4:
0x8c: {  	p0 =	sne.s32 s6, $0x13E00;
	v7 =	vmul.f32 $1.442695020e+00, v7;
	v2 =	vsub.f32 v2, v0;
	v8 =	vld [tilespmem:s5+$0x70]  }
0x8d: {  	v6 =	vmul.f32 $1.442695020e+00, v6;
	v1 =	vsub.f32 v1, v0  }
0x8e: {  	v2 =	vmul.f32 $1.442695020e+00, v2;
	v3 =	vsub.f32 v3, v0;
	(erf) = vpow2.f32 v7  }
0x8f: {  	v1 =	vmul.f32 $1.442695020e+00, v1;
	v4 =	vsub.f32 v4, v0;
	(erf) = vpow2.f32 v6  }
0x90: {  	v3 =	vmul.f32 $1.442695020e+00, v3;
	v5 =	vsub.f32 v5, v0;
	(erf) = vpow2.f32 v2  }
0x91: {  	v2 =	vmul.f32 $1.442695020e+00, v4;
	v4 =	vsub.f32 v8, v0;
	(erf) = vpow2.f32 v1  }
0x92: {  	v1 =	vmul.f32 $1.442695020e+00, v5;
	(erf) = vpow2.f32 v3  }
0x93: {  	v3 =	vmul.f32 $1.442695020e+00, v4;
	(erf) = vpow2.f32 v2  }
0x94: {  	(erf) = vpow2.f32 v1  }
0x95: {  	(erf) = vpow2.f32 v3;
	_ =	sdelay $0x1  }
0x96: {  	v1 =	vpop (erf)  }
0x97: {  	s7 =	sshra.s32 s6, $0x2;
	[tilespmem:s5+$0x0] =	vst v1;
	v1 =	vpop (erf)  }
0x98: {  	v4 =	vld [tilespmem:s7+$0x0];
	[tilespmem:s5+$0x10] =	vst v1;
	v1 =	vpop (erf)  }
0x99: {  	v5 =	vld [tilespmem:s7+$0x10];
	[tilespmem:s5+$0x20] =	vst v1;
	v1 =	vpop (erf)  }
.Ltmp2:
0x9a: {  	v2 =	vld [tilespmem:s7+$0x20];
	[tilespmem:s5+$0x30] =	vst v1;
	v3 =	vpop (erf);
	(pc) =	sbr.rel @p0 .LBB2_4-.Ltmp2, $4  }
0x9b: {  	v1 =	vld [tilespmem:s7+$0x30];
	[tilespmem:s5+$0x40] =	vst v3;
	v6 =	vpop (erf)  }
0x9c: {  	v3 =	vld [tilespmem:s7+$0x40];
	[tilespmem:s5+$0x50] =	vst v6;
	v6 =	vpop (erf)  }
0x9d: {  	v7 =	vsub.f32 v4, v0;
	v4 =	vld [tilespmem:s7+$0x50];
	[tilespmem:s5+$0x60] =	vst v6;
	v8 =	vpop (erf)  }
0x9e: {  	s6 =	sadd.s32 $0x200, s6;
	v6 =	vsub.f32 v5, v0;
	v5 =	vld [tilespmem:s7+$0x60];
	[tilespmem:s5+$0x70] =	vst v8;
	s5 =	smov.u32 s7  }
0x9f: {  	v7 =	vmul.f32 $1.442695020e+00, v7;
	v2 =	vsub.f32 v2, v0;
	v8 =	vld [tilespmem:s5+$0x70]  }
0xa0: {  	v6 =	vmul.f32 $1.442695020e+00, v6;
	v1 =	vsub.f32 v1, v0  }
0xa1: {  	v2 =	vmul.f32 $1.442695020e+00, v2;
	v3 =	vsub.f32 v3, v0;
	(erf) = vpow2.f32 v7  }
0xa2: {  	v1 =	vmul.f32 $1.442695020e+00, v1;
	v4 =	vsub.f32 v4, v0;
	(erf) = vpow2.f32 v6  }
0xa3: {  	v3 =	vmul.f32 $1.442695020e+00, v3;
	v5 =	vsub.f32 v5, v0;
	(erf) = vpow2.f32 v2  }
0xa4: {  	v53 =	vmul.f32 $1.442695020e+00, v4;
	v54 =	vsub.f32 v8, v0;
	(erf) = vpow2.f32 v1  }
0xa5: {  	v55 =	vmul.f32 $1.442695020e+00, v5;
	(erf) = vpow2.f32 v3  }
0xa6: {  	v0 =	vmul.f32 $1.442695020e+00, v54;
	(erf) = vpow2.f32 v53  }
0xa7: {  	(erf) = vpow2.f32 v55  }
0xa8: {  	(erf) = vpow2.f32 v0;
	_ =	sdelay $0x1  }
0xa9: {  	v56 =	vpop (erf)  }
0xaa: {  	[tilespmem:s5+$0x0] =	vst v56;
	v57 =	vpop (erf)  }
0xab: {  	[tilespmem:s5+$0x10] =	vst v57;
	v58 =	vpop (erf)  }
0xac: {  	[tilespmem:s5+$0x20] =	vst v58;
	v59 =	vpop (erf)  }
0xad: {  	[tilespmem:s5+$0x30] =	vst v59;
	v60 =	vpop (erf)  }
0xae: {  	[tilespmem:s5+$0x40] =	vst v60;
	v61 =	vpop (erf)  }
0xaf: {  	[tilespmem:s5+$0x50] =	vst v61;
	v62 =	vpop (erf)  }
0xb0: {  	[tilespmem:s5+$0x60] =	vst v62;
	v63 =	vpop (erf)  }
0xb1: {  	s6 =	simm.s32 $0x5000;
	[tilespmem:s5+$0x70] =	vst v63;
	s5 =	simm.s32 $0x80  }
0xb2: {  	[spmem:s3] =	stream.indirect.scatter.add.f32 [tilespmem:s4], [sflag:$0x1], $0x1, s6, s5, $0xb8;
	[tilespmem:$0xCE90] =	vst v63  }
0xb3: {  	s4 =	simm.s32 $0x1  }
0xb4: {  	s6 =	simm.s32 $0x200;
	_ =	swait.ge [sflag:s4], $0x80  }
.LBB2_6:
0xb5: {  	s7 =	sshra.s32 s6, $0x2;
	[sflag:s4] =	ssyncset.done $0x0;
	p0 =	sne.s32 s6, $0x13E00  }
.Ltmp3:
0xb6: {  	s8 =	sadd.s32 $0x5000, s7;
	[sflag:s4] =	ssyncadd.s32 $0xFFFFFF80;
	(pc) =	sbr.rel @p0 .LBB2_6-.Ltmp3, $3  }
0xb7: {  	[spmem:s3] =	stream.indirect.scatter.add.f32 [tilespmem:s7], [sflag:$0x1], $0x1, s8, s5, $0xb8;
	[tilespmem:$0xCE90] =	vst v63  }
0xb8: {  	s6 =	sadd.s32 $0x200, s6;
	_ =	sdelay $0x1  }
0xb9: {  	_ =	swait.ge [sflag:s4], $0x80  }
0xba: {  	[sflag:s4] =	ssyncset.done $0x0  }
0xbb: {  	[sflag:s4] =	ssyncadd.s32 $0xFFFFFF80  }
0xbc: {  	s31 =	simm.s32 $0x1;
	s4 =	simm.s32 $0xA000;
	[bflag:$0x0] =	sbarrier.arrive $0xFFFF  }
0xbd: {  	[tilespmem:s4], [sflag:$0x1] =	stream.linear.gather [spmem:s3], $0x2800, $0x38;
	[tilespmem:$0xCE90] =	vst v63  }
0xbe: {  	_ =	swait.ge [sflag:s31], $0x2800  }
0xbf: {  	[sflag:s31] =	ssyncset.done $0x0  }
0xc0: {  	s3 =	simm.s32 $0x0;
	[sflag:s31] =	ssyncadd.s32 $0xFFFFD800  }
0xc1: {  	v0 =	vld [tilespmem:s3+$0x5000];
	_ =	sdelay $0x7  }
0xc2: {  	v0 =	vld.idx.msk [tilespmem:v0+s4+$0x0], $0xffff;
	_ =	sdelay $0x4  }
0xc3: {  	v0 =	vadd.f32 $1.000000020e-16, v0;
	_ =	sdelay $0x1  }
0xc4: {  	(erf) = vrcp.f32 v0;
	_ =	sdelay $0x3  }
0xc5: {  	v1 =	vld [tilespmem:s3+$0x0]  }
0xc6: {  	v0 =	vld [tilespmem:s3+$0x5010];
	_ =	sdelay $0x3  }
0xc7: {  	v2 =	vpop (erf)  }
0xc8: {  	v1 =	vmul.f32 v2, v1;
	_ =	sdelay $0x1  }
0xc9: {  	[tilespmem:s3+$0x0] =	vst v1  }
0xca: {  	v0 =	vld.idx.msk [tilespmem:v0+s4+$0x0], $0xffff;
	_ =	sdelay $0x4  }
0xcb: {  	v0 =	vadd.f32 $1.000000020e-16, v0;
	_ =	sdelay $0x1  }
0xcc: {  	(erf) = vrcp.f32 v0;
	_ =	sdelay $0x3  }
0xcd: {  	v1 =	vld [tilespmem:s3+$0x10]  }
0xce: {  	v0 =	vld [tilespmem:s3+$0x5020];
	_ =	sdelay $0x3  }
0xcf: {  	v2 =	vpop (erf)  }
0xd0: {  	v1 =	vmul.f32 v2, v1;
	_ =	sdelay $0x1  }
0xd1: {  	[tilespmem:s3+$0x10] =	vst v1  }
0xd2: {  	v0 =	vld.idx.msk [tilespmem:v0+s4+$0x0], $0xffff;
	_ =	sdelay $0x4  }
0xd3: {  	v0 =	vadd.f32 $1.000000020e-16, v0;
	_ =	sdelay $0x1  }
0xd4: {  	(erf) = vrcp.f32 v0;
	_ =	sdelay $0x3  }
0xd5: {  	v1 =	vld [tilespmem:s3+$0x20]  }
0xd6: {  	v0 =	vld [tilespmem:s3+$0x5030];
	_ =	sdelay $0x3  }
0xd7: {  	v2 =	vpop (erf)  }
0xd8: {  	v1 =	vmul.f32 v2, v1;
	_ =	sdelay $0x1  }
0xd9: {  	[tilespmem:s3+$0x20] =	vst v1  }
0xda: {  	v0 =	vld.idx.msk [tilespmem:v0+s4+$0x0], $0xffff;
	_ =	sdelay $0x4  }
0xdb: {  	v0 =	vadd.f32 $1.000000020e-16, v0;
	_ =	sdelay $0x1  }
0xdc: {  	(erf) = vrcp.f32 v0;
	_ =	sdelay $0x3  }
0xdd: {  	v1 =	vld [tilespmem:s3+$0x30]  }
0xde: {  	v0 =	vld [tilespmem:s3+$0x5040];
	_ =	sdelay $0x3  }
0xdf: {  	v2 =	vpop (erf)  }
0xe0: {  	v1 =	vmul.f32 v2, v1;
	_ =	sdelay $0x1  }
0xe1: {  	[tilespmem:s3+$0x30] =	vst v1  }
0xe2: {  	v0 =	vld.idx.msk [tilespmem:v0+s4+$0x0], $0xffff;
	_ =	sdelay $0x4  }
0xe3: {  	v0 =	vadd.f32 $1.000000020e-16, v0;
	_ =	sdelay $0x1  }
0xe4: {  	(erf) = vrcp.f32 v0;
	_ =	sdelay $0x3  }
0xe5: {  	v1 =	vld [tilespmem:s3+$0x40]  }
0xe6: {  	v0 =	vld [tilespmem:s3+$0x5050];
	_ =	sdelay $0x3  }
0xe7: {  	v2 =	vpop (erf)  }
0xe8: {  	v1 =	vmul.f32 v2, v1;
	_ =	sdelay $0x1  }
0xe9: {  	[tilespmem:s3+$0x40] =	vst v1  }
0xea: {  	v0 =	vld.idx.msk [tilespmem:v0+s4+$0x0], $0xffff;
	_ =	sdelay $0x4  }
0xeb: {  	v0 =	vadd.f32 $1.000000020e-16, v0;
	_ =	sdelay $0x1  }
0xec: {  	(erf) = vrcp.f32 v0;
	_ =	sdelay $0x3  }
0xed: {  	v1 =	vld [tilespmem:s3+$0x50]  }
0xee: {  	v0 =	vld [tilespmem:s3+$0x5060];
	_ =	sdelay $0x3  }
0xef: {  	v2 =	vpop (erf)  }
0xf0: {  	v1 =	vmul.f32 v2, v1;
	_ =	sdelay $0x1  }
0xf1: {  	[tilespmem:s3+$0x50] =	vst v1  }
0xf2: {  	v0 =	vld.idx.msk [tilespmem:v0+s4+$0x0], $0xffff;
	_ =	sdelay $0x4  }
0xf3: {  	v0 =	vadd.f32 $1.000000020e-16, v0;
	_ =	sdelay $0x1  }
0xf4: {  	(erf) = vrcp.f32 v0;
	_ =	sdelay $0x3  }
0xf5: {  	v1 =	vld [tilespmem:s3+$0x60]  }
0xf6: {  	v0 =	vld [tilespmem:s3+$0x5070];
	_ =	sdelay $0x3  }
0xf7: {  	v2 =	vpop (erf)  }
0xf8: {  	v1 =	vmul.f32 v2, v1;
	_ =	sdelay $0x1  }
0xf9: {  	[tilespmem:s3+$0x60] =	vst v1  }
0xfa: {  	v0 =	vld.idx.msk [tilespmem:v0+s4+$0x0], $0xffff;
	_ =	sdelay $0x4  }
0xfb: {  	v0 =	vadd.f32 $1.000000020e-16, v0;
	_ =	sdelay $0x1  }
0xfc: {  	(erf) = vrcp.f32 v0;
	_ =	sdelay $0x2  }
0xfd: {  	s6 =	simm.s32 $0x80  }
0xfe: {  	s5 =	simm.s32 $0x400;
	v0 =	vld [tilespmem:s6+$0x5000]  }
.LBB2_8:
0xff: {  	p0 =	sne.s32 s5, $0x13E00;
	v1 =	vld [tilespmem:s3+$0x70];
	_ =	sdelay $0x3  }
0x100: {  	v2 =	vpop (erf)  }
0x101: {  	v1 =	vmul.f32 v2, v1;
	_ =	sdelay $0x1  }
0x102: {  	[tilespmem:s3+$0x70] =	vst v1;
	s3 =	smov.u32 s6  }
0x103: {  	v0 =	vld.idx.msk [tilespmem:v0+s4+$0x0], $0xffff;
	_ =	sdelay $0x5  }
0x104: {  	v0 =	vadd.f32 $1.000000020e-16, v0;
	_ =	sdelay $0x1  }
0x105: {  	(erf) = vrcp.f32 v0;
	_ =	sdelay $0x3  }
0x106: {  	v0 =	vld [tilespmem:s3+$0x5010]  }
0x107: {  	v1 =	vld [tilespmem:s3+$0x0];
	_ =	sdelay $0x3  }
0x108: {  	v2 =	vpop (erf)  }
0x109: {  	v1 =	vmul.f32 v2, v1;
	_ =	sdelay $0x1  }
0x10a: {  	[tilespmem:s3+$0x0] =	vst v1  }
0x10b: {  	v0 =	vld.idx.msk [tilespmem:v0+s4+$0x0], $0xffff;
	_ =	sdelay $0x5  }
0x10c: {  	v0 =	vadd.f32 $1.000000020e-16, v0;
	_ =	sdelay $0x1  }
0x10d: {  	(erf) = vrcp.f32 v0;
	_ =	sdelay $0x3  }
0x10e: {  	v0 =	vld [tilespmem:s3+$0x5020]  }
0x10f: {  	v1 =	vld [tilespmem:s3+$0x10];
	_ =	sdelay $0x3  }
0x110: {  	v2 =	vpop (erf)  }
0x111: {  	v1 =	vmul.f32 v2, v1;
	_ =	sdelay $0x1  }
0x112: {  	[tilespmem:s3+$0x10] =	vst v1  }
0x113: {  	v0 =	vld.idx.msk [tilespmem:v0+s4+$0x0], $0xffff;
	_ =	sdelay $0x5  }
0x114: {  	v0 =	vadd.f32 $1.000000020e-16, v0;
	_ =	sdelay $0x1  }
0x115: {  	(erf) = vrcp.f32 v0;
	_ =	sdelay $0x3  }
0x116: {  	v0 =	vld [tilespmem:s3+$0x5030]  }
0x117: {  	v1 =	vld [tilespmem:s3+$0x20];
	_ =	sdelay $0x3  }
0x118: {  	v2 =	vpop (erf)  }
0x119: {  	v1 =	vmul.f32 v2, v1;
	_ =	sdelay $0x1  }
0x11a: {  	[tilespmem:s3+$0x20] =	vst v1  }
0x11b: {  	v0 =	vld.idx.msk [tilespmem:v0+s4+$0x0], $0xffff;
	_ =	sdelay $0x5  }
0x11c: {  	v0 =	vadd.f32 $1.000000020e-16, v0;
	_ =	sdelay $0x1  }
0x11d: {  	(erf) = vrcp.f32 v0;
	_ =	sdelay $0x3  }
0x11e: {  	v0 =	vld [tilespmem:s3+$0x5040]  }
0x11f: {  	v1 =	vld [tilespmem:s3+$0x30];
	_ =	sdelay $0x3  }
0x120: {  	v2 =	vpop (erf)  }
0x121: {  	v1 =	vmul.f32 v2, v1;
	_ =	sdelay $0x1  }
0x122: {  	[tilespmem:s3+$0x30] =	vst v1  }
0x123: {  	v0 =	vld.idx.msk [tilespmem:v0+s4+$0x0], $0xffff;
	_ =	sdelay $0x5  }
0x124: {  	v0 =	vadd.f32 $1.000000020e-16, v0;
	_ =	sdelay $0x1  }
0x125: {  	(erf) = vrcp.f32 v0;
	_ =	sdelay $0x3  }
0x126: {  	v0 =	vld [tilespmem:s3+$0x5050]  }
0x127: {  	v1 =	vld [tilespmem:s3+$0x40];
	_ =	sdelay $0x3  }
0x128: {  	v2 =	vpop (erf)  }
0x129: {  	v1 =	vmul.f32 v2, v1;
	_ =	sdelay $0x1  }
0x12a: {  	[tilespmem:s3+$0x40] =	vst v1  }
0x12b: {  	v0 =	vld.idx.msk [tilespmem:v0+s4+$0x0], $0xffff;
	_ =	sdelay $0x5  }
0x12c: {  	v0 =	vadd.f32 $1.000000020e-16, v0;
	_ =	sdelay $0x1  }
0x12d: {  	(erf) = vrcp.f32 v0;
	_ =	sdelay $0x3  }
0x12e: {  	v0 =	vld [tilespmem:s3+$0x5060]  }
0x12f: {  	v1 =	vld [tilespmem:s3+$0x50];
	_ =	sdelay $0x3  }
0x130: {  	v2 =	vpop (erf)  }
0x131: {  	v1 =	vmul.f32 v2, v1;
	_ =	sdelay $0x1  }
0x132: {  	[tilespmem:s3+$0x50] =	vst v1  }
0x133: {  	v0 =	vld.idx.msk [tilespmem:v0+s4+$0x0], $0xffff;
	_ =	sdelay $0x5  }
0x134: {  	v0 =	vadd.f32 $1.000000020e-16, v0;
	_ =	sdelay $0x1  }
0x135: {  	(erf) = vrcp.f32 v0;
	_ =	sdelay $0x3  }
0x136: {  	v0 =	vld [tilespmem:s3+$0x5070]  }
0x137: {  	v1 =	vld [tilespmem:s3+$0x60];
	_ =	sdelay $0x3  }
0x138: {  	v2 =	vpop (erf)  }
0x139: {  	v1 =	vmul.f32 v2, v1;
	_ =	sdelay $0x1  }
0x13a: {  	[tilespmem:s3+$0x60] =	vst v1  }
0x13b: {  	v0 =	vld.idx.msk [tilespmem:v0+s4+$0x0], $0xffff;
	_ =	sdelay $0x5  }
0x13c: {  	v0 =	vadd.f32 $1.000000020e-16, v0;
	_ =	sdelay $0x1  }
.Ltmp4:
0x13d: {  	(erf) = vrcp.f32 v0;
	(pc) =	sbr.rel @p0 .LBB2_8-.Ltmp4, $3  }
0x13e: {  	_ =	sdelay $0x1  }
0x13f: {  	s6 =	sshra.s32 s5, $0x2  }
0x140: {  	s5 =	sadd.s32 $0x200, s5;
	v0 =	vld [tilespmem:s6+$0x5000]  }
0x141: {  	v1 =	vld [tilespmem:s3+$0x70];
	_ =	sdelay $0x3  }
0x142: {  	v2 =	vpop (erf)  }
0x143: {  	v1 =	vmul.f32 v2, v1;
	_ =	sdelay $0x1  }
0x144: {  	[tilespmem:s3+$0x70] =	vst v1  }
0x145: {  	v0 =	vld.idx.msk [tilespmem:v0+s4+$0x0], $0xffff;
	_ =	sdelay $0x4  }
0x146: {  	v0 =	vadd.f32 $1.000000020e-16, v0;
	_ =	sdelay $0x1  }
0x147: {  	(erf) = vrcp.f32 v0;
	_ =	sdelay $0x3  }
0x148: {  	v42 =	vld [tilespmem:s6+$0x5010]  }
0x149: {  	v1 =	vld [tilespmem:s6+$0x0];
	_ =	sdelay $0x3  }
0x14a: {  	v43 =	vpop (erf)  }
0x14b: {  	v1 =	vmul.f32 v43, v1;
	_ =	sdelay $0x1  }
0x14c: {  	[tilespmem:s6+$0x0] =	vst v1  }
0x14d: {  	v0 =	vld.idx.msk [tilespmem:v42+s4+$0x0], $0xffff;
	_ =	sdelay $0x4  }
0x14e: {  	v0 =	vadd.f32 $1.000000020e-16, v0;
	_ =	sdelay $0x1  }
0x14f: {  	(erf) = vrcp.f32 v0;
	_ =	sdelay $0x3  }
0x150: {  	v44 =	vld [tilespmem:s6+$0x5020]  }
0x151: {  	v45 =	vld [tilespmem:s6+$0x10];
	_ =	sdelay $0x3  }
0x152: {  	v46 =	vpop (erf)  }
0x153: {  	v1 =	vmul.f32 v46, v45;
	_ =	sdelay $0x1  }
0x154: {  	[tilespmem:s6+$0x10] =	vst v1  }
0x155: {  	v0 =	vld.idx.msk [tilespmem:v44+s4+$0x0], $0xffff;
	_ =	sdelay $0x4  }
0x156: {  	v0 =	vadd.f32 $1.000000020e-16, v0;
	_ =	sdelay $0x1  }
0x157: {  	(erf) = vrcp.f32 v0;
	_ =	sdelay $0x3  }
0x158: {  	v47 =	vld [tilespmem:s6+$0x5030]  }
0x159: {  	v48 =	vld [tilespmem:s6+$0x20];
	_ =	sdelay $0x3  }
0x15a: {  	v49 =	vpop (erf)  }
0x15b: {  	v1 =	vmul.f32 v49, v48;
	_ =	sdelay $0x1  }
0x15c: {  	[tilespmem:s6+$0x20] =	vst v1  }
0x15d: {  	v0 =	vld.idx.msk [tilespmem:v47+s4+$0x0], $0xffff;
	_ =	sdelay $0x4  }
0x15e: {  	v0 =	vadd.f32 $1.000000020e-16, v0;
	_ =	sdelay $0x1  }
0x15f: {  	(erf) = vrcp.f32 v0;
	_ =	sdelay $0x3  }
0x160: {  	v50 =	vld [tilespmem:s6+$0x5040]  }
0x161: {  	v51 =	vld [tilespmem:s6+$0x30];
	_ =	sdelay $0x3  }
0x162: {  	v52 =	vpop (erf)  }
0x163: {  	v1 =	vmul.f32 v52, v51;
	_ =	sdelay $0x1  }
0x164: {  	[tilespmem:s6+$0x30] =	vst v1  }
0x165: {  	v0 =	vld.idx.msk [tilespmem:v50+s4+$0x0], $0xffff;
	_ =	sdelay $0x4  }
0x166: {  	v0 =	vadd.f32 $1.000000020e-16, v0;
	_ =	sdelay $0x1  }
0x167: {  	(erf) = vrcp.f32 v0;
	_ =	sdelay $0x3  }
0x168: {  	v53 =	vld [tilespmem:s6+$0x5050]  }
0x169: {  	v54 =	vld [tilespmem:s6+$0x40];
	_ =	sdelay $0x3  }
0x16a: {  	v55 =	vpop (erf)  }
0x16b: {  	v1 =	vmul.f32 v55, v54;
	_ =	sdelay $0x1  }
0x16c: {  	[tilespmem:s6+$0x40] =	vst v1  }
0x16d: {  	v0 =	vld.idx.msk [tilespmem:v53+s4+$0x0], $0xffff;
	_ =	sdelay $0x4  }
0x16e: {  	v0 =	vadd.f32 $1.000000020e-16, v0;
	_ =	sdelay $0x1  }
0x16f: {  	(erf) = vrcp.f32 v0;
	_ =	sdelay $0x3  }
0x170: {  	v56 =	vld [tilespmem:s6+$0x5060]  }
0x171: {  	v57 =	vld [tilespmem:s6+$0x50];
	_ =	sdelay $0x3  }
0x172: {  	v58 =	vpop (erf)  }
0x173: {  	v1 =	vmul.f32 v58, v57;
	_ =	sdelay $0x1  }
0x174: {  	[tilespmem:s6+$0x50] =	vst v1  }
0x175: {  	v0 =	vld.idx.msk [tilespmem:v56+s4+$0x0], $0xffff;
	_ =	sdelay $0x4  }
0x176: {  	v0 =	vadd.f32 $1.000000020e-16, v0;
	_ =	sdelay $0x1  }
0x177: {  	(erf) = vrcp.f32 v0;
	_ =	sdelay $0x3  }
0x178: {  	v59 =	vld [tilespmem:s6+$0x5070]  }
0x179: {  	v60 =	vld [tilespmem:s6+$0x60];
	_ =	sdelay $0x3  }
0x17a: {  	v61 =	vpop (erf)  }
0x17b: {  	v1 =	vmul.f32 v61, v60;
	_ =	sdelay $0x1  }
0x17c: {  	[tilespmem:s6+$0x60] =	vst v1  }
0x17d: {  	v0 =	vld.idx.msk [tilespmem:v59+s4+$0x0], $0xffff;
	_ =	sdelay $0x4  }
0x17e: {  	v0 =	vadd.f32 $1.000000020e-16, v0;
	_ =	sdelay $0x1  }
0x17f: {  	(erf) = vrcp.f32 v0;
	_ =	sdelay $0x4  }
0x180: {  	v62 =	vld [tilespmem:s6+$0x70];
	_ =	sdelay $0x3  }
0x181: {  	v63 =	vpop (erf)  }
0x182: {  	v0 =	vmul.f32 v63, v62;
	_ =	sdelay $0x1  }
0x183: {  	s30 =	simm.s32 $0x0;
	s31 =	simm.s32 $0x1;
	[tilespmem:s6+$0x70] =	vst v0  }
0x184: {  	[hbm4b:s2+s30] =	stream.linear.scatter [tilespmem:s30], [sflag:$0x1], $0x5000, $0x38;
	[tilespmem:$0xCE90] =	vst v63  }
0x185: {  	_ =	swait.ge [sflag:s31], $0x5000  }
0x186: {  	[sflag:s31] =	ssyncset.done $0x0  }
0x187: {  	[sflag:s31] =	ssyncadd.s32 $0xFFFFB000  }
.LBB2_10:
0x188: {  	_ =	sfence.sel $0x180000  }
0x189: {  	[bflag:$0x0] =	sbarrier.arrive $0xFFFF  }
0x18a: {  	p0 =	sne.s32 s1, $0x0;
	_ =	strace $0x9000004A  }
0x18b: {  	s0 =	sadd.s32 @!p0 $0x100000, s0;
	[bflag:$0x2] =	sbarrier.arrive $0xFFFF  }
0x18c: {  	[sflag:s0] =	ssyncadd.tile.s32 @!p0 $0x1;
	_ =	shalt  }
.Lfunc_end2:
_tile_overlayer_lowered:
.L_overlay_start_2:
0x18d: {  	(tag) =	ssettag $0x2  }
0x18e: {  	s0 =	rddreg [dreg:$0x0];
	s2 =	stileid.u32  }
0x18f: {  	s1 =	rddreg [dreg:$0x1];
	p0 =	sne.s32 s2, $0x0  }
0x190: {  	s3 =	rddreg [dreg:$0x2];
	[bflag:$0x3] =	sbarrier.arrive $0xFFFF;
	s2 =	simm.s32 @!p0 $0x1C01  }
0x191: {  	[timem:s3], [sflag:s2] =	dma.local @!p0 [hbm:s0], s1  }
0x192: {  	s0 =	simm.s32 @!p0 $0x1  }
0x193: {  	_ =	swait.ge @!p0 [sflag:s0], s1  }
0x194: {  	s1 =	ssub.s32 @!p0 $0x0, s1;
	[sflag:s0] =	ssyncset.done @!p0 $0x0  }
0x195: {  	[sflag:s0] =	ssyncadd.s32 @!p0 s1  }
0x196: {  	[bflag:$0x3] =	sbarrier.arrive $0xFFFF  }
0x197: {  	_ =	shalt  }

// kernel: kernel.15.cloned.1.call-start
scs
__scs_entry_jumppad:
0x0: {  	(pc) =	sbr.rel $0x88, $3  }
0x1: {  	(tag) =	ssettag $0x0;
	lr =	simm.s32 $0x1  }
0x2: {  	[smem:$0x3F89] =	sst lr;
	_ =	strace $0xD0000000  }
0x3: {  	_ = 	snop  }
0x4: {  	_ = 	snop  }
0x5: {  	_ = 	snop  }
0x6: {  	_ = 	snop  }
0x7: {  	_ = 	snop  }
__scs_overlays_trampoline_lowered:
0x8: {  	[smem:$0x3F98] =	sst s0  }
0x9: {  	[smem:$0x3F99] =	sst s1  }
0xa: {  	[smem:$0x3F9A] =	sst s2  }
0xb: {  	[smem:$0x3F9B] =	sst s3  }
0xc: {  	[smem:$0x3F9C] =	sst s4  }
0xd: {  	[smem:$0x3F9D] =	sst s5  }
0xe: {  	[smem:$0x3F9E] =	sst s6  }
0xf: {  	[smem:$0x3F9F] =	sst s7  }
0x10: {  	[smem:$0x3FA0] =	sst s8  }
0x11: {  	[smem:$0x3FA1] =	sst s9;
	s0 =	simm.s32 @!p0 $0x0  }
0x12: {  	s1 =	sld [smem:$0x3F87];
	s0 =	simm.s32 @p0 $0x1  }
0x13: {  	[smem:$0x3FA2] =	sst s0;
	s0 =	simm.s32 @!p1 $0x0  }
0x14: {  	s2 =	sld [smem:$0x3F86];
	s0 =	simm.s32 @p1 $0x1  }
0x15: {  	[smem:$0x3FA3] =	sst s0;
	s0 =	simm.s32 @!p2 $0x0  }
0x16: {  	s3 =	sld [smem:$0x3FDB];
	s0 =	simm.s32 @p2 $0x1  }
0x17: {  	s4 =	simm.s32 $0x1BF5;
	[smem:$0x3FA5] =	sst s0  }
0x18: {  	s0 =	sld [smem:$0x3F88];
	_ =	swait.ge [sflag:s4], $0x0  }
0x19: {  	s7 =	sld [smem:$0x3F89]  }
0x1a: {  	s8 =	sadd.s32 $0xFFFFE003, lr  }
0x1b: {  	s9 =	sadd.s32 $0xFFFFFEF7, lr;
	s5 =	simm.s32 $0xFFFFFFFF;
	p2 =	slt.u32 s8, $0xFFFFF086  }
0x1c: {  	p1 =	slt.u32 s9, $0xF7A;
	s5 =	simm.s32 @!p2 $0x0  }
0x1d: {  	s5 =	simm.s32 @p1 $0x1;
	p0 =	seq.s32 s7, s2  }
0x1e: {  	s7 =	smul.u32 @!p0 $0xF7A, s2;
	p2 =	seq.s32 @!p0 s5, $0x0  }
0x1f: {  	s9 =	smul.u32 $0xF7A, s1;
	s8 =	simm.s32 @!p0 $0x1BF5;
	p2 =	por !p2, p0  }
0x20: {  	[sflag:s8] =	ssyncset.s32 @!p0 $0xFFFFF086;
	s6 =	sadd.s32 @!p0 s3, s7;
	s7 =	simm.s32 @!p0 $0x108  }
0x21: {  	s3 =	sadd.s32 s3, s9;
	s6 =	sadd.s32 @!p0 $0x88, s6;
	s7 =	simm.s32 @p2 $0x1082  }
0x22: {  	[simem:s7], [sflag:s8] =	dma.local @!p0 [hbm:s6], $0xF7A  }
0x23: {  	s9 =	sor.u32 $0xD0000000, s2;
	s6 =	simm.s32 $0x108;
	_ =	swait.ge @!p0 [sflag:s8], $0x0  }
0x24: {  	s3 =	sadd.s32 $0x88, s3;
	s6 =	simm.s32 @!p1 $0x1082;
	[sflag:s4] =	ssyncset.s32 $0xFFFFF086  }
0x25: {  	[simem:s6], [sflag:s4] =	dma.local [hbm:s3], $0xF7A  }
0x26: {  	[smem:$0x3F89] =	sst s1;
	(tag) =	ssettag s2;
	_ =	strace s9  }
0x27: {  	s1 =	sld [smem:$0x3F99]  }
0x28: {  	s2 =	sld [smem:$0x3F9A]  }
0x29: {  	s4 =	sld [smem:$0x3F9C]  }
0x2a: {  	p0 =	seq.s32 s5, $0x0;
	s5 =	sld [smem:$0x3F9D]  }
0x2b: {  	s6 =	sld [smem:$0x3F9E]  }
0x2c: {  	s7 =	sld [smem:$0x3F9F]  }
0x2d: {  	s3 =	simm.s32 $0x108;
	s8 =	sld [smem:$0x3FA0]  }
0x2e: {  	s3 =	simm.s32 @!p0 $0x1082;
	s9 =	sld [smem:$0x3FA1]  }
0x2f: {  	lr =	sadd.s32 s0, s3;
	s0 =	sld [smem:$0x3F98]  }
0x30: {  	s3 =	sld [smem:$0x3F9B]  }
0x31: {  	[smem:$0x3FA4] =	sst s10  }
0x32: {  	s10 =	sld [smem:$0x3FA2];
	_ =	sdelay $0x3  }
0x33: {  	p0 =	seq.s32 s10, $0x1;
	s10 =	sld [smem:$0x3FA4];
	_ =	sdelay $0x3  }
0x34: {  	[smem:$0x3FA4] =	sst s10  }
0x35: {  	s10 =	sld [smem:$0x3FA3];
	_ =	sdelay $0x3  }
0x36: {  	p1 =	seq.s32 s10, $0x1;
	s10 =	sld [smem:$0x3FA4];
	_ =	sdelay $0x3  }
0x37: {  	[smem:$0x3FA4] =	sst s10  }
0x38: {  	s10 =	sld [smem:$0x3FA5]  }
0x39: {  	_ = 	snop;
	(pc) =	sbr.ind lr, $3  }
0x3a: {  	_ = 	snop  }
0x3b: {  	_ = 	snop  }
0x3c: {  	p2 =	seq.s32 s10, $0x1;
	s10 =	sld [smem:$0x3FA4]  }
0x3d: {  	_ =	shalt  }
0x3e: {  	_ =	shalt  }
0x3f: {  	_ =	shalt  }
0x40: {  	_ =	shalt  }
0x41: {  	_ =	shalt  }
0x42: {  	_ =	shalt  }
0x43: {  	_ =	shalt  }
0x44: {  	_ =	shalt  }
0x45: {  	_ =	shalt  }
0x46: {  	_ =	shalt  }
0x47: {  	_ =	shalt  }
0x48: {  	_ =	shalt  }
0x49: {  	_ =	shalt  }
0x4a: {  	_ =	shalt  }
0x4b: {  	_ =	shalt  }
0x4c: {  	_ =	shalt  }
0x4d: {  	_ =	shalt  }
0x4e: {  	_ =	shalt  }
0x4f: {  	_ =	shalt  }
0x50: {  	_ =	shalt  }
0x51: {  	_ =	shalt  }
0x52: {  	_ =	shalt  }
0x53: {  	_ =	shalt  }
0x54: {  	_ =	shalt  }
0x55: {  	_ =	shalt  }
0x56: {  	_ =	shalt  }
0x57: {  	_ =	shalt  }
0x58: {  	_ =	shalt  }
0x59: {  	_ =	shalt  }
0x5a: {  	_ =	shalt  }
0x5b: {  	_ =	shalt  }
0x5c: {  	_ =	shalt  }
0x5d: {  	_ =	shalt  }
0x5e: {  	_ =	shalt  }
0x5f: {  	_ =	shalt  }
0x60: {  	_ =	shalt  }
0x61: {  	_ =	shalt  }
0x62: {  	_ =	shalt  }
0x63: {  	_ =	shalt  }
0x64: {  	_ =	shalt  }
0x65: {  	_ =	shalt  }
0x66: {  	_ =	shalt  }
0x67: {  	_ =	shalt  }
0x68: {  	_ =	shalt  }
0x69: {  	_ =	shalt  }
0x6a: {  	_ =	shalt  }
0x6b: {  	_ =	shalt  }
0x6c: {  	_ =	shalt  }
0x6d: {  	_ =	shalt  }
0x6e: {  	_ =	shalt  }
0x6f: {  	_ =	shalt  }
0x70: {  	_ =	shalt  }
0x71: {  	_ =	shalt  }
0x72: {  	_ =	shalt  }
0x73: {  	_ =	shalt  }
0x74: {  	_ =	shalt  }
0x75: {  	_ =	shalt  }
0x76: {  	_ =	shalt  }
0x77: {  	_ =	shalt  }
0x78: {  	_ =	shalt  }
0x79: {  	_ =	shalt  }
0x7a: {  	_ =	shalt  }
0x7b: {  	_ =	shalt  }
0x7c: {  	_ =	shalt  }
0x7d: {  	_ =	shalt  }
0x7e: {  	_ =	shalt  }
0x7f: {  	_ =	shalt  }
0x80: {  	_ =	shalt  }
0x81: {  	_ =	shalt  }
0x82: {  	_ =	shalt  }
0x83: {  	_ =	shalt  }
0x84: {  	_ =	shalt  }
0x85: {  	_ =	shalt  }
0x86: {  	_ =	shalt  }
0x87: {  	_ =	shalt  }
.Lfunc_end0:
.L_simem_size_0:
called_computation.2_lowered:
.L_overlay_start_0:
0x88: {  	s2 =	sld [smem:$0x3FD9]  }
0x89: {  	s3 =	sld [smem:$0x3FFE];
	_ =	sdelay $0x1  }
0x8a: {  	s1 =	srdreg.scid  }
0x8b: {  	s0 =	sand.u32 $0x1, s1  }
0x8c: {  	s16 =	sshll.u32 s0, $0xA;
	s2 =	sadd.s32 s3, s2  }
0x8d: {  	s2 =	sadd.s32 s2, s16  }
0x8e: {  	[smem:$0x3FB0] =	sst s2  }
0x8f: {  	_ = 	snop  }
0x90: {  	(tm) =	ssettm $0x1  }
0x91: {  	s17 =	sld [smem:$0x3FFB];
	_ =	sdelay $0x3  }
0x92: {  	_ =	strace s17  }
0x93: {  	s2 =	sld [smem:$0x3FFC];
	_ =	sdelay $0x3  }
0x94: {  	_ =	strace s2  }
0x95: {  	s2 =	sld [smem:$0x3FFD];
	_ =	sdelay $0x3  }
0x96: {  	_ =	strace s2  }
0x97: {  	_ =	strace $0x8FFFFFFF  }
0x98: {  	s18 =	sld [smem:$0x3FDB];
	_ =	sdelay $0x1  }
0x99: {  	s19 =	simm.s32 $_scs_section_size  }
0x9a: {  	s4 =	simm.s32 $_size__tile_overlayer_lowered;
	s5 =	simm.s32 $_tile_overlayer_lowered  }
0x9b: {  	s22 =	simm.s32 $0x1BFF;
	s21 =	sshll.u32 s5, $0x1;
	s2 =	sadd.s32 s19, s18  }
0x9c: {  	s6 =	simm.s32 $0x0;
	s20 =	sshll.u32 s4, $0x1;
	s4 =	sadd.s32 s21, s2  }
0x9d: {  	[timem:s6], [sflag:s22] =	dma.local [hbm:s4], s20  }
0x9e: {  	_ =	swait.ge [sflag:s22], s20  }
0x9f: {  	s3 =	ssub.s32 $0x0, s20;
	[sflag:s22] =	ssyncset.done $0x0  }
0xa0: {  	[sflag:s22] =	ssyncadd.s32 s3;
	_ =	sdelay $0x1  }
0xa1: {  	s23 =	simm.s32 $0x1B8B  }
0xa2: {  	_ =	swait.ge [sflag:s23], $0x1  }
0xa3: {  	[sflag:s23] =	ssyncset.done $0x0  }
0xa4: {  	s25 =	simm.s32 $0x1B8E;
	s24 =	sld [smem:$0x3FFE];
	[sflag:s23] =	ssyncadd.s32 $0xFFFFFFFF  }
0xa5: {  	s26 =	simm.s32 $execute0_lowered;
	[smem:$0x3FD2] =	sst s25  }
0xa6: {  	s4 =	sshll.u32 s26, $0x1;
	_ =	strace $0x8000004C;
	[dreg:$0x1] =	wrdreg $0xFFFFFFFF  }
0xa7: {  	s28 =	simm.s32 $_size_execute0_lowered;
	s2 =	sadd.s32 s2, s4;
	[dreg:$0x0] =	wrdreg $0x0  }
0xa8: {  	s4 =	sshll.u32 s28, $0x1;
	[dreg:$0x2] =	wrdreg s2  }
0xa9: {  	[dreg:$0x3] =	wrdreg s4  }
0xaa: {  	[dreg:$0x4] =	wrdreg $0xC0  }
0xab: {  	_ =	task [dreg:s6], $0x5FFFF  }
0xac: {  	[dreg:$0x1] =	wrdreg $0xFFFFFFFF  }
0xad: {  	[dreg:$0x0] =	wrdreg $0x60  }
0xae: {  	[dreg:$0x2] =	wrdreg s24  }
0xaf: {  	[dreg:$0x3] =	wrdreg $0xCC000  }
0xb0: {  	[dreg:$0x4] =	wrdreg $0x9  }
0xb1: {  	_ =	task.clear_ibuf [dreg:s6], $0x5FFFF;
	_ =	strace $0x9000004C  }
0xb2: {  	s29 =	simm.s32 $0x9;
	_ =	strace $0x8000004E  }
0xb3: {  	_ =	swait.ge [sflag:s29], $0x1  }
0xb4: {  	[sflag:s29] =	ssyncadd.s32 $0xFFFFFFFF  }
0xb5: {  	_ =	strace $0x9000004E  }
0xb6: {  	_ =	sfence  }
0xb7: {  	s30 =	sld [smem:$0x0];
	_ =	sdelay $0x2  }
0xb8: {  	s31 =	sshll.u32 s1, $0xD;
	s1 =	sshrl.u32 s1, $0x2  }
0xb9: {  	s3 =	sand.u32 $0x4000, s31;
	s1 =	sadd.s32 s1, s30  }
0xba: {  	s0 =	sor.u32 s3, s0;
	s1 =	sshll.u32 s1, $0x11  }
0xbb: {  	s0 =	sor.u32 s1, s0  }
0xbc: {  	s0 =	sadd.s32 $0x8F2B, s0  }
0xbd: {  	[sflag:s0] =	ssyncadd.remote.s32 $0x1  }
0xbe: {  	_ =	sfence.sel $0xFFFF  }
0xbf: {  	[dreg:$0x0] =	wrdreg $0xFFFFFFFF;
	(pc) =	sbr.abs _section_cstart, $3  }
0xc0: {  	[dreg:$0x1] =	wrdreg $0xFFFFFFFF  }
0xc1: {  	_ =	task.clear_ibuf [dreg:s6], $0x2FFFF;
	_ =	strace $0x9FFFFFFF  }
0xc2: {  	(tm) =	ssettm $0x7FFFFFFF  }
0xc3: {  	_ =	shalt  }
tec
execute0_lowered:
.L_overlay_start_1:
0x0: {  	(tag) =	ssettag $0x1  }
0x1: {  	s1 =	srdreg.scid  }
0x2: {  	s1 =	sand.u32 $0x1, s1  }
0x3: {  	p0 =	seq.s32 s1, $0x1  }
.Ltmp0:
0x4: {  	_ = 	snop;
	(pc) =	sbr.rel @p0 .LBB2_10-.Ltmp0, $4  }
0x5: {  	s2 =	rddreg [dreg:$0x0]  }
0x6: {  	s3 =	rddreg [dreg:$0x1];
	s4 =	simm.s32 $0x0  }
0x7: {  	[smem:$0x7FF] =	sst s4  }
0x8: {  	s0 =	rddreg [dreg:$0x2];
	_ =	strace $0x8000004D;
	s1 =	stileid.u32  }
0x9: {  	s5 =	smul.u32 $0xA00, s1  }
0xa: {  	s6 =	sadd.s32 $0x6600, s2  }
0xb: {  	s25 =	simm.s32 $0x1;
	s6 =	sadd.s32 s6, s5  }
0xc: {  	[tilespmem:s4], [sflag:$0x1] =	stream.linear.gather [hbm4b:s6+s4], $0x5000, $0x38;
	[tilespmem:$0xCE90] =	vst v63  }
0xd: {  	_ =	swait.ge [sflag:s25], $0x5000  }
0xe: {  	s7 =	sadd.s32 $0x1A600, s2;
	[sflag:s25] =	ssyncset.done $0x0  }
0xf: {  	s8 =	simm.s32 $0x5000;
	s7 =	sadd.s32 s7, s5;
	[sflag:s25] =	ssyncadd.s32 $0xFFFFB000  }
0x10: {  	[tilespmem:s8], [sflag:$0x1] =	stream.linear.gather [hbm4b:s7+s4], $0x5000, $0x38;
	[tilespmem:$0xCE90] =	vst v63  }
0x11: {  	_ =	swait.ge [sflag:s25], $0x5000  }
0x12: {  	[sflag:s25] =	ssyncset.done $0x0  }
0x13: {  	v0 =	vimm.f32 $0.0e+00;
	[sflag:s25] =	ssyncadd.s32 $0xFFFFB000  }
0x14: {  	[tilespmem:$0xC800] =	vst v0  }
0x15: {  	[tilespmem:$0xC810] =	vst v0  }
0x16: {  	[tilespmem:$0xC820] =	vst v0  }
0x17: {  	[tilespmem:$0xC830] =	vst v0  }
0x18: {  	[tilespmem:$0xC840] =	vst v0  }
0x19: {  	[tilespmem:$0xC850] =	vst v0  }
0x1a: {  	[tilespmem:$0xC860] =	vst v0  }
0x1b: {  	[tilespmem:$0xC870] =	vst v0  }
0x1c: {  	[tilespmem:$0xC880] =	vst v0  }
0x1d: {  	[tilespmem:$0xC890] =	vst v0  }
0x1e: {  	[tilespmem:$0xC8A0] =	vst v0  }
0x1f: {  	[tilespmem:$0xC8B0] =	vst v0  }
0x20: {  	[tilespmem:$0xC8C0] =	vst v0  }
0x21: {  	[tilespmem:$0xC8D0] =	vst v0  }
0x22: {  	[tilespmem:$0xC8E0] =	vst v0  }
0x23: {  	[tilespmem:$0xC8F0] =	vst v0  }
0x24: {  	[tilespmem:$0xC900] =	vst v0  }
0x25: {  	[tilespmem:$0xC910] =	vst v0  }
0x26: {  	[tilespmem:$0xC920] =	vst v0  }
0x27: {  	[tilespmem:$0xC930] =	vst v0  }
0x28: {  	[tilespmem:$0xC940] =	vst v0  }
0x29: {  	[tilespmem:$0xC950] =	vst v0  }
0x2a: {  	[tilespmem:$0xC960] =	vst v0  }
0x2b: {  	[tilespmem:$0xC970] =	vst v0  }
0x2c: {  	[tilespmem:$0xC980] =	vst v0  }
0x2d: {  	[tilespmem:$0xC990] =	vst v0  }
0x2e: {  	[tilespmem:$0xC9A0] =	vst v0  }
0x2f: {  	[tilespmem:$0xC9B0] =	vst v0  }
0x30: {  	[tilespmem:$0xC9C0] =	vst v0  }
0x31: {  	[tilespmem:$0xC9D0] =	vst v0  }
0x32: {  	[tilespmem:$0xC9E0] =	vst v0  }
0x33: {  	[tilespmem:$0xC9F0] =	vst v0  }
0x34: {  	[tilespmem:$0xCA00] =	vst v0  }
0x35: {  	[tilespmem:$0xCA10] =	vst v0  }
0x36: {  	[tilespmem:$0xCA20] =	vst v0  }
0x37: {  	[tilespmem:$0xCA30] =	vst v0  }
0x38: {  	[tilespmem:$0xCA40] =	vst v0  }
0x39: {  	[tilespmem:$0xCA50] =	vst v0  }
0x3a: {  	s26 =	sshrl.u32 s5, $0x2;
	[tilespmem:$0xCA60] =	vst v0  }
0x3b: {  	s28 =	simm.s32 $0xC800;
	s4 =	sadd.s32 s26, s3;
	[tilespmem:$0xCA70] =	vst v0  }
0x3c: {  	[spmem:s4] =	stream.linear.scatter [tilespmem:s28], [sflag:$0x1], $0x280, $0x38;
	[tilespmem:$0xCE90] =	vst v63  }
0x3d: {  	_ =	swait.ge [sflag:s25], $0x280  }
0x3e: {  	[sflag:s25] =	ssyncset.done $0x0  }
0x3f: {  	s29 =	simm.s32 $0x0;
	[sflag:s25] =	ssyncadd.s32 $0xFFFFFD80  }
0x40: {  	v2 =	vld [tilespmem:s29+$0x0]  }
0x41: {  	v3 =	vld [tilespmem:s29+$0x10]  }
0x42: {  	v4 =	vld [tilespmem:s29+$0x20]  }
0x43: {  	v0 =	vld [tilespmem:s29+$0x30]  }
0x44: {  	v5 =	vimm.f32 $-1.000000020e+30;
	v1 =	vld [tilespmem:s29+$0x40]  }
0x45: {  	s31 =	sadd.s32 s5, s2;
	v5 =	vmax.f32 v5, v2;
	v2 =	vld [tilespmem:s29+$0x50]  }
0x46: {  	s30 =	sshll.u32 s1, $0x4;
	s2 =	sadd.s32 $0x10600, s31;
	s4 =	sadd.s32 $0x2800, s3;
	v5 =	vmax.f32 v5, v3;
	v3 =	vld [tilespmem:s29+$0x60]  }
0x47: {  	s6 =	simm.s32 $0x80;
	s7 =	simm.s32 $0x400;
	s5 =	sadd.s32 s30, s4;
	v5 =	vmax.f32 v5, v4;
	v4 =	vld [tilespmem:s29+$0x70]  }
.LBB2_2:
0x48: {  	p0 =	sne.s32 s7, $0x13E00;
	v6 =	vld [tilespmem:s6+$0x0];
	v0 =	vmax.f32 v5, v0  }
0x49: {  	v5 =	vld [tilespmem:s6+$0x10];
	v0 =	vmax.f32 v0, v1  }
0x4a: {  	v7 =	vld [tilespmem:s6+$0x20];
	v1 =	vmax.f32 v0, v2  }
.Ltmp1:
0x4b: {  	v0 =	vld [tilespmem:s6+$0x30];
	v2 =	vmax.f32 v1, v3;
	(pc) =	sbr.rel @p0 .LBB2_2-.Ltmp1, $4  }
0x4c: {  	v1 =	vld [tilespmem:s6+$0x40];
	v2 =	vmax.f32 v2, v4  }
0x4d: {  	v3 =	vmax.f32 v2, v6;
	v2 =	vld [tilespmem:s6+$0x50]  }
0x4e: {  	v4 =	vmax.f32 v3, v5;
	v3 =	vld [tilespmem:s6+$0x60]  }
0x4f: {  	v5 =	vmax.f32 v4, v7;
	v4 =	vld [tilespmem:s6+$0x70];
	s6 =	sshra.s32 s7, $0x2;
	s7 =	sadd.s32 $0x200, s7  }
0x50: {  	v6 =	vld [tilespmem:s6+$0x0];
	v0 =	vmax.f32 v5, v0  }
0x51: {  	v5 =	vld [tilespmem:s6+$0x10];
	v0 =	vmax.f32 v0, v1  }
0x52: {  	v1 =	vld [tilespmem:s6+$0x20];
	v0 =	vmax.f32 v0, v2  }
0x53: {  	v0 =	vmax.f32 v0, v3  }
0x54: {  	v2 =	vld [tilespmem:s6+$0x30];
	v0 =	vmax.f32 v0, v4  }
0x55: {  	v3 =	vld [tilespmem:s6+$0x40];
	v0 =	vmax.f32 v0, v6  }
0x56: {  	v4 =	vld [tilespmem:s6+$0x50];
	v6 =	vimm.s32 $0xFEDCBA98;
	v0 =	vmax.f32 v0, v5  }
0x57: {  	v6 =	vunpack.c.l.s4.s8 v6;
	v0 =	vmax.f32 v0, v1;
	v1 =	vimm.s32 $0x76543210  }
0x58: {  	v5 =	vld [tilespmem:s6+$0x60];
	v1 =	vunpack.c.l.s4.s8 v1  }
0x59: {  	v7 =	vld [tilespmem:s6+$0x70];
	v0 =	vmax.f32 v0, v2;
	v2 =	vunpack.c.0.s8.s32 v6  }
0x5a: {  	v0 =	vmax.f32 v0, v3;
	v1 =	vunpack.c.0.s8.s32 v1  }
0x5b: {  	v3 =	vimm.s32 $0xBA98FEDC;
	v0 =	vmax.f32 v0, v4;
	v2 =	vand.u32 $0xF, v2  }
0x5c: {  	v1 =	vcombine.low v2, v1;
	v2 =	vunpack.c.l.s4.s8 v3;
	v3 =	vimm.s32 $0x32107654  }
0x5d: {  	v4 =	vimm.s32 $0xDCFE98BA;
	v0 =	vmax.f32 v0, v5;
	v3 =	vunpack.c.l.s4.s8 v3  }
0x5e: {  	v4 =	vunpack.c.l.s4.s8 v4;
	v5 =	vimm.s32 $0x54761032;
	v0 =	vmax.f32 v0, v7  }
0x5f: {  	v1 =	vperm.xlane v0, v1;
	v2 =	vunpack.c.0.s8.s32 v2;
	v3 =	vunpack.c.0.s8.s32 v3  }
0x60: {  	v5 =	vunpack.c.l.s4.s8 v5  }
0x61: {  	v0 =	vmax.f32 v0, v1;
	v1 =	vcombine.low v3, v2;
	v2 =	vunpack.c.0.s8.s32 v4  }
0x62: {  	v3 =	vunpack.c.0.s8.s32 v5;
	v4 =	vimm.s32 $0xEFCDAB89;
	v5 =	vimm.s32 $0x67452301  }
0x63: {  	v4 =	vunpack.c.l.s4.s8 v4;
	v5 =	vunpack.c.l.s4.s8 v5;
	v1 =	vperm.xlane v0, v1  }
0x64: {  	v2 =	vcombine.low v3, v2  }
0x65: {  	v3 =	vunpack.c.0.s8.s32 v5;
	v0 =	vmax.f32 v0, v1;
	v1 =	vunpack.c.0.s8.s32 v4  }
0x66: {  	v2 =	vperm.xlane v0, v2  }
0x67: {  	v1 =	vcombine.low v3, v1  }
0x68: {  	v0 =	vmax.f32 v0, v2  }
0x69: {  	v1 =	vperm.xlane v0, v1;
	_ =	sdelay $0x1  }
0x6a: {  	v0 =	vmax.f32 v0, v1  }
0x6b: {  	s29 =	simm.s32 $0xCA80;
	s30 =	simm.s32 $0x1;
	[tilespmem:$0xCA80] =	vst v0  }
0x6c: {  	[spmem:s5] =	stream.linear.scatter [tilespmem:s29], [sflag:$0x1], $0x10, $0x38;
	[tilespmem:$0xCE90] =	vst v63  }
0x6d: {  	_ =	swait.ge [sflag:s30], $0x10  }
0x6e: {  	[sflag:s30] =	ssyncset.done $0x0  }
0x6f: {  	[sflag:s30] =	ssyncadd.s32 $0xFFFFFFF0  }
0x70: {  	s31 =	simm.s32 $0xCB00;
	[bflag:$0x0] =	sbarrier.arrive $0xFFFF  }
0x71: {  	[tilespmem:s31], [sflag:$0x1] =	stream.linear.gather [spmem:s4], $0x100, $0x38;
	[tilespmem:$0xCE90] =	vst v63  }
0x72: {  	_ =	swait.ge [sflag:s30], $0x100  }
0x73: {  	[sflag:s30] =	ssyncset.done $0x0  }
0x74: {  	[sflag:s30] =	ssyncadd.s32 $0xFFFFFF00  }
0x75: {  	v0 =	vld [tilespmem:$0xCB00]  }
0x76: {  	v1 =	vld [tilespmem:$0xCB10]  }
0x77: {  	v2 =	vld [tilespmem:$0xCB20]  }
0x78: {  	v3 =	vld [tilespmem:$0xCB30]  }
0x79: {  	v4 =	vld [tilespmem:$0xCB40]  }
0x7a: {  	v5 =	vld [tilespmem:$0xCB50];
	v0 =	vmax.f32 v0, $-1.000000020e+30  }
0x7b: {  	v6 =	vld [tilespmem:$0xCB60];
	v0 =	vmax.f32 v0, v1  }
0x7c: {  	v1 =	vld [tilespmem:$0xCB70];
	v0 =	vmax.f32 v0, v2  }
0x7d: {  	v2 =	vld [tilespmem:$0xCB80];
	v0 =	vmax.f32 v0, v3  }
0x7e: {  	v3 =	vld [tilespmem:$0xCB90];
	v0 =	vmax.f32 v0, v4  }
0x7f: {  	v4 =	vld [tilespmem:$0xCBA0];
	v0 =	vmax.f32 v0, v5  }
0x80: {  	v5 =	vld [tilespmem:$0xCBB0];
	v0 =	vmax.f32 v0, v6  }
0x81: {  	v6 =	vld [tilespmem:$0xCBC0];
	v0 =	vmax.f32 v0, v1  }
0x82: {  	v1 =	vld [tilespmem:$0xCBD0];
	v0 =	vmax.f32 v0, v2  }
0x83: {  	v7 =	vld [tilespmem:$0xCBE0];
	v0 =	vmax.f32 v0, v3  }
0x84: {  	s4 =	simm.s32 $0x0;
	v8 =	vld [tilespmem:$0xCBF0];
	v0 =	vmax.f32 v0, v4  }
0x85: {  	v9 =	vld [tilespmem:s4+$0x0];
	v0 =	vmax.f32 v0, v5  }
0x86: {  	v5 =	vld [tilespmem:s4+$0x10];
	v0 =	vmax.f32 v0, v6  }
0x87: {  	v2 =	vld [tilespmem:s4+$0x20];
	v0 =	vmax.f32 v0, v1  }
0x88: {  	v1 =	vld [tilespmem:s4+$0x30];
	v0 =	vmax.f32 v0, v7  }
0x89: {  	v3 =	vld [tilespmem:s4+$0x40];
	v0 =	vmax.f32 v0, v8  }
0x8a: {  	v4 =	vld [tilespmem:s4+$0x50];
	v7 =	vsub.f32 v9, v0  }
0x8b: {  	s6 =	simm.s32 $0x200;
	s5 =	simm.s32 $0x0;
	v6 =	vsub.f32 v5, v0;
	v5 =	vld [tilespmem:s4+$0x60]  }
.LBB2_4:
0x8c: {  	p0 =	sne.s32 s6, $0x13E00;
	v7 =	vmul.f32 $1.442695020e+00, v7;
	v2 =	vsub.f32 v2, v0;
	v8 =	vld [tilespmem:s5+$0x70]  }
0x8d: {  	v6 =	vmul.f32 $1.442695020e+00, v6;
	v1 =	vsub.f32 v1, v0  }
0x8e: {  	v2 =	vmul.f32 $1.442695020e+00, v2;
	v3 =	vsub.f32 v3, v0;
	(erf) = vpow2.f32 v7  }
0x8f: {  	v1 =	vmul.f32 $1.442695020e+00, v1;
	v4 =	vsub.f32 v4, v0;
	(erf) = vpow2.f32 v6  }
0x90: {  	v3 =	vmul.f32 $1.442695020e+00, v3;
	v5 =	vsub.f32 v5, v0;
	(erf) = vpow2.f32 v2  }
0x91: {  	v2 =	vmul.f32 $1.442695020e+00, v4;
	v4 =	vsub.f32 v8, v0;
	(erf) = vpow2.f32 v1  }
0x92: {  	v1 =	vmul.f32 $1.442695020e+00, v5;
	(erf) = vpow2.f32 v3  }
0x93: {  	v3 =	vmul.f32 $1.442695020e+00, v4;
	(erf) = vpow2.f32 v2  }
0x94: {  	(erf) = vpow2.f32 v1  }
0x95: {  	(erf) = vpow2.f32 v3;
	_ =	sdelay $0x1  }
0x96: {  	v1 =	vpop (erf)  }
0x97: {  	s7 =	sshra.s32 s6, $0x2;
	[tilespmem:s5+$0x0] =	vst v1;
	v1 =	vpop (erf)  }
0x98: {  	v4 =	vld [tilespmem:s7+$0x0];
	[tilespmem:s5+$0x10] =	vst v1;
	v1 =	vpop (erf)  }
0x99: {  	v5 =	vld [tilespmem:s7+$0x10];
	[tilespmem:s5+$0x20] =	vst v1;
	v1 =	vpop (erf)  }
.Ltmp2:
0x9a: {  	v2 =	vld [tilespmem:s7+$0x20];
	[tilespmem:s5+$0x30] =	vst v1;
	v3 =	vpop (erf);
	(pc) =	sbr.rel @p0 .LBB2_4-.Ltmp2, $4  }
0x9b: {  	v1 =	vld [tilespmem:s7+$0x30];
	[tilespmem:s5+$0x40] =	vst v3;
	v6 =	vpop (erf)  }
0x9c: {  	v3 =	vld [tilespmem:s7+$0x40];
	[tilespmem:s5+$0x50] =	vst v6;
	v6 =	vpop (erf)  }
0x9d: {  	v7 =	vsub.f32 v4, v0;
	v4 =	vld [tilespmem:s7+$0x50];
	[tilespmem:s5+$0x60] =	vst v6;
	v8 =	vpop (erf)  }
0x9e: {  	s6 =	sadd.s32 $0x200, s6;
	v6 =	vsub.f32 v5, v0;
	v5 =	vld [tilespmem:s7+$0x60];
	[tilespmem:s5+$0x70] =	vst v8;
	s5 =	smov.u32 s7  }
0x9f: {  	v7 =	vmul.f32 $1.442695020e+00, v7;
	v2 =	vsub.f32 v2, v0;
	v8 =	vld [tilespmem:s5+$0x70]  }
0xa0: {  	v6 =	vmul.f32 $1.442695020e+00, v6;
	v1 =	vsub.f32 v1, v0  }
0xa1: {  	v2 =	vmul.f32 $1.442695020e+00, v2;
	v3 =	vsub.f32 v3, v0;
	(erf) = vpow2.f32 v7  }
0xa2: {  	v1 =	vmul.f32 $1.442695020e+00, v1;
	v4 =	vsub.f32 v4, v0;
	(erf) = vpow2.f32 v6  }
0xa3: {  	v3 =	vmul.f32 $1.442695020e+00, v3;
	v5 =	vsub.f32 v5, v0;
	(erf) = vpow2.f32 v2  }
0xa4: {  	v53 =	vmul.f32 $1.442695020e+00, v4;
	v54 =	vsub.f32 v8, v0;
	(erf) = vpow2.f32 v1  }
0xa5: {  	v55 =	vmul.f32 $1.442695020e+00, v5;
	(erf) = vpow2.f32 v3  }
0xa6: {  	v0 =	vmul.f32 $1.442695020e+00, v54;
	(erf) = vpow2.f32 v53  }
0xa7: {  	(erf) = vpow2.f32 v55  }
0xa8: {  	(erf) = vpow2.f32 v0;
	_ =	sdelay $0x1  }
0xa9: {  	v56 =	vpop (erf)  }
0xaa: {  	[tilespmem:s5+$0x0] =	vst v56;
	v57 =	vpop (erf)  }
0xab: {  	[tilespmem:s5+$0x10] =	vst v57;
	v58 =	vpop (erf)  }
0xac: {  	[tilespmem:s5+$0x20] =	vst v58;
	v59 =	vpop (erf)  }
0xad: {  	[tilespmem:s5+$0x30] =	vst v59;
	v60 =	vpop (erf)  }
0xae: {  	[tilespmem:s5+$0x40] =	vst v60;
	v61 =	vpop (erf)  }
0xaf: {  	[tilespmem:s5+$0x50] =	vst v61;
	v62 =	vpop (erf)  }
0xb0: {  	[tilespmem:s5+$0x60] =	vst v62;
	v63 =	vpop (erf)  }
0xb1: {  	s6 =	simm.s32 $0x5000;
	[tilespmem:s5+$0x70] =	vst v63;
	s5 =	simm.s32 $0x80  }
0xb2: {  	[spmem:s3] =	stream.indirect.scatter.add.f32 [tilespmem:s4], [sflag:$0x1], $0x1, s6, s5, $0xb8;
	[tilespmem:$0xCE90] =	vst v63  }
0xb3: {  	s4 =	simm.s32 $0x1  }
0xb4: {  	s6 =	simm.s32 $0x200;
	_ =	swait.ge [sflag:s4], $0x80  }
.LBB2_6:
0xb5: {  	s7 =	sshra.s32 s6, $0x2;
	[sflag:s4] =	ssyncset.done $0x0;
	p0 =	sne.s32 s6, $0x13E00  }
.Ltmp3:
0xb6: {  	s8 =	sadd.s32 $0x5000, s7;
	[sflag:s4] =	ssyncadd.s32 $0xFFFFFF80;
	(pc) =	sbr.rel @p0 .LBB2_6-.Ltmp3, $3  }
0xb7: {  	[spmem:s3] =	stream.indirect.scatter.add.f32 [tilespmem:s7], [sflag:$0x1], $0x1, s8, s5, $0xb8;
	[tilespmem:$0xCE90] =	vst v63  }
0xb8: {  	s6 =	sadd.s32 $0x200, s6;
	_ =	sdelay $0x1  }
0xb9: {  	_ =	swait.ge [sflag:s4], $0x80  }
0xba: {  	[sflag:s4] =	ssyncset.done $0x0  }
0xbb: {  	[sflag:s4] =	ssyncadd.s32 $0xFFFFFF80  }
0xbc: {  	s31 =	simm.s32 $0x1;
	s4 =	simm.s32 $0xA000;
	[bflag:$0x0] =	sbarrier.arrive $0xFFFF  }
0xbd: {  	[tilespmem:s4], [sflag:$0x1] =	stream.linear.gather [spmem:s3], $0x2800, $0x38;
	[tilespmem:$0xCE90] =	vst v63  }
0xbe: {  	_ =	swait.ge [sflag:s31], $0x2800  }
0xbf: {  	[sflag:s31] =	ssyncset.done $0x0  }
0xc0: {  	s3 =	simm.s32 $0x0;
	[sflag:s31] =	ssyncadd.s32 $0xFFFFD800  }
0xc1: {  	v0 =	vld [tilespmem:s3+$0x5000];
	_ =	sdelay $0x7  }
0xc2: {  	v0 =	vld.idx.msk [tilespmem:v0+s4+$0x0], $0xffff;
	_ =	sdelay $0x4  }
0xc3: {  	v0 =	vadd.f32 $1.000000020e-16, v0;
	_ =	sdelay $0x1  }
0xc4: {  	(erf) = vrcp.f32 v0;
	_ =	sdelay $0x3  }
0xc5: {  	v1 =	vld [tilespmem:s3+$0x0]  }
0xc6: {  	v0 =	vld [tilespmem:s3+$0x5010];
	_ =	sdelay $0x3  }
0xc7: {  	v2 =	vpop (erf)  }
0xc8: {  	v1 =	vmul.f32 v2, v1;
	_ =	sdelay $0x1  }
0xc9: {  	[tilespmem:s3+$0x0] =	vst v1  }
0xca: {  	v0 =	vld.idx.msk [tilespmem:v0+s4+$0x0], $0xffff;
	_ =	sdelay $0x4  }
0xcb: {  	v0 =	vadd.f32 $1.000000020e-16, v0;
	_ =	sdelay $0x1  }
0xcc: {  	(erf) = vrcp.f32 v0;
	_ =	sdelay $0x3  }
0xcd: {  	v1 =	vld [tilespmem:s3+$0x10]  }
0xce: {  	v0 =	vld [tilespmem:s3+$0x5020];
	_ =	sdelay $0x3  }
0xcf: {  	v2 =	vpop (erf)  }
0xd0: {  	v1 =	vmul.f32 v2, v1;
	_ =	sdelay $0x1  }
0xd1: {  	[tilespmem:s3+$0x10] =	vst v1  }
0xd2: {  	v0 =	vld.idx.msk [tilespmem:v0+s4+$0x0], $0xffff;
	_ =	sdelay $0x4  }
0xd3: {  	v0 =	vadd.f32 $1.000000020e-16, v0;
	_ =	sdelay $0x1  }
0xd4: {  	(erf) = vrcp.f32 v0;
	_ =	sdelay $0x3  }
0xd5: {  	v1 =	vld [tilespmem:s3+$0x20]  }
0xd6: {  	v0 =	vld [tilespmem:s3+$0x5030];
	_ =	sdelay $0x3  }
0xd7: {  	v2 =	vpop (erf)  }
0xd8: {  	v1 =	vmul.f32 v2, v1;
	_ =	sdelay $0x1  }
0xd9: {  	[tilespmem:s3+$0x20] =	vst v1  }
0xda: {  	v0 =	vld.idx.msk [tilespmem:v0+s4+$0x0], $0xffff;
	_ =	sdelay $0x4  }
0xdb: {  	v0 =	vadd.f32 $1.000000020e-16, v0;
	_ =	sdelay $0x1  }
0xdc: {  	(erf) = vrcp.f32 v0;
	_ =	sdelay $0x3  }
0xdd: {  	v1 =	vld [tilespmem:s3+$0x30]  }
0xde: {  	v0 =	vld [tilespmem:s3+$0x5040];
	_ =	sdelay $0x3  }
0xdf: {  	v2 =	vpop (erf)  }
0xe0: {  	v1 =	vmul.f32 v2, v1;
	_ =	sdelay $0x1  }
0xe1: {  	[tilespmem:s3+$0x30] =	vst v1  }
0xe2: {  	v0 =	vld.idx.msk [tilespmem:v0+s4+$0x0], $0xffff;
	_ =	sdelay $0x4  }
0xe3: {  	v0 =	vadd.f32 $1.000000020e-16, v0;
	_ =	sdelay $0x1  }
0xe4: {  	(erf) = vrcp.f32 v0;
	_ =	sdelay $0x3  }
0xe5: {  	v1 =	vld [tilespmem:s3+$0x40]  }
0xe6: {  	v0 =	vld [tilespmem:s3+$0x5050];
	_ =	sdelay $0x3  }
0xe7: {  	v2 =	vpop (erf)  }
0xe8: {  	v1 =	vmul.f32 v2, v1;
	_ =	sdelay $0x1  }
0xe9: {  	[tilespmem:s3+$0x40] =	vst v1  }
0xea: {  	v0 =	vld.idx.msk [tilespmem:v0+s4+$0x0], $0xffff;
	_ =	sdelay $0x4  }
0xeb: {  	v0 =	vadd.f32 $1.000000020e-16, v0;
	_ =	sdelay $0x1  }
0xec: {  	(erf) = vrcp.f32 v0;
	_ =	sdelay $0x3  }
0xed: {  	v1 =	vld [tilespmem:s3+$0x50]  }
0xee: {  	v0 =	vld [tilespmem:s3+$0x5060];
	_ =	sdelay $0x3  }
0xef: {  	v2 =	vpop (erf)  }
0xf0: {  	v1 =	vmul.f32 v2, v1;
	_ =	sdelay $0x1  }
0xf1: {  	[tilespmem:s3+$0x50] =	vst v1  }
0xf2: {  	v0 =	vld.idx.msk [tilespmem:v0+s4+$0x0], $0xffff;
	_ =	sdelay $0x4  }
0xf3: {  	v0 =	vadd.f32 $1.000000020e-16, v0;
	_ =	sdelay $0x1  }
0xf4: {  	(erf) = vrcp.f32 v0;
	_ =	sdelay $0x3  }
0xf5: {  	v1 =	vld [tilespmem:s3+$0x60]  }
0xf6: {  	v0 =	vld [tilespmem:s3+$0x5070];
	_ =	sdelay $0x3  }
0xf7: {  	v2 =	vpop (erf)  }
0xf8: {  	v1 =	vmul.f32 v2, v1;
	_ =	sdelay $0x1  }
0xf9: {  	[tilespmem:s3+$0x60] =	vst v1  }
0xfa: {  	v0 =	vld.idx.msk [tilespmem:v0+s4+$0x0], $0xffff;
	_ =	sdelay $0x4  }
0xfb: {  	v0 =	vadd.f32 $1.000000020e-16, v0;
	_ =	sdelay $0x1  }
0xfc: {  	(erf) = vrcp.f32 v0;
	_ =	sdelay $0x2  }
0xfd: {  	s6 =	simm.s32 $0x80  }
0xfe: {  	s5 =	simm.s32 $0x400;
	v0 =	vld [tilespmem:s6+$0x5000]  }
.LBB2_8:
0xff: {  	p0 =	sne.s32 s5, $0x13E00;
	v1 =	vld [tilespmem:s3+$0x70];
	_ =	sdelay $0x3  }
0x100: {  	v2 =	vpop (erf)  }
0x101: {  	v1 =	vmul.f32 v2, v1;
	_ =	sdelay $0x1  }
0x102: {  	[tilespmem:s3+$0x70] =	vst v1;
	s3 =	smov.u32 s6  }
0x103: {  	v0 =	vld.idx.msk [tilespmem:v0+s4+$0x0], $0xffff;
	_ =	sdelay $0x5  }
0x104: {  	v0 =	vadd.f32 $1.000000020e-16, v0;
	_ =	sdelay $0x1  }
0x105: {  	(erf) = vrcp.f32 v0;
	_ =	sdelay $0x3  }
0x106: {  	v0 =	vld [tilespmem:s3+$0x5010]  }
0x107: {  	v1 =	vld [tilespmem:s3+$0x0];
	_ =	sdelay $0x3  }
0x108: {  	v2 =	vpop (erf)  }
0x109: {  	v1 =	vmul.f32 v2, v1;
	_ =	sdelay $0x1  }
0x10a: {  	[tilespmem:s3+$0x0] =	vst v1  }
0x10b: {  	v0 =	vld.idx.msk [tilespmem:v0+s4+$0x0], $0xffff;
	_ =	sdelay $0x5  }
0x10c: {  	v0 =	vadd.f32 $1.000000020e-16, v0;
	_ =	sdelay $0x1  }
0x10d: {  	(erf) = vrcp.f32 v0;
	_ =	sdelay $0x3  }
0x10e: {  	v0 =	vld [tilespmem:s3+$0x5020]  }
0x10f: {  	v1 =	vld [tilespmem:s3+$0x10];
	_ =	sdelay $0x3  }
0x110: {  	v2 =	vpop (erf)  }
0x111: {  	v1 =	vmul.f32 v2, v1;
	_ =	sdelay $0x1  }
0x112: {  	[tilespmem:s3+$0x10] =	vst v1  }
0x113: {  	v0 =	vld.idx.msk [tilespmem:v0+s4+$0x0], $0xffff;
	_ =	sdelay $0x5  }
0x114: {  	v0 =	vadd.f32 $1.000000020e-16, v0;
	_ =	sdelay $0x1  }
0x115: {  	(erf) = vrcp.f32 v0;
	_ =	sdelay $0x3  }
0x116: {  	v0 =	vld [tilespmem:s3+$0x5030]  }
0x117: {  	v1 =	vld [tilespmem:s3+$0x20];
	_ =	sdelay $0x3  }
0x118: {  	v2 =	vpop (erf)  }
0x119: {  	v1 =	vmul.f32 v2, v1;
	_ =	sdelay $0x1  }
0x11a: {  	[tilespmem:s3+$0x20] =	vst v1  }
0x11b: {  	v0 =	vld.idx.msk [tilespmem:v0+s4+$0x0], $0xffff;
	_ =	sdelay $0x5  }
0x11c: {  	v0 =	vadd.f32 $1.000000020e-16, v0;
	_ =	sdelay $0x1  }
0x11d: {  	(erf) = vrcp.f32 v0;
	_ =	sdelay $0x3  }
0x11e: {  	v0 =	vld [tilespmem:s3+$0x5040]  }
0x11f: {  	v1 =	vld [tilespmem:s3+$0x30];
	_ =	sdelay $0x3  }
0x120: {  	v2 =	vpop (erf)  }
0x121: {  	v1 =	vmul.f32 v2, v1;
	_ =	sdelay $0x1  }
0x122: {  	[tilespmem:s3+$0x30] =	vst v1  }
0x123: {  	v0 =	vld.idx.msk [tilespmem:v0+s4+$0x0], $0xffff;
	_ =	sdelay $0x5  }
0x124: {  	v0 =	vadd.f32 $1.000000020e-16, v0;
	_ =	sdelay $0x1  }
0x125: {  	(erf) = vrcp.f32 v0;
	_ =	sdelay $0x3  }
0x126: {  	v0 =	vld [tilespmem:s3+$0x5050]  }
0x127: {  	v1 =	vld [tilespmem:s3+$0x40];
	_ =	sdelay $0x3  }
0x128: {  	v2 =	vpop (erf)  }
0x129: {  	v1 =	vmul.f32 v2, v1;
	_ =	sdelay $0x1  }
0x12a: {  	[tilespmem:s3+$0x40] =	vst v1  }
0x12b: {  	v0 =	vld.idx.msk [tilespmem:v0+s4+$0x0], $0xffff;
	_ =	sdelay $0x5  }
0x12c: {  	v0 =	vadd.f32 $1.000000020e-16, v0;
	_ =	sdelay $0x1  }
0x12d: {  	(erf) = vrcp.f32 v0;
	_ =	sdelay $0x3  }
0x12e: {  	v0 =	vld [tilespmem:s3+$0x5060]  }
0x12f: {  	v1 =	vld [tilespmem:s3+$0x50];
	_ =	sdelay $0x3  }
0x130: {  	v2 =	vpop (erf)  }
0x131: {  	v1 =	vmul.f32 v2, v1;
	_ =	sdelay $0x1  }
0x132: {  	[tilespmem:s3+$0x50] =	vst v1  }
0x133: {  	v0 =	vld.idx.msk [tilespmem:v0+s4+$0x0], $0xffff;
	_ =	sdelay $0x5  }
0x134: {  	v0 =	vadd.f32 $1.000000020e-16, v0;
	_ =	sdelay $0x1  }
0x135: {  	(erf) = vrcp.f32 v0;
	_ =	sdelay $0x3  }
0x136: {  	v0 =	vld [tilespmem:s3+$0x5070]  }
0x137: {  	v1 =	vld [tilespmem:s3+$0x60];
	_ =	sdelay $0x3  }
0x138: {  	v2 =	vpop (erf)  }
0x139: {  	v1 =	vmul.f32 v2, v1;
	_ =	sdelay $0x1  }
0x13a: {  	[tilespmem:s3+$0x60] =	vst v1  }
0x13b: {  	v0 =	vld.idx.msk [tilespmem:v0+s4+$0x0], $0xffff;
	_ =	sdelay $0x5  }
0x13c: {  	v0 =	vadd.f32 $1.000000020e-16, v0;
	_ =	sdelay $0x1  }
.Ltmp4:
0x13d: {  	(erf) = vrcp.f32 v0;
	(pc) =	sbr.rel @p0 .LBB2_8-.Ltmp4, $3  }
0x13e: {  	_ =	sdelay $0x1  }
0x13f: {  	s6 =	sshra.s32 s5, $0x2  }
0x140: {  	s5 =	sadd.s32 $0x200, s5;
	v0 =	vld [tilespmem:s6+$0x5000]  }
0x141: {  	v1 =	vld [tilespmem:s3+$0x70];
	_ =	sdelay $0x3  }
0x142: {  	v2 =	vpop (erf)  }
0x143: {  	v1 =	vmul.f32 v2, v1;
	_ =	sdelay $0x1  }
0x144: {  	[tilespmem:s3+$0x70] =	vst v1  }
0x145: {  	v0 =	vld.idx.msk [tilespmem:v0+s4+$0x0], $0xffff;
	_ =	sdelay $0x4  }
0x146: {  	v0 =	vadd.f32 $1.000000020e-16, v0;
	_ =	sdelay $0x1  }
0x147: {  	(erf) = vrcp.f32 v0;
	_ =	sdelay $0x3  }
0x148: {  	v42 =	vld [tilespmem:s6+$0x5010]  }
0x149: {  	v1 =	vld [tilespmem:s6+$0x0];
	_ =	sdelay $0x3  }
0x14a: {  	v43 =	vpop (erf)  }
0x14b: {  	v1 =	vmul.f32 v43, v1;
	_ =	sdelay $0x1  }
0x14c: {  	[tilespmem:s6+$0x0] =	vst v1  }
0x14d: {  	v0 =	vld.idx.msk [tilespmem:v42+s4+$0x0], $0xffff;
	_ =	sdelay $0x4  }
0x14e: {  	v0 =	vadd.f32 $1.000000020e-16, v0;
	_ =	sdelay $0x1  }
0x14f: {  	(erf) = vrcp.f32 v0;
	_ =	sdelay $0x3  }
0x150: {  	v44 =	vld [tilespmem:s6+$0x5020]  }
0x151: {  	v45 =	vld [tilespmem:s6+$0x10];
	_ =	sdelay $0x3  }
0x152: {  	v46 =	vpop (erf)  }
0x153: {  	v1 =	vmul.f32 v46, v45;
	_ =	sdelay $0x1  }
0x154: {  	[tilespmem:s6+$0x10] =	vst v1  }
0x155: {  	v0 =	vld.idx.msk [tilespmem:v44+s4+$0x0], $0xffff;
	_ =	sdelay $0x4  }
0x156: {  	v0 =	vadd.f32 $1.000000020e-16, v0;
	_ =	sdelay $0x1  }
0x157: {  	(erf) = vrcp.f32 v0;
	_ =	sdelay $0x3  }
0x158: {  	v47 =	vld [tilespmem:s6+$0x5030]  }
0x159: {  	v48 =	vld [tilespmem:s6+$0x20];
	_ =	sdelay $0x3  }
0x15a: {  	v49 =	vpop (erf)  }
0x15b: {  	v1 =	vmul.f32 v49, v48;
	_ =	sdelay $0x1  }
0x15c: {  	[tilespmem:s6+$0x20] =	vst v1  }
0x15d: {  	v0 =	vld.idx.msk [tilespmem:v47+s4+$0x0], $0xffff;
	_ =	sdelay $0x4  }
0x15e: {  	v0 =	vadd.f32 $1.000000020e-16, v0;
	_ =	sdelay $0x1  }
0x15f: {  	(erf) = vrcp.f32 v0;
	_ =	sdelay $0x3  }
0x160: {  	v50 =	vld [tilespmem:s6+$0x5040]  }
0x161: {  	v51 =	vld [tilespmem:s6+$0x30];
	_ =	sdelay $0x3  }
0x162: {  	v52 =	vpop (erf)  }
0x163: {  	v1 =	vmul.f32 v52, v51;
	_ =	sdelay $0x1  }
0x164: {  	[tilespmem:s6+$0x30] =	vst v1  }
0x165: {  	v0 =	vld.idx.msk [tilespmem:v50+s4+$0x0], $0xffff;
	_ =	sdelay $0x4  }
0x166: {  	v0 =	vadd.f32 $1.000000020e-16, v0;
	_ =	sdelay $0x1  }
0x167: {  	(erf) = vrcp.f32 v0;
	_ =	sdelay $0x3  }
0x168: {  	v53 =	vld [tilespmem:s6+$0x5050]  }
0x169: {  	v54 =	vld [tilespmem:s6+$0x40];
	_ =	sdelay $0x3  }
0x16a: {  	v55 =	vpop (erf)  }
0x16b: {  	v1 =	vmul.f32 v55, v54;
	_ =	sdelay $0x1  }
0x16c: {  	[tilespmem:s6+$0x40] =	vst v1  }
0x16d: {  	v0 =	vld.idx.msk [tilespmem:v53+s4+$0x0], $0xffff;
	_ =	sdelay $0x4  }
0x16e: {  	v0 =	vadd.f32 $1.000000020e-16, v0;
	_ =	sdelay $0x1  }
0x16f: {  	(erf) = vrcp.f32 v0;
	_ =	sdelay $0x3  }
0x170: {  	v56 =	vld [tilespmem:s6+$0x5060]  }
0x171: {  	v57 =	vld [tilespmem:s6+$0x50];
	_ =	sdelay $0x3  }
0x172: {  	v58 =	vpop (erf)  }
0x173: {  	v1 =	vmul.f32 v58, v57;
	_ =	sdelay $0x1  }
0x174: {  	[tilespmem:s6+$0x50] =	vst v1  }
0x175: {  	v0 =	vld.idx.msk [tilespmem:v56+s4+$0x0], $0xffff;
	_ =	sdelay $0x4  }
0x176: {  	v0 =	vadd.f32 $1.000000020e-16, v0;
	_ =	sdelay $0x1  }
0x177: {  	(erf) = vrcp.f32 v0;
	_ =	sdelay $0x3  }
0x178: {  	v59 =	vld [tilespmem:s6+$0x5070]  }
0x179: {  	v60 =	vld [tilespmem:s6+$0x60];
	_ =	sdelay $0x3  }
0x17a: {  	v61 =	vpop (erf)  }
0x17b: {  	v1 =	vmul.f32 v61, v60;
	_ =	sdelay $0x1  }
0x17c: {  	[tilespmem:s6+$0x60] =	vst v1  }
0x17d: {  	v0 =	vld.idx.msk [tilespmem:v59+s4+$0x0], $0xffff;
	_ =	sdelay $0x4  }
0x17e: {  	v0 =	vadd.f32 $1.000000020e-16, v0;
	_ =	sdelay $0x1  }
0x17f: {  	(erf) = vrcp.f32 v0;
	_ =	sdelay $0x4  }
0x180: {  	v62 =	vld [tilespmem:s6+$0x70];
	_ =	sdelay $0x3  }
0x181: {  	v63 =	vpop (erf)  }
0x182: {  	v0 =	vmul.f32 v63, v62;
	_ =	sdelay $0x1  }
0x183: {  	s30 =	simm.s32 $0x0;
	s31 =	simm.s32 $0x1;
	[tilespmem:s6+$0x70] =	vst v0  }
0x184: {  	[hbm4b:s2+s30] =	stream.linear.scatter [tilespmem:s30], [sflag:$0x1], $0x5000, $0x38;
	[tilespmem:$0xCE90] =	vst v63  }
0x185: {  	_ =	swait.ge [sflag:s31], $0x5000  }
0x186: {  	[sflag:s31] =	ssyncset.done $0x0  }
0x187: {  	[sflag:s31] =	ssyncadd.s32 $0xFFFFB000  }
.LBB2_10:
0x188: {  	_ =	sfence.sel $0x180000  }
0x189: {  	[bflag:$0x0] =	sbarrier.arrive $0xFFFF  }
0x18a: {  	p0 =	sne.s32 s1, $0x0;
	_ =	strace $0x9000004D  }
0x18b: {  	s0 =	sadd.s32 @!p0 $0x100000, s0;
	[bflag:$0x2] =	sbarrier.arrive $0xFFFF  }
0x18c: {  	[sflag:s0] =	ssyncadd.tile.s32 @!p0 $0x1;
	_ =	shalt  }
.Lfunc_end2:
_tile_overlayer_lowered:
.L_overlay_start_2:
0x18d: {  	(tag) =	ssettag $0x2  }
0x18e: {  	s0 =	rddreg [dreg:$0x0];
	s2 =	stileid.u32  }
0x18f: {  	s1 =	rddreg [dreg:$0x1];
	p0 =	sne.s32 s2, $0x0  }
0x190: {  	s3 =	rddreg [dreg:$0x2];
	[bflag:$0x3] =	sbarrier.arrive $0xFFFF;
	s2 =	simm.s32 @!p0 $0x1C01  }
0x191: {  	[timem:s3], [sflag:s2] =	dma.local @!p0 [hbm:s0], s1  }
0x192: {  	s0 =	simm.s32 @!p0 $0x1  }
0x193: {  	_ =	swait.ge @!p0 [sflag:s0], s1  }
0x194: {  	s1 =	ssub.s32 @!p0 $0x0, s1;
	[sflag:s0] =	ssyncset.done @!p0 $0x0  }
0x195: {  	[sflag:s0] =	ssyncadd.s32 @!p0 s1  }
0x196: {  	[bflag:$0x3] =	sbarrier.arrive $0xFFFF  }
0x197: {  	_ =	shalt  }

// kernel: kernel.9.cloned.1.call-start
scs
__scs_entry_jumppad:
0x0: {  	(pc) =	sbr.rel $0x88, $3  }
0x1: {  	(tag) =	ssettag $0x0;
	lr =	simm.s32 $0x1  }
0x2: {  	[smem:$0x3F89] =	sst lr;
	_ =	strace $0xD0000000  }
0x3: {  	_ = 	snop  }
0x4: {  	_ = 	snop  }
0x5: {  	_ = 	snop  }
0x6: {  	_ = 	snop  }
0x7: {  	_ = 	snop  }
__scs_overlays_trampoline_lowered:
0x8: {  	[smem:$0x3F98] =	sst s0  }
0x9: {  	[smem:$0x3F99] =	sst s1  }
0xa: {  	[smem:$0x3F9A] =	sst s2  }
0xb: {  	[smem:$0x3F9B] =	sst s3  }
0xc: {  	[smem:$0x3F9C] =	sst s4  }
0xd: {  	[smem:$0x3F9D] =	sst s5  }
0xe: {  	[smem:$0x3F9E] =	sst s6  }
0xf: {  	[smem:$0x3F9F] =	sst s7  }
0x10: {  	[smem:$0x3FA0] =	sst s8  }
0x11: {  	[smem:$0x3FA1] =	sst s9;
	s0 =	simm.s32 @!p0 $0x0  }
0x12: {  	s1 =	sld [smem:$0x3F87];
	s0 =	simm.s32 @p0 $0x1  }
0x13: {  	[smem:$0x3FA2] =	sst s0;
	s0 =	simm.s32 @!p1 $0x0  }
0x14: {  	s2 =	sld [smem:$0x3F86];
	s0 =	simm.s32 @p1 $0x1  }
0x15: {  	[smem:$0x3FA3] =	sst s0;
	s0 =	simm.s32 @!p2 $0x0  }
0x16: {  	s3 =	sld [smem:$0x3FDB];
	s0 =	simm.s32 @p2 $0x1  }
0x17: {  	s4 =	simm.s32 $0x1BF5;
	[smem:$0x3FA5] =	sst s0  }
0x18: {  	s0 =	sld [smem:$0x3F88];
	_ =	swait.ge [sflag:s4], $0x0  }
0x19: {  	s7 =	sld [smem:$0x3F89]  }
0x1a: {  	s8 =	sadd.s32 $0xFFFFE003, lr  }
0x1b: {  	s9 =	sadd.s32 $0xFFFFFEF7, lr;
	s5 =	simm.s32 $0xFFFFFFFF;
	p2 =	slt.u32 s8, $0xFFFFF086  }
0x1c: {  	p1 =	slt.u32 s9, $0xF7A;
	s5 =	simm.s32 @!p2 $0x0  }
0x1d: {  	s5 =	simm.s32 @p1 $0x1;
	p0 =	seq.s32 s7, s2  }
0x1e: {  	s7 =	smul.u32 @!p0 $0xF7A, s2;
	p2 =	seq.s32 @!p0 s5, $0x0  }
0x1f: {  	s9 =	smul.u32 $0xF7A, s1;
	s8 =	simm.s32 @!p0 $0x1BF5;
	p2 =	por !p2, p0  }
0x20: {  	[sflag:s8] =	ssyncset.s32 @!p0 $0xFFFFF086;
	s6 =	sadd.s32 @!p0 s3, s7;
	s7 =	simm.s32 @!p0 $0x108  }
0x21: {  	s3 =	sadd.s32 s3, s9;
	s6 =	sadd.s32 @!p0 $0x88, s6;
	s7 =	simm.s32 @p2 $0x1082  }
0x22: {  	[simem:s7], [sflag:s8] =	dma.local @!p0 [hbm:s6], $0xF7A  }
0x23: {  	s9 =	sor.u32 $0xD0000000, s2;
	s6 =	simm.s32 $0x108;
	_ =	swait.ge @!p0 [sflag:s8], $0x0  }
0x24: {  	s3 =	sadd.s32 $0x88, s3;
	s6 =	simm.s32 @!p1 $0x1082;
	[sflag:s4] =	ssyncset.s32 $0xFFFFF086  }
0x25: {  	[simem:s6], [sflag:s4] =	dma.local [hbm:s3], $0xF7A  }
0x26: {  	[smem:$0x3F89] =	sst s1;
	(tag) =	ssettag s2;
	_ =	strace s9  }
0x27: {  	s1 =	sld [smem:$0x3F99]  }
0x28: {  	s2 =	sld [smem:$0x3F9A]  }
0x29: {  	s4 =	sld [smem:$0x3F9C]  }
0x2a: {  	p0 =	seq.s32 s5, $0x0;
	s5 =	sld [smem:$0x3F9D]  }
0x2b: {  	s6 =	sld [smem:$0x3F9E]  }
0x2c: {  	s7 =	sld [smem:$0x3F9F]  }
0x2d: {  	s3 =	simm.s32 $0x108;
	s8 =	sld [smem:$0x3FA0]  }
0x2e: {  	s3 =	simm.s32 @!p0 $0x1082;
	s9 =	sld [smem:$0x3FA1]  }
0x2f: {  	lr =	sadd.s32 s0, s3;
	s0 =	sld [smem:$0x3F98]  }
0x30: {  	s3 =	sld [smem:$0x3F9B]  }
0x31: {  	[smem:$0x3FA4] =	sst s10  }
0x32: {  	s10 =	sld [smem:$0x3FA2];
	_ =	sdelay $0x3  }
0x33: {  	p0 =	seq.s32 s10, $0x1;
	s10 =	sld [smem:$0x3FA4];
	_ =	sdelay $0x3  }
0x34: {  	[smem:$0x3FA4] =	sst s10  }
0x35: {  	s10 =	sld [smem:$0x3FA3];
	_ =	sdelay $0x3  }
0x36: {  	p1 =	seq.s32 s10, $0x1;
	s10 =	sld [smem:$0x3FA4];
	_ =	sdelay $0x3  }
0x37: {  	[smem:$0x3FA4] =	sst s10  }
0x38: {  	s10 =	sld [smem:$0x3FA5]  }
0x39: {  	_ = 	snop;
	(pc) =	sbr.ind lr, $3  }
0x3a: {  	_ = 	snop  }
0x3b: {  	_ = 	snop  }
0x3c: {  	p2 =	seq.s32 s10, $0x1;
	s10 =	sld [smem:$0x3FA4]  }
0x3d: {  	_ =	shalt  }
0x3e: {  	_ =	shalt  }
0x3f: {  	_ =	shalt  }
0x40: {  	_ =	shalt  }
0x41: {  	_ =	shalt  }
0x42: {  	_ =	shalt  }
0x43: {  	_ =	shalt  }
0x44: {  	_ =	shalt  }
0x45: {  	_ =	shalt  }
0x46: {  	_ =	shalt  }
0x47: {  	_ =	shalt  }
0x48: {  	_ =	shalt  }
0x49: {  	_ =	shalt  }
0x4a: {  	_ =	shalt  }
0x4b: {  	_ =	shalt  }
0x4c: {  	_ =	shalt  }
0x4d: {  	_ =	shalt  }
0x4e: {  	_ =	shalt  }
0x4f: {  	_ =	shalt  }
0x50: {  	_ =	shalt  }
0x51: {  	_ =	shalt  }
0x52: {  	_ =	shalt  }
0x53: {  	_ =	shalt  }
0x54: {  	_ =	shalt  }
0x55: {  	_ =	shalt  }
0x56: {  	_ =	shalt  }
0x57: {  	_ =	shalt  }
0x58: {  	_ =	shalt  }
0x59: {  	_ =	shalt  }
0x5a: {  	_ =	shalt  }
0x5b: {  	_ =	shalt  }
0x5c: {  	_ =	shalt  }
0x5d: {  	_ =	shalt  }
0x5e: {  	_ =	shalt  }
0x5f: {  	_ =	shalt  }
0x60: {  	_ =	shalt  }
0x61: {  	_ =	shalt  }
0x62: {  	_ =	shalt  }
0x63: {  	_ =	shalt  }
0x64: {  	_ =	shalt  }
0x65: {  	_ =	shalt  }
0x66: {  	_ =	shalt  }
0x67: {  	_ =	shalt  }
0x68: {  	_ =	shalt  }
0x69: {  	_ =	shalt  }
0x6a: {  	_ =	shalt  }
0x6b: {  	_ =	shalt  }
0x6c: {  	_ =	shalt  }
0x6d: {  	_ =	shalt  }
0x6e: {  	_ =	shalt  }
0x6f: {  	_ =	shalt  }
0x70: {  	_ =	shalt  }
0x71: {  	_ =	shalt  }
0x72: {  	_ =	shalt  }
0x73: {  	_ =	shalt  }
0x74: {  	_ =	shalt  }
0x75: {  	_ =	shalt  }
0x76: {  	_ =	shalt  }
0x77: {  	_ =	shalt  }
0x78: {  	_ =	shalt  }
0x79: {  	_ =	shalt  }
0x7a: {  	_ =	shalt  }
0x7b: {  	_ =	shalt  }
0x7c: {  	_ =	shalt  }
0x7d: {  	_ =	shalt  }
0x7e: {  	_ =	shalt  }
0x7f: {  	_ =	shalt  }
0x80: {  	_ =	shalt  }
0x81: {  	_ =	shalt  }
0x82: {  	_ =	shalt  }
0x83: {  	_ =	shalt  }
0x84: {  	_ =	shalt  }
0x85: {  	_ =	shalt  }
0x86: {  	_ =	shalt  }
0x87: {  	_ =	shalt  }
.Lfunc_end0:
.L_simem_size_0:
called_computation_lowered:
.L_overlay_start_0:
0x88: {  	s2 =	sld [smem:$0x3FD9]  }
0x89: {  	s3 =	sld [smem:$0x3FFE];
	_ =	sdelay $0x1  }
0x8a: {  	s1 =	srdreg.scid  }
0x8b: {  	s0 =	sand.u32 $0x1, s1  }
0x8c: {  	s16 =	sshll.u32 s0, $0xA;
	s2 =	sadd.s32 s3, s2  }
0x8d: {  	s2 =	sadd.s32 s2, s16  }
0x8e: {  	[smem:$0x3FB0] =	sst s2  }
0x8f: {  	_ = 	snop  }
0x90: {  	(tm) =	ssettm $0x1  }
0x91: {  	s17 =	sld [smem:$0x3FFB];
	_ =	sdelay $0x3  }
0x92: {  	_ =	strace s17  }
0x93: {  	s2 =	sld [smem:$0x3FFC];
	_ =	sdelay $0x3  }
0x94: {  	_ =	strace s2  }
0x95: {  	s2 =	sld [smem:$0x3FFD];
	_ =	sdelay $0x3  }
0x96: {  	_ =	strace s2  }
0x97: {  	_ =	strace $0x8FFFFFFF  }
0x98: {  	s18 =	sld [smem:$0x3FDB];
	_ =	sdelay $0x1  }
0x99: {  	s19 =	simm.s32 $_scs_section_size  }
0x9a: {  	s4 =	simm.s32 $_size__tile_overlayer_lowered;
	s5 =	simm.s32 $_tile_overlayer_lowered  }
0x9b: {  	s22 =	simm.s32 $0x1BFF;
	s21 =	sshll.u32 s5, $0x1;
	s2 =	sadd.s32 s19, s18  }
0x9c: {  	s6 =	simm.s32 $0x0;
	s20 =	sshll.u32 s4, $0x1;
	s4 =	sadd.s32 s21, s2  }
0x9d: {  	[timem:s6], [sflag:s22] =	dma.local [hbm:s4], s20  }
0x9e: {  	_ =	swait.ge [sflag:s22], s20  }
0x9f: {  	s3 =	ssub.s32 $0x0, s20;
	[sflag:s22] =	ssyncset.done $0x0  }
0xa0: {  	[sflag:s22] =	ssyncadd.s32 s3;
	_ =	sdelay $0x1  }
0xa1: {  	s23 =	simm.s32 $0x1B8B  }
0xa2: {  	_ =	swait.ge [sflag:s23], $0x1  }
0xa3: {  	[sflag:s23] =	ssyncset.done $0x0  }
0xa4: {  	s25 =	simm.s32 $0x1B8E;
	s24 =	sld [smem:$0x3FFE];
	[sflag:s23] =	ssyncadd.s32 $0xFFFFFFFF  }
0xa5: {  	s26 =	simm.s32 $execute0_lowered;
	[smem:$0x3FD2] =	sst s25  }
0xa6: {  	s4 =	sshll.u32 s26, $0x1;
	_ =	strace $0x80000046;
	[dreg:$0x1] =	wrdreg $0xFFFFFFFF  }
0xa7: {  	s28 =	simm.s32 $_size_execute0_lowered;
	s2 =	sadd.s32 s2, s4;
	[dreg:$0x0] =	wrdreg $0x0  }
0xa8: {  	s4 =	sshll.u32 s28, $0x1;
	[dreg:$0x2] =	wrdreg s2  }
0xa9: {  	[dreg:$0x3] =	wrdreg s4  }
0xaa: {  	[dreg:$0x4] =	wrdreg $0xC0  }
0xab: {  	_ =	task [dreg:s6], $0x5FFFF  }
0xac: {  	[dreg:$0x1] =	wrdreg $0xFFFFFFFF  }
0xad: {  	[dreg:$0x0] =	wrdreg $0x60  }
0xae: {  	[dreg:$0x2] =	wrdreg s24  }
0xaf: {  	[dreg:$0x3] =	wrdreg $0x9  }
0xb0: {  	_ =	task.clear_ibuf [dreg:s6], $0x4FFFF;
	_ =	strace $0x90000046  }
0xb1: {  	s29 =	simm.s32 $0x9;
	_ =	strace $0x80000048  }
0xb2: {  	_ =	swait.ge [sflag:s29], $0x1  }
0xb3: {  	[sflag:s29] =	ssyncadd.s32 $0xFFFFFFFF  }
0xb4: {  	_ =	strace $0x90000048  }
0xb5: {  	_ =	sfence  }
0xb6: {  	s30 =	sld [smem:$0x0];
	_ =	sdelay $0x2  }
0xb7: {  	s31 =	sshll.u32 s1, $0xD;
	s1 =	sshrl.u32 s1, $0x2  }
0xb8: {  	s3 =	sand.u32 $0x4000, s31;
	s1 =	sadd.s32 s1, s30  }
0xb9: {  	s0 =	sor.u32 s3, s0;
	s1 =	sshll.u32 s1, $0x11  }
0xba: {  	s0 =	sor.u32 s1, s0  }
0xbb: {  	s0 =	sadd.s32 $0x8F2B, s0  }
0xbc: {  	[sflag:s0] =	ssyncadd.remote.s32 $0x1  }
0xbd: {  	_ =	sfence.sel $0xFFFF  }
0xbe: {  	[dreg:$0x0] =	wrdreg $0xFFFFFFFF;
	(pc) =	sbr.abs _section_cstart, $3  }
0xbf: {  	[dreg:$0x1] =	wrdreg $0xFFFFFFFF  }
0xc0: {  	_ =	task.clear_ibuf [dreg:s6], $0x2FFFF;
	_ =	strace $0x9FFFFFFF  }
0xc1: {  	(tm) =	ssettm $0x7FFFFFFF  }
tec
execute0_lowered:
.L_overlay_start_1:
0x0: {  	(tag) =	ssettag $0x1  }
0x1: {  	s5 =	rddreg [dreg:$0x0]  }
0x2: {  	s0 =	rddreg [dreg:$0x1]  }
0x3: {  	s3 =	srdreg.scid;
	s1 =	stileid.u32;
	s2 =	simm.s32 $0x0  }
0x4: {  	s12 =	simm.s32 $0x100;
	s13 =	simm.s32 $0x900;
	s14 =	simm.s32 $0x1100  }
0x5: {  	s15 =	simm.s32 $0x1900;
	s16 =	simm.s32 $0x2100;
	s17 =	simm.s32 $0x2900  }
0x6: {  	s18 =	simm.s32 $0x3100;
	s19 =	simm.s32 $0x3900;
	s20 =	simm.s32 $0x4100  }
0x7: {  	s21 =	simm.s32 $0x4900;
	s22 =	simm.s32 $0x50;
	s4 =	smul.u32 $0x5000, s1  }
0x8: {  	s23 =	simm.s32 $0x5100;
	s24 =	simm.s32 $0x1;
	s8 =	smul.u32 $0xA0000, s1  }
0x9: {  	s25 =	simm.s32 $0x0;
	s6 =	sand.u32 $0x1, s3;
	s9 =	smul.u32 $0x50000, s1  }
0xa: {  	[smem:$0x7FF] =	sst s2;
	s3 =	sadd.s32 $0x24600, s5;
	s7 =	smul.u32 $0x2800, s6  }
0xb: {  	_ =	strace $0x80000047;
	s10 =	smul.u32 $0x28000, s6;
	s29 =	ssub.s32 $0x2, s6  }
0xc: {  	s6 =	smul.u32 $0x50000, s6;
	s8 =	sadd.s32 s8, s5;
	s7 =	sadd.s32 s7, s4  }
0xd: {  	s30 =	sshrl.u32 s29, $0x1;
	s4 =	sadd.s32 $0x72800, s5;
	s7 =	sshrl.u32 s7, $0x3  }
0xe: {  	s11 =	sadd.s32 s7, s5;
	s5 =	sadd.s32 s9, s5;
	s7 =	ssub.s32 s29, s30  }
0xf: {  	v2 =	vlaneseq.u32;
	s8 =	sadd.s32 s6, s8;
	s31 =	sadd.s32 s10, s5;
	s5 =	smax.u32 s7, $0x1  }
0x10: {  	vm0 =	vmmov $0xffff;
	v1 =	vshrl.u32 v2, $0x3;
	s7 =	sadd.s32 $0x59A400, s8;
	s8 =	sadd.s32 $0x6600, s11;
	s9 =	sadd.s32 $0x10600, s11  }
0x11: {  	v0 =	vand.u32 $0x7, v2;
	v2 =	vor.u32 $0x8, v2;
	v1 =	vmul.u32 $0x8, v1;
	s10 =	simm.s32 $0x2;
	s11 =	simm.s32 $0x80;
	s6 =	sadd.s32 $0x9A400, s31  }
.LBB2_1:
0x12: {  	s26 =	smov.u32 s7;
	s28 =	smov.u32 s6;
	s29 =	simm.s32 $0x0  }
.LBB2_2:
0x13: {  	s30 =	sadd.s32 s29, s9  }
0x14: {  	[tilespmem:s2], [sflag:$0x2] =	stream.linear.gather [hbm4b:s30+s2], $0x50, $0x38;
	[tilespmem:$0x7900] =	vst v63  }
0x15: {  	_ =	swait.ge [sflag:s10], $0x50  }
0x16: {  	[sflag:s10] =	ssyncset.done $0x0  }
0x17: {  	s31 =	sadd.s32 s29, s8;
	[sflag:s10] =	ssyncadd.s32 $0xFFFFFFB0  }
0x18: {  	[tilespmem:s11], [sflag:$0x2] =	stream.linear.gather [hbm4b:s31+s2], $0x50, $0x38;
	[tilespmem:$0x7900] =	vst v63  }
0x19: {  	_ =	swait.ge [sflag:s10], $0x50  }
0x1a: {  	[sflag:s10] =	ssyncset.done $0x0  }
0x1b: {  	[sflag:s10] =	ssyncadd.s32 $0xFFFFFFB0  }
0x1c: {  	v3 =	vld [tilespmem:$0x0];
	_ =	sdelay $0x4  }
0x1d: {  	v4 =	vshll.u32 v3, $0x1  }
0x1e: {  	v3 =	vand.u32 $0x7, v3;
	v4 =	vand.u32 $0xFFFFFFF0, v4  }
0x1f: {  	v3 =	vor.u32 v3, v4  }
0x20: {  	v4 =	vperm.xlane v3, v0;
	_ =	sdelay $0x1  }
0x21: {  	v3 =	vperm.xlane v3, v2;
	v4 =	vadd.s32 v1, v4;
	_ =	sdelay $0x1  }
0x22: {  	v3 =	vadd.s32 v1, v3;
	_ =	sdelay $0x2  }
0x23: {  	[tilespmem:s12], [sflag:$0x1] =	stream.indirect_vreg.gather [hbm4b:s3+s2], $0x80, v4, vm0, $0xb8;
	[tilespmem:$0x7900] =	vst v63  }
0x24: {  	_ = 	snop  }
0x25: {  	[tilespmem:s13], [sflag:$0x1] =	stream.indirect_vreg.gather [hbm4b:s3+s2], $0x80, v3, vm0, $0xb8;
	[tilespmem:$0x7900] =	vst v63  }
0x26: {  	v3 =	vld [tilespmem:$0x10];
	_ =	sdelay $0x4  }
0x27: {  	v60 =	vshll.u32 v3, $0x1  }
0x28: {  	v3 =	vand.u32 $0x7, v3;
	v4 =	vand.u32 $0xFFFFFFF0, v60  }
0x29: {  	v3 =	vor.u32 v3, v4  }
0x2a: {  	v4 =	vperm.xlane v3, v0;
	_ =	sdelay $0x1  }
0x2b: {  	v3 =	vperm.xlane v3, v2;
	v4 =	vadd.s32 v1, v4;
	_ =	sdelay $0x1  }
0x2c: {  	v3 =	vadd.s32 v1, v3;
	_ =	sdelay $0x2  }
0x2d: {  	[tilespmem:s14], [sflag:$0x1] =	stream.indirect_vreg.gather [hbm4b:s3+s2], $0x80, v4, vm0, $0xb8;
	[tilespmem:$0x7900] =	vst v63  }
0x2e: {  	_ = 	snop  }
0x2f: {  	[tilespmem:s15], [sflag:$0x1] =	stream.indirect_vreg.gather [hbm4b:s3+s2], $0x80, v3, vm0, $0xb8;
	[tilespmem:$0x7900] =	vst v63  }
0x30: {  	v3 =	vld [tilespmem:$0x20];
	_ =	sdelay $0x4  }
0x31: {  	v61 =	vshll.u32 v3, $0x1  }
0x32: {  	v3 =	vand.u32 $0x7, v3;
	v4 =	vand.u32 $0xFFFFFFF0, v61  }
0x33: {  	v3 =	vor.u32 v3, v4  }
0x34: {  	v4 =	vperm.xlane v3, v0;
	_ =	sdelay $0x1  }
0x35: {  	v3 =	vperm.xlane v3, v2;
	v4 =	vadd.s32 v1, v4;
	_ =	sdelay $0x1  }
0x36: {  	v3 =	vadd.s32 v1, v3;
	_ =	sdelay $0x2  }
0x37: {  	[tilespmem:s16], [sflag:$0x1] =	stream.indirect_vreg.gather [hbm4b:s3+s2], $0x80, v4, vm0, $0xb8;
	[tilespmem:$0x7900] =	vst v63  }
0x38: {  	_ = 	snop  }
0x39: {  	[tilespmem:s17], [sflag:$0x1] =	stream.indirect_vreg.gather [hbm4b:s3+s2], $0x80, v3, vm0, $0xb8;
	[tilespmem:$0x7900] =	vst v63  }
0x3a: {  	v3 =	vld [tilespmem:$0x30];
	_ =	sdelay $0x4  }
0x3b: {  	v62 =	vshll.u32 v3, $0x1  }
0x3c: {  	v3 =	vand.u32 $0x7, v3;
	v4 =	vand.u32 $0xFFFFFFF0, v62  }
0x3d: {  	v3 =	vor.u32 v3, v4  }
0x3e: {  	v4 =	vperm.xlane v3, v0;
	_ =	sdelay $0x1  }
0x3f: {  	v3 =	vperm.xlane v3, v2;
	v4 =	vadd.s32 v1, v4;
	_ =	sdelay $0x1  }
0x40: {  	v3 =	vadd.s32 v1, v3;
	_ =	sdelay $0x2  }
0x41: {  	[tilespmem:s18], [sflag:$0x1] =	stream.indirect_vreg.gather [hbm4b:s3+s2], $0x80, v4, vm0, $0xb8;
	[tilespmem:$0x7900] =	vst v63  }
0x42: {  	_ = 	snop  }
0x43: {  	[tilespmem:s19], [sflag:$0x1] =	stream.indirect_vreg.gather [hbm4b:s3+s2], $0x80, v3, vm0, $0xb8;
	[tilespmem:$0x7900] =	vst v63  }
0x44: {  	v3 =	vld [tilespmem:$0x40];
	_ =	sdelay $0x4  }
0x45: {  	v63 =	vshll.u32 v3, $0x1  }
0x46: {  	v3 =	vand.u32 $0x7, v3;
	v4 =	vand.u32 $0xFFFFFFF0, v63  }
0x47: {  	v3 =	vor.u32 v3, v4  }
0x48: {  	v4 =	vperm.xlane v3, v0;
	_ =	sdelay $0x1  }
0x49: {  	v3 =	vperm.xlane v3, v2;
	v4 =	vadd.s32 v1, v4;
	_ =	sdelay $0x1  }
0x4a: {  	v3 =	vadd.s32 v1, v3;
	_ =	sdelay $0x2  }
0x4b: {  	[tilespmem:s20], [sflag:$0x1] =	stream.indirect_vreg.gather [hbm4b:s3+s2], $0x80, v4, vm0, $0xb8;
	[tilespmem:$0x7900] =	vst v63  }
0x4c: {  	_ = 	snop  }
0x4d: {  	[tilespmem:s21], [sflag:$0x1] =	stream.indirect_vreg.gather [hbm4b:s3+s2], $0x80, v3, vm0, $0xb8;
	[tilespmem:$0x7900] =	vst v63  }
0x4e: {  	_ = 	snop  }
0x4f: {  	[tilespmem:s23], [sflag:$0x1] =	stream.indirect.gather [hbm4b:s4+s22], $0x80, s11, s22, $0xb8;
	[tilespmem:$0x7900] =	vst v63  }
0x50: {  	_ =	swait.ge [sflag:s24], $0x5000  }
0x51: {  	[sflag:s24] =	ssyncset.done $0x0  }
0x52: {  	[sflag:s24] =	ssyncadd.s32 $0xFFFFB000  }
0x53: {  	_ =	swait.ge [sflag:s24], $0x2800  }
0x54: {  	[sflag:s24] =	ssyncset.done $0x0  }
0x55: {  	[sflag:s24] =	ssyncadd.s32 $0xFFFFD800  }
0x56: {  	[hbm4b:s26+s2] =	stream.linear.scatter [tilespmem:s12], [sflag:$0x2], $0x5000, $0x38;
	[tilespmem:$0x7900] =	vst v63  }
0x57: {  	_ =	swait.ge [sflag:s10], $0x5000  }
0x58: {  	p0 =	sne.s32 s29, $0x4F6;
	[sflag:s10] =	ssyncset.done $0x0  }
.Ltmp0:
0x59: {  	[sflag:s10] =	ssyncadd.s32 $0xFFFFB000;
	(pc) =	sbr.rel @p0 .LBB2_2-.Ltmp0, $4  }
0x5a: {  	[hbm4b:s28+s2] =	stream.linear.scatter [tilespmem:s23], [sflag:$0x2], $0x2800, $0x38;
	[tilespmem:$0x7900] =	vst v63  }
0x5b: {  	_ =	swait.ge [sflag:s10], $0x2800  }
0x5c: {  	s29 =	sadd.s32 $0xA, s29;
	[sflag:s10] =	ssyncset.done $0x0  }
0x5d: {  	s26 =	sadd.s32 $0xA00, s26;
	s28 =	sadd.s32 $0x500, s28;
	[sflag:s10] =	ssyncadd.s32 $0xFFFFD800  }
0x5e: {  	s25 =	sadd.s32 $0x1, s25  }
0x5f: {  	p0 =	sne.s32 s25, s5  }
.Ltmp1:
0x60: {  	_ = 	snop;
	(pc) =	sbr.rel @p0 .LBB2_1-.Ltmp1, $1  }
0x61: {  	_ =	sdelay $0x3  }
0x62: {  	_ =	sfence.sel $0x180000  }
0x63: {  	[bflag:$0x0] =	sbarrier.arrive $0xFFFF  }
0x64: {  	p0 =	sne.s32 s1, $0x0;
	_ =	strace $0x90000047  }
0x65: {  	s0 =	sadd.s32 @!p0 $0x100000, s0;
	[bflag:$0x2] =	sbarrier.arrive $0xFFFF  }
0x66: {  	[sflag:s0] =	ssyncadd.tile.s32 @!p0 $0x1;
	_ =	shalt  }
.Lfunc_end2:
_tile_overlayer_lowered:
.L_overlay_start_2:
0x67: {  	(tag) =	ssettag $0x2  }
0x68: {  	s0 =	rddreg [dreg:$0x0];
	s2 =	stileid.u32  }
0x69: {  	s1 =	rddreg [dreg:$0x1];
	p0 =	sne.s32 s2, $0x0  }
0x6a: {  	s3 =	rddreg [dreg:$0x2];
	[bflag:$0x3] =	sbarrier.arrive $0xFFFF;
	s2 =	simm.s32 @!p0 $0x1C02  }
0x6b: {  	[timem:s3], [sflag:s2] =	dma.local @!p0 [hbm:s0], s1  }
0x6c: {  	s0 =	simm.s32 @!p0 $0x2  }
0x6d: {  	_ =	swait.ge @!p0 [sflag:s0], s1  }
0x6e: {  	s1 =	ssub.s32 @!p0 $0x0, s1;
	[sflag:s0] =	ssyncset.done @!p0 $0x0  }
0x6f: {  	[sflag:s0] =	ssyncadd.s32 @!p0 s1  }
0x70: {  	[bflag:$0x3] =	sbarrier.arrive $0xFFFF  }
0x71: {  	_ =	shalt  }

</sc_bundles>
